<compile_context>
chip_gen: v7x
topology: tpu7x:2x2x1
jax: 0.10.2.dev20260603
libtpu: 0.0.44.dev20260713+nightly
codegen_flags: <defaults>
</compile_context>

<pallas_src>
import functools

import jax
import jax.numpy as jnp
from jax import lax
from jax.experimental import pallas as pl
from jax.experimental.pallas import tpu as pltpu
from jax.experimental.pallas import tpu_sc as plsc

E = 8
TOP_K = 2
DIM = 768
HID = 512
NTOK = 2048
NP = NTOK * TOP_K
LANES = 128
BLK = 256
S = NP + E * BLK
NBLK_R = S // BLK
NBLK_S = NTOK // BLK

NC, NS = 2, 16
NW = NC * NS


def _router_body(xf_ref, rwt_ref, bias_ref, pos_ref, xs_ref, bmap_ref):
    f32 = jnp.float32
    xf = xf_ref[...]
    logits = jnp.dot(xf, rwt_ref[...], preferred_element_type=f32)
    lane = lax.broadcasted_iota(jnp.int32, (NTOK, LANES), 1)
    valid = lane < E
    neg = f32(-1e30)
    logits = jnp.where(valid, logits, neg)
    m = jnp.max(logits, axis=1, keepdims=True)
    p = jnp.where(valid, jnp.exp(logits - m), 0.0)
    scores = p / jnp.sum(p, axis=1, keepdims=True)

    biased = jnp.where(valid, scores + bias_ref[...], neg)
    m0 = jnp.max(biased, axis=1, keepdims=True)
    sel0 = jnp.min(jnp.where(biased == m0, lane, LANES), axis=1, keepdims=True)
    oh0 = lane == sel0
    biased2 = jnp.where(oh0, neg, biased)
    m1 = jnp.max(biased2, axis=1, keepdims=True)
    sel1 = jnp.min(jnp.where(biased2 == m1, lane, LANES), axis=1, keepdims=True)
    oh1 = lane == sel1
    s0 = jnp.sum(jnp.where(oh0, scores, 0.0), axis=1, keepdims=True)
    s1 = jnp.sum(jnp.where(oh1, scores, 0.0), axis=1, keepdims=True)
    nrm = s0 + s1 + 1e-20
    xs_ref[:NTOK, :] = xf * (s0 / nrm)
    xs_ref[NTOK:, :] = xf * (s1 / nrm)

    onehot = jnp.concatenate([oh0.astype(f32), oh1.astype(f32)], axis=0)
    r = lax.broadcasted_iota(jnp.int32, (LANES, LANES), 0)
    c = lax.broadcasted_iota(jnp.int32, (LANES, LANES), 1)
    tri = (r >= c).astype(f32)
    run = jnp.zeros((1, LANES), f32)
    rank_parts = []
    for i in range(NP // LANES):
        och = onehot[i * LANES:(i + 1) * LANES]
        cch = jnp.dot(tri, och, preferred_element_type=f32) + run
        rank_parts.append(jnp.sum(cch * och, axis=1, keepdims=True) - 1.0)
        run = run + jnp.sum(och, axis=0, keepdims=True)
    counts = run
    aligned = jnp.ceil(counts / BLK) * BLK
    upper = (r < c).astype(f32)
    base = jnp.dot(aligned, upper, preferred_element_type=f32)
    rank = jnp.concatenate(rank_parts, axis=0)
    base_p = jnp.sum(onehot * base, axis=1, keepdims=True)
    pos_ref[...] = (base_p + rank).astype(jnp.int32)

    base_blk = base / BLK
    bidx = lax.broadcasted_iota(jnp.int32, (NBLK_R + 1, LANES), 0).astype(f32)
    elane = lax.broadcasted_iota(jnp.int32, (NBLK_R + 1, LANES), 1)
    contrib = (bidx >= base_blk) & (elane >= 1) & (elane < E)
    bmap = jnp.sum(contrib.astype(f32), axis=1, keepdims=True)
    nact = jnp.sum(jnp.where(elane == E, base_blk, 0.0), axis=1, keepdims=True)
    brow = lax.broadcasted_iota(jnp.int32, (NBLK_R + 1, 1), 0)
    bmap_ref[...] = jnp.where(brow < NBLK_R, bmap, nact).astype(jnp.int32)


_router = pl.pallas_call(
    _router_body,
    out_shape=[
        jax.ShapeDtypeStruct((NP, 1), jnp.int32),
        jax.ShapeDtypeStruct((NP, DIM), jnp.float32),
        jax.ShapeDtypeStruct((NBLK_R + 1, 1), jnp.int32),
    ],
)


PPT = NP // NW


HPT = PPT // 2


def _dispatch_body(pos_hbm, xs_hbm, rows_hbm, idx_v, buf_v, sem0, sem1):
    wid = lax.axis_index("s") * NC + lax.axis_index("c")
    pbase = wid * PPT
    c0 = pltpu.async_copy(pos_hbm.at[pl.ds(pbase, HPT)], idx_v.at[0], sem0)
    c1 = pltpu.async_copy(pos_hbm.at[pl.ds(pbase + HPT, HPT)],
                          idx_v.at[1], sem1)
    r0 = pltpu.async_copy(xs_hbm.at[pl.ds(pbase, HPT)],
                          buf_v.at[pl.ds(0, HPT)], sem0)
    r1 = pltpu.async_copy(xs_hbm.at[pl.ds(pbase + HPT, HPT)],
                          buf_v.at[pl.ds(HPT, HPT)], sem1)
    c0.wait()
    r0.wait()
    s0 = pltpu.async_copy(buf_v.at[pl.ds(0, HPT)],
                          rows_hbm.at[idx_v.at[0]], sem0)
    c1.wait()
    r1.wait()
    s1 = pltpu.async_copy(buf_v.at[pl.ds(HPT, HPT)],
                          rows_hbm.at[idx_v.at[1]], sem1)
    s0.wait()
    s1.wait()


@functools.cache
def _dispatch():
    return pl.kernel(
        _dispatch_body,
        out_type=jax.ShapeDtypeStruct((S, DIM), jnp.float32),
        mesh=plsc.VectorSubcoreMesh(core_axis_name="c", subcore_axis_name="s",
                                    num_cores=NC, num_subcores=NS),
        scratch_types=[
            pltpu.VMEM((2, HPT), jnp.int32),
            pltpu.VMEM((PPT, DIM), jnp.float32),
            pltpu.SemaphoreType.DMA,
            pltpu.SemaphoreType.DMA,
        ],
        compiler_params=pltpu.CompilerParams(needs_layout_passes=False),
    )


def _ffn_r_body(bmap_ref, rows_ref, w1_ref, w3_ref, w2_ref, out_ref):
    f32 = jnp.float32
    i = pl.program_id(0)

    @pl.when(i < bmap_ref[NBLK_R])
    def _():
        xin = rows_ref[...]
        a = jnp.dot(xin, w1_ref[0], preferred_element_type=f32)
        b = jnp.dot(xin, w3_ref[0], preferred_element_type=f32)
        h = a * jax.nn.sigmoid(a) * b
        out_ref[...] = jnp.dot(h, w2_ref[0], preferred_element_type=f32)


_ffn_r = pl.pallas_call(
    _ffn_r_body,
    grid_spec=pltpu.PrefetchScalarGridSpec(
        num_scalar_prefetch=1,
        grid=(NBLK_R,),
        in_specs=[
            pl.BlockSpec((BLK, DIM), lambda i, bm: (i, 0)),
            pl.BlockSpec((1, DIM, HID), lambda i, bm: (bm[i], 0, 0)),
            pl.BlockSpec((1, DIM, HID), lambda i, bm: (bm[i], 0, 0)),
            pl.BlockSpec((1, HID, DIM), lambda i, bm: (bm[i], 0, 0)),
        ],
        out_specs=pl.BlockSpec((BLK, DIM), lambda i, bm: (i, 0)),
    ),
    out_shape=jax.ShapeDtypeStruct((S, DIM), jnp.float32),
)


def _ffn_s_body(xf_ref, ws1_ref, ws3_ref, ws2_ref, out_ref):
    f32 = jnp.float32
    xin = xf_ref[...]
    dn = (((1,), (1,)), ((), ()))
    a = lax.dot_general(xin, ws1_ref[...], dn, preferred_element_type=f32)
    b = lax.dot_general(xin, ws3_ref[...], dn, preferred_element_type=f32)
    h = a * jax.nn.sigmoid(a) * b
    out_ref[...] = lax.dot_general(h, ws2_ref[...], dn,
                                   preferred_element_type=f32)


_ffn_s = pl.pallas_call(
    _ffn_s_body,
    grid=(NBLK_S,),
    in_specs=[
        pl.BlockSpec((BLK, DIM), lambda i: (i, 0)),
        pl.BlockSpec((HID, DIM), lambda i: (0, 0)),
        pl.BlockSpec((HID, DIM), lambda i: (0, 0)),
        pl.BlockSpec((DIM, HID), lambda i: (0, 0)),
    ],
    out_specs=pl.BlockSpec((BLK, DIM), lambda i: (i, 0)),
    out_shape=jax.ShapeDtypeStruct((NTOK, DIM), jnp.float32),
)


TPT = NTOK // NW
CCH = 16
NCH = TPT // CCH


def _combine_body(big_hbm, sh_hbm, pos_hbm, out_hbm,
                  pos0_v, pos1_v, idx_a, idx_b, bufs_a, bufs_b, bufs_c,
                  sem0, sem1):
    wid = lax.axis_index("s") * NC + lax.axis_index("c")
    tbase = wid * TPT
    pltpu.sync_copy(pos_hbm.at[pl.ds(tbase, TPT)], pos0_v)
    pltpu.sync_copy(pos_hbm.at[pl.ds(NTOK + tbase, TPT)], pos1_v)
    sems = (sem0, sem1)

    def fire(ci):
        d = ci % 2
        sl = pl.ds(d * CCH, CCH)
        idx_a[sl] = pos0_v[pl.ds(ci * CCH, CCH)]
        idx_b[sl] = pos1_v[pl.ds(ci * CCH, CCH)]
        sem = sems[d]
        return (
            pltpu.async_copy(big_hbm.at[idx_a.at[sl]], bufs_a.at[d], sem),
            pltpu.async_copy(big_hbm.at[idx_b.at[sl]], bufs_b.at[d], sem),
            pltpu.async_copy(sh_hbm.at[pl.ds(tbase + ci * CCH, CCH)],
                             bufs_c.at[d], sem),
        )

    cps = fire(0)
    for ci in range(NCH):
        nxt = fire(ci + 1) if ci + 1 < NCH else None
        for c in cps:
            c.wait()
        d = ci % 2
        buf_a, buf_b, buf_c = bufs_a.at[d], bufs_b.at[d], bufs_c.at[d]

        def row_body(rr, carry):
            def col_body(k, carry2):
                for u in range(3):
                    sl = pl.ds((k * 3 + u) * 16, 16)
                    buf_a[rr, sl] = buf_a[rr, sl] + buf_b[rr, sl] + buf_c[rr, sl]
                return carry2
            lax.fori_loop(0, DIM // 48, col_body, 0)
            return carry
        lax.fori_loop(0, CCH, row_body, 0)
        pltpu.sync_copy(buf_a, out_hbm.at[pl.ds(tbase + ci * CCH, CCH)])
        cps = nxt


@functools.cache
def _combine():
    return pl.kernel(
        _combine_body,
        out_type=jax.ShapeDtypeStruct((NTOK, DIM), jnp.float32),
        mesh=plsc.VectorSubcoreMesh(core_axis_name="c", subcore_axis_name="s",
                                    num_cores=NC, num_subcores=NS),
        scratch_types=[
            pltpu.VMEM((TPT,), jnp.int32),
            pltpu.VMEM((TPT,), jnp.int32),
            pltpu.VMEM((2 * CCH,), jnp.int32),
            pltpu.VMEM((2 * CCH,), jnp.int32),
            pltpu.VMEM((2, CCH, DIM), jnp.float32),
            pltpu.VMEM((2, CCH, DIM), jnp.float32),
            pltpu.VMEM((2, CCH, DIM), jnp.float32),
            pltpu.SemaphoreType.DMA,
            pltpu.SemaphoreType.DMA,
        ],
        compiler_params=pltpu.CompilerParams(needs_layout_passes=False),
    )


@jax.jit
def kernel(x, router_w, w1, w2, w3, ws1, ws2, ws3, expert_bias):
    f32 = jnp.float32
    xf = x.reshape(NTOK, DIM).astype(f32)
    rwt = jnp.zeros((DIM, LANES), f32).at[:, :E].set(router_w.T)
    biasp = jnp.zeros((1, LANES), f32).at[0, :E].set(expert_bias)

    pos2, xs, bmap2 = _router(xf, rwt, biasp)
    pos = pos2.reshape(NP)
    rows = _dispatch()(pos, xs)

    shared = _ffn_s(xf, ws1, ws3, ws2)
    big = _ffn_r(bmap2.reshape(NBLK_R + 1), rows, w1, w3, w2)

    out = _combine()(big, shared, pos)
    return out.reshape(1, NTOK, DIM)

# --- scband reference (transcript-rebuilt; emitter-appended) ---
"""Pipeline reference for scband-mo-e-14293651161236 (READ-ONLY COPY).

The authoritative reference and input builder live on the scoring server;
editing this copy changes nothing except your own understanding.
"""

import jax, jax.numpy as jnp
import numpy as np

E = 8
TOP_K = 2
DIM = 768
HID = 512
BS = 1
SLEN = 2048


def setup_inputs(seed: int = 0) -> dict:
    key = jax.random.key(seed)
    ks = jax.random.split(key, 9)
    x = jax.random.normal(ks[0], (BS, SLEN, DIM), dtype=jnp.float32)
    router_w = jax.random.normal(ks[1], (E, DIM), dtype=jnp.float32) * 0.02
    w1 = jax.random.normal(ks[2], (E, DIM, HID), dtype=jnp.float32) * 0.02
    w2 = jax.random.normal(ks[3], (E, HID, DIM), dtype=jnp.float32) * 0.02
    w3 = jax.random.normal(ks[4], (E, DIM, HID), dtype=jnp.float32) * 0.02
    ws1 = jax.random.normal(ks[5], (HID, DIM), dtype=jnp.float32) * 0.02
    ws2 = jax.random.normal(ks[6], (DIM, HID), dtype=jnp.float32) * 0.02
    ws3 = jax.random.normal(ks[7], (HID, DIM), dtype=jnp.float32) * 0.02
    expert_bias = jnp.zeros((E,), dtype=jnp.float32)
    return {"x": x, "router_w": router_w, "w1": w1, "w2": w2, "w3": w3,
            "ws1": ws1, "ws2": ws2, "ws3": ws3, "expert_bias": expert_bias}


def reference(x, router_w, w1, w2, w3, ws1, ws2, ws3, expert_bias):
    bs, slen, dim = x.shape
    xf = x.reshape(-1, dim)
    # --- TokenChoiceTopKRouter (softmax score, route_norm, expert_bias for selection only) ---
    logits = xf @ router_w.T
    scores = jax.nn.softmax(logits.astype(jnp.float32), axis=-1)
    _, sel = jax.lax.top_k(scores + expert_bias[None, :], TOP_K)
    top_scores = jnp.take_along_axis(scores, sel, axis=1)
    top_scores = top_scores / (jnp.sum(top_scores, axis=-1, keepdims=True) + 1e-20)
    top_scores = top_scores * 1.0  # route_scale
    num_tokens_per_expert = jnp.bincount(sel.reshape(-1), length=E)
    # --- TokenReorderer: stable sort token-expert pairs by expert id ---
    flat_sel = sel.reshape(-1)
    perm = jnp.argsort(flat_sel, stable=True)  # token_indices_experts_sorted
    scores_sorted = top_scores.reshape(-1)[perm]
    routed_in = xf[perm // TOP_K]
    # score_before_experts = True
    routed_in = routed_in * scores_sorted[:, None]
    expert_sorted = flat_sel[perm]
    # --- GroupedExperts (SwiGLU per expert); masked per-expert matmuls are
    # mathematically identical to grouped segment matmuls ---
    routed_out = jnp.zeros_like(routed_in)
    for e in range(E):
        h = jax.nn.silu(routed_in @ w1[e]) * (routed_in @ w3[e])
        o = h @ w2[e]
        routed_out = routed_out + o * (expert_sorted == e)[:, None].astype(o.dtype)
    # --- scatter back to token order and combine top_k ---
    unsorted = jnp.zeros((bs * slen * TOP_K, dim), dtype=x.dtype).at[perm].set(routed_out)
    out_experts = unsorted.reshape(bs * slen, TOP_K, dim).sum(axis=1)
    # --- shared expert (num_shared_experts=1) ---
    shared = (jax.nn.silu(xf @ ws1.T) * (xf @ ws3.T)) @ ws2.T
    out = shared + out_experts
    return out.reshape(bs, slen, dim)

if __name__ == "__main__":
    import jax
    _d = setup_inputs()
    print(jax.jit(kernel)(*tuple(_d.values())))

</pallas_src>

<mosaic_0001>
#map = affine_map<(d0, d1) -> (0)>
#map1 = affine_map<(d0, d1) -> (0, 0)>
module attributes {stable_mosaic.version = 14 : i64} {
  func.func @_dispatch_body(%arg0: i32, %arg1: i32, %arg2: memref<4096xi32, #tpu.memory_space<hbm>>, %arg3: memref<4096x768xf32, #tpu.memory_space<hbm>>, %arg4: memref<6144x768xf32, #tpu.memory_space<hbm>>, %arg5: memref<2x64xi32, #tpu.memory_space<vmem>>, %arg6: memref<128x768xf32, #tpu.memory_space<vmem>>, %arg7: memref<!tpu.dma_semaphore, #tpu.memory_space<semaphore_mem>>, %arg8: memref<!tpu.dma_semaphore, #tpu.memory_space<semaphore_mem>>) attributes {dimension_semantics = [#tpu.dimension_semantics<core_parallel>, #tpu.dimension_semantics<subcore_parallel>], iteration_bounds = array<i64: 2, 16>, scalar_prefetch = 0 : i64, scratch_operands = 4 : i64, tpu.core_type = #tpu.core_type<sc_vector_subcore>, window_params = [{transform_indices = #map}, {transform_indices = #map1}, {transform_indices = #map1}]} {
    %mul3A = arith.constant 2 : i32
    %mul3A_0 = arith.muli %arg1, %mul3A : i32
    %add3A = arith.addi %mul3A_0, %arg0 : i32
    %mul3A_1 = arith.constant 128 : i32
    %mul3A_2 = arith.muli %add3A, %mul3A_1 : i32
    %dma_start3A = arith.constant 0 : i32
    %dma_start3A_3 = arith.constant 0 : i32
    %dma_start3A_4 = tpu.memref_slice %arg5[%dma_start3A, %dma_start3A_3] : memref<2x64xi32, #tpu.memory_space<vmem>> -> memref<1x64xi32, #tpu.memory_space<vmem>>
    %dma_start3A_5 = tpu.memref_squeeze %dma_start3A_4 : memref<1x64xi32, #tpu.memory_space<vmem>> -> memref<64xi32, #tpu.memory_space<vmem>>
    %dma_start3A_6 = tpu.memref_slice %arg2[%mul3A_2] : memref<4096xi32, #tpu.memory_space<hbm>> -> memref<64xi32, #tpu.memory_space<hbm>>
    %dma_start3A_7 = arith.constant 0 : i32
    %dma_start3A_8 = tpu.memref_slice %arg5[%dma_start3A, %dma_start3A_7] : memref<2x64xi32, #tpu.memory_space<vmem>> -> memref<1x64xi32, #tpu.memory_space<vmem>>
    %dma_start3A_9 = tpu.memref_squeeze %dma_start3A_8 : memref<1x64xi32, #tpu.memory_space<vmem>> -> memref<64xi32, #tpu.memory_space<vmem>>
    %dma_start3A_10 = tpu.memref_slice %arg2[%mul3A_2] : memref<4096xi32, #tpu.memory_space<hbm>> -> memref<64xi32, #tpu.memory_space<hbm>>
    tpu.enqueue_dma source(%dma_start3A_10 : memref<64xi32, #tpu.memory_space<hbm>>) target(%dma_start3A_9 : memref<64xi32, #tpu.memory_space<vmem>>) target_semaphore(%arg7 : memref<!tpu.dma_semaphore, #tpu.memory_space<semaphore_mem>>)
    %add3A_11 = arith.constant 64 : i32
    %add3A_12 = arith.addi %mul3A_2, %add3A_11 : i32
    %dma_start3A_13 = arith.constant 1 : i32
    %dma_start3A_14 = arith.constant 0 : i32
    %dma_start3A_15 = tpu.memref_slice %arg5[%dma_start3A_13, %dma_start3A_14] : memref<2x64xi32, #tpu.memory_space<vmem>> -> memref<1x64xi32, #tpu.memory_space<vmem>>
    %dma_start3A_16 = tpu.memref_squeeze %dma_start3A_15 : memref<1x64xi32, #tpu.memory_space<vmem>> -> memref<64xi32, #tpu.memory_space<vmem>>
    %dma_start3A_17 = tpu.memref_slice %arg2[%add3A_12] : memref<4096xi32, #tpu.memory_space<hbm>> -> memref<64xi32, #tpu.memory_space<hbm>>
    %dma_start3A_18 = arith.constant 0 : i32
    %dma_start3A_19 = tpu.memref_slice %arg5[%dma_start3A_13, %dma_start3A_18] : memref<2x64xi32, #tpu.memory_space<vmem>> -> memref<1x64xi32, #tpu.memory_space<vmem>>
    %dma_start3A_20 = tpu.memref_squeeze %dma_start3A_19 : memref<1x64xi32, #tpu.memory_space<vmem>> -> memref<64xi32, #tpu.memory_space<vmem>>
    %dma_start3A_21 = tpu.memref_slice %arg2[%add3A_12] : memref<4096xi32, #tpu.memory_space<hbm>> -> memref<64xi32, #tpu.memory_space<hbm>>
    tpu.enqueue_dma source(%dma_start3A_21 : memref<64xi32, #tpu.memory_space<hbm>>) target(%dma_start3A_20 : memref<64xi32, #tpu.memory_space<vmem>>) target_semaphore(%arg8 : memref<!tpu.dma_semaphore, #tpu.memory_space<semaphore_mem>>)
    %dma_start3A_22 = arith.constant 0 : i32
    %dma_start3A_23 = arith.constant 0 : i32
    %dma_start3A_24 = tpu.memref_slice %arg6[%dma_start3A_22, %dma_start3A_23] : memref<128x768xf32, #tpu.memory_space<vmem>> -> memref<64x768xf32, #tpu.memory_space<vmem>>
    %dma_start3A_25 = arith.constant 0 : i32
    %dma_start3A_26 = tpu.memref_slice %arg3[%mul3A_2, %dma_start3A_25] : memref<4096x768xf32, #tpu.memory_space<hbm>> -> memref<64x768xf32, #tpu.memory_space<hbm>>
    %dma_start3A_27 = arith.constant 0 : i32
    %dma_start3A_28 = arith.constant 0 : i32
    %dma_start3A_29 = tpu.memref_slice %arg6[%dma_start3A_27, %dma_start3A_28] : memref<128x768xf32, #tpu.memory_space<vmem>> -> memref<64x768xf32, #tpu.memory_space<vmem>>
    %dma_start3A_30 = arith.constant 0 : i32
    %dma_start3A_31 = tpu.memref_slice %arg3[%mul3A_2, %dma_start3A_30] : memref<4096x768xf32, #tpu.memory_space<hbm>> -> memref<64x768xf32, #tpu.memory_space<hbm>>
    tpu.enqueue_dma source(%dma_start3A_31 : memref<64x768xf32, #tpu.memory_space<hbm>>) target(%dma_start3A_29 : memref<64x768xf32, #tpu.memory_space<vmem>>) target_semaphore(%arg7 : memref<!tpu.dma_semaphore, #tpu.memory_space<semaphore_mem>>)
    %add3A_32 = arith.constant 64 : i32
    %add3A_33 = arith.addi %mul3A_2, %add3A_32 : i32
    %dma_start3A_34 = arith.constant 64 : i32
    %dma_start3A_35 = arith.constant 0 : i32
    %dma_start3A_36 = tpu.memref_slice %arg6[%dma_start3A_34, %dma_start3A_35] : memref<128x768xf32, #tpu.memory_space<vmem>> -> memref<64x768xf32, #tpu.memory_space<vmem>>
    %dma_start3A_37 = arith.constant 0 : i32
    %dma_start3A_38 = tpu.memref_slice %arg3[%add3A_33, %dma_start3A_37] : memref<4096x768xf32, #tpu.memory_space<hbm>> -> memref<64x768xf32, #tpu.memory_space<hbm>>
    %dma_start3A_39 = arith.constant 64 : i32
    %dma_start3A_40 = arith.constant 0 : i32
    %dma_start3A_41 = tpu.memref_slice %arg6[%dma_start3A_39, %dma_start3A_40] : memref<128x768xf32, #tpu.memory_space<vmem>> -> memref<64x768xf32, #tpu.memory_space<vmem>>
    %dma_start3A_42 = arith.constant 0 : i32
    %dma_start3A_43 = tpu.memref_slice %arg3[%add3A_33, %dma_start3A_42] : memref<4096x768xf32, #tpu.memory_space<hbm>> -> memref<64x768xf32, #tpu.memory_space<hbm>>
    tpu.enqueue_dma source(%dma_start3A_43 : memref<64x768xf32, #tpu.memory_space<hbm>>) target(%dma_start3A_41 : memref<64x768xf32, #tpu.memory_space<vmem>>) target_semaphore(%arg8 : memref<!tpu.dma_semaphore, #tpu.memory_space<semaphore_mem>>)
    %dma_wait3A = arith.constant 0 : i32
    %dma_wait3A_44 = arith.constant 0 : i32
    %dma_wait3A_45 = tpu.memref_slice %arg5[%dma_wait3A, %dma_wait3A_44] : memref<2x64xi32, #tpu.memory_space<vmem>> -> memref<1x64xi32, #tpu.memory_space<vmem>>
    %dma_wait3A_46 = tpu.memref_squeeze %dma_wait3A_45 : memref<1x64xi32, #tpu.memory_space<vmem>> -> memref<64xi32, #tpu.memory_space<vmem>>
    %dma_wait3A_47 = tpu.memref_slice %arg2[%mul3A_2] : memref<4096xi32, #tpu.memory_space<hbm>> -> memref<64xi32, #tpu.memory_space<hbm>>
    %dma_wait3A_48 = arith.constant 0 : i32
    %dma_wait3A_49 = tpu.memref_slice %arg5[%dma_wait3A, %dma_wait3A_48] : memref<2x64xi32, #tpu.memory_space<vmem>> -> memref<1x64xi32, #tpu.memory_space<vmem>>
    %dma_wait3A_50 = tpu.memref_squeeze %dma_wait3A_49 : memref<1x64xi32, #tpu.memory_space<vmem>> -> memref<64xi32, #tpu.memory_space<vmem>>
    %dma_wait3A_51 = tpu.memref_slice %arg2[%mul3A_2] : memref<4096xi32, #tpu.memory_space<hbm>> -> memref<64xi32, #tpu.memory_space<hbm>>
    tpu.wait_dma2 semaphore(%arg7 : memref<!tpu.dma_semaphore, #tpu.memory_space<semaphore_mem>>) src(%dma_wait3A_51 : memref<64xi32, #tpu.memory_space<hbm>>) dst(%dma_wait3A_50 : memref<64xi32, #tpu.memory_space<vmem>>)
    %dma_wait3A_52 = arith.constant 0 : i32
    %dma_wait3A_53 = arith.constant 0 : i32
    %dma_wait3A_54 = tpu.memref_slice %arg6[%dma_wait3A_52, %dma_wait3A_53] : memref<128x768xf32, #tpu.memory_space<vmem>> -> memref<64x768xf32, #tpu.memory_space<vmem>>
    %dma_wait3A_55 = arith.constant 0 : i32
    %dma_wait3A_56 = tpu.memref_slice %arg3[%mul3A_2, %dma_wait3A_55] : memref<4096x768xf32, #tpu.memory_space<hbm>> -> memref<64x768xf32, #tpu.memory_space<hbm>>
    %dma_wait3A_57 = arith.constant 0 : i32
    %dma_wait3A_58 = arith.constant 0 : i32
    %dma_wait3A_59 = tpu.memref_slice %arg6[%dma_wait3A_57, %dma_wait3A_58] : memref<128x768xf32, #tpu.memory_space<vmem>> -> memref<64x768xf32, #tpu.memory_space<vmem>>
    %dma_wait3A_60 = arith.constant 0 : i32
    %dma_wait3A_61 = tpu.memref_slice %arg3[%mul3A_2, %dma_wait3A_60] : memref<4096x768xf32, #tpu.memory_space<hbm>> -> memref<64x768xf32, #tpu.memory_space<hbm>>
    tpu.wait_dma2 semaphore(%arg7 : memref<!tpu.dma_semaphore, #tpu.memory_space<semaphore_mem>>) src(%dma_wait3A_61 : memref<64x768xf32, #tpu.memory_space<hbm>>) dst(%dma_wait3A_59 : memref<64x768xf32, #tpu.memory_space<vmem>>)
    %dma_start3A_62 = arith.constant 0 : i32
    %dma_start3A_63 = arith.constant 0 : i32
    %dma_start3A_64 = arith.constant 0 : i32
    %dma_start3A_65 = tpu.memref_slice %arg6[%dma_start3A_63, %dma_start3A_64] : memref<128x768xf32, #tpu.memory_space<vmem>> -> memref<64x768xf32, #tpu.memory_space<vmem>>
    %dma_start3A_66 = arith.constant 0 : i32
    %dma_start3A_67 = tpu.memref_slice %arg5[%dma_start3A_62, %dma_start3A_66] : memref<2x64xi32, #tpu.memory_space<vmem>> -> memref<1x64xi32, #tpu.memory_space<vmem>>
    %dma_start3A_68 = tpu.memref_squeeze %dma_start3A_67 : memref<1x64xi32, #tpu.memory_space<vmem>> -> memref<64xi32, #tpu.memory_space<vmem>>
    %dma_start3A_69 = arith.constant 0 : i32
    %dma_start3A_70 = arith.constant 0 : i32
    %dma_start3A_71 = tpu.memref_slice %arg4[%dma_start3A_69, %dma_start3A_70] : memref<6144x768xf32, #tpu.memory_space<hbm>> -> memref<6144x768xf32, #tpu.memory_space<hbm>>
    tpu.enqueue_indirect_dma source(%dma_start3A_65 : memref<64x768xf32, #tpu.memory_space<vmem>>) target(%dma_start3A_71 : memref<6144x768xf32, #tpu.memory_space<hbm>>) offsets(%dma_start3A_68 : memref<64xi32, #tpu.memory_space<vmem>>) semaphore(%arg7 : memref<!tpu.dma_semaphore, #tpu.memory_space<semaphore_mem>>)
    %dma_wait3A_72 = arith.constant 1 : i32
    %dma_wait3A_73 = arith.constant 0 : i32
    %dma_wait3A_74 = tpu.memref_slice %arg5[%dma_wait3A_72, %dma_wait3A_73] : memref<2x64xi32, #tpu.memory_space<vmem>> -> memref<1x64xi32, #tpu.memory_space<vmem>>
    %dma_wait3A_75 = tpu.memref_squeeze %dma_wait3A_74 : memref<1x64xi32, #tpu.memory_space<vmem>> -> memref<64xi32, #tpu.memory_space<vmem>>
    %dma_wait3A_76 = tpu.memref_slice %arg2[%add3A_12] : memref<4096xi32, #tpu.memory_space<hbm>> -> memref<64xi32, #tpu.memory_space<hbm>>
    %dma_wait3A_77 = arith.constant 0 : i32
    %dma_wait3A_78 = tpu.memref_slice %arg5[%dma_wait3A_72, %dma_wait3A_77] : memref<2x64xi32, #tpu.memory_space<vmem>> -> memref<1x64xi32, #tpu.memory_space<vmem>>
    %dma_wait3A_79 = tpu.memref_squeeze %dma_wait3A_78 : memref<1x64xi32, #tpu.memory_space<vmem>> -> memref<64xi32, #tpu.memory_space<vmem>>
    %dma_wait3A_80 = tpu.memref_slice %arg2[%add3A_12] : memref<4096xi32, #tpu.memory_space<hbm>> -> memref<64xi32, #tpu.memory_space<hbm>>
    tpu.wait_dma2 semaphore(%arg8 : memref<!tpu.dma_semaphore, #tpu.memory_space<semaphore_mem>>) src(%dma_wait3A_80 : memref<64xi32, #tpu.memory_space<hbm>>) dst(%dma_wait3A_79 : memref<64xi32, #tpu.memory_space<vmem>>)
    %dma_wait3A_81 = arith.constant 64 : i32
    %dma_wait3A_82 = arith.constant 0 : i32
    %dma_wait3A_83 = tpu.memref_slice %arg6[%dma_wait3A_81, %dma_wait3A_82] : memref<128x768xf32, #tpu.memory_space<vmem>> -> memref<64x768xf32, #tpu.memory_space<vmem>>
    %dma_wait3A_84 = arith.constant 0 : i32
    %dma_wait3A_85 = tpu.memref_slice %arg3[%add3A_33, %dma_wait3A_84] : memref<4096x768xf32, #tpu.memory_space<hbm>> -> memref<64x768xf32, #tpu.memory_space<hbm>>
    %dma_wait3A_86 = arith.constant 64 : i32
    %dma_wait3A_87 = arith.constant 0 : i32
    %dma_wait3A_88 = tpu.memref_slice %arg6[%dma_wait3A_86, %dma_wait3A_87] : memref<128x768xf32, #tpu.memory_space<vmem>> -> memref<64x768xf32, #tpu.memory_space<vmem>>
    %dma_wait3A_89 = arith.constant 0 : i32
    %dma_wait3A_90 = tpu.memref_slice %arg3[%add3A_33, %dma_wait3A_89] : memref<4096x768xf32, #tpu.memory_space<hbm>> -> memref<64x768xf32, #tpu.memory_space<hbm>>
    tpu.wait_dma2 semaphore(%arg8 : memref<!tpu.dma_semaphore, #tpu.memory_space<semaphore_mem>>) src(%dma_wait3A_90 : memref<64x768xf32, #tpu.memory_space<hbm>>) dst(%dma_wait3A_88 : memref<64x768xf32, #tpu.memory_space<vmem>>)
    %dma_start3A_91 = arith.constant 1 : i32
    %dma_start3A_92 = arith.constant 64 : i32
    %dma_start3A_93 = arith.constant 0 : i32
    %dma_start3A_94 = tpu.memref_slice %arg6[%dma_start3A_92, %dma_start3A_93] : memref<128x768xf32, #tpu.memory_space<vmem>> -> memref<64x768xf32, #tpu.memory_space<vmem>>
    %dma_start3A_95 = arith.constant 0 : i32
    %dma_start3A_96 = tpu.memref_slice %arg5[%dma_start3A_91, %dma_start3A_95] : memref<2x64xi32, #tpu.memory_space<vmem>> -> memref<1x64xi32, #tpu.memory_space<vmem>>
    %dma_start3A_97 = tpu.memref_squeeze %dma_start3A_96 : memref<1x64xi32, #tpu.memory_space<vmem>> -> memref<64xi32, #tpu.memory_space<vmem>>
    %dma_start3A_98 = arith.constant 0 : i32
    %dma_start3A_99 = arith.constant 0 : i32
    %dma_start3A_100 = tpu.memref_slice %arg4[%dma_start3A_98, %dma_start3A_99] : memref<6144x768xf32, #tpu.memory_space<hbm>> -> memref<6144x768xf32, #tpu.memory_space<hbm>>
    tpu.enqueue_indirect_dma source(%dma_start3A_94 : memref<64x768xf32, #tpu.memory_space<vmem>>) target(%dma_start3A_100 : memref<6144x768xf32, #tpu.memory_space<hbm>>) offsets(%dma_start3A_97 : memref<64xi32, #tpu.memory_space<vmem>>) semaphore(%arg8 : memref<!tpu.dma_semaphore, #tpu.memory_space<semaphore_mem>>)
    %dma_wait3A_101 = arith.constant 0 : i32
    %dma_wait3A_102 = arith.constant 0 : i32
    %dma_wait3A_103 = arith.constant 0 : i32
    %dma_wait3A_104 = tpu.memref_slice %arg6[%dma_wait3A_102, %dma_wait3A_103] : memref<128x768xf32, #tpu.memory_space<vmem>> -> memref<64x768xf32, #tpu.memory_space<vmem>>
    %dma_wait3A_105 = arith.constant 0 : i32
    %dma_wait3A_106 = tpu.memref_slice %arg5[%dma_wait3A_101, %dma_wait3A_105] : memref<2x64xi32, #tpu.memory_space<vmem>> -> memref<1x64xi32, #tpu.memory_space<vmem>>
    %dma_wait3A_107 = tpu.memref_squeeze %dma_wait3A_106 : memref<1x64xi32, #tpu.memory_space<vmem>> -> memref<64xi32, #tpu.memory_space<vmem>>
    %dma_wait3A_108 = arith.constant 0 : i32
    %dma_wait3A_109 = arith.constant 0 : i32
    %dma_wait3A_110 = tpu.memref_slice %arg4[%dma_wait3A_108, %dma_wait3A_109] : memref<6144x768xf32, #tpu.memory_space<hbm>> -> memref<6144x768xf32, #tpu.memory_space<hbm>>
    tpu.wait_indirect_dma semaphore(%arg7 : memref<!tpu.dma_semaphore, #tpu.memory_space<semaphore_mem>>) src(%dma_wait3A_104 : memref<64x768xf32, #tpu.memory_space<vmem>>) dst(%dma_wait3A_110 : memref<6144x768xf32, #tpu.memory_space<hbm>>)
    %dma_wait3A_111 = arith.constant 1 : i32
    %dma_wait3A_112 = arith.constant 64 : i32
    %dma_wait3A_113 = arith.constant 0 : i32
    %dma_wait3A_114 = tpu.memref_slice %arg6[%dma_wait3A_112, %dma_wait3A_113] : memref<128x768xf32, #tpu.memory_space<vmem>> -> memref<64x768xf32, #tpu.memory_space<vmem>>
    %dma_wait3A_115 = arith.constant 0 : i32
    %dma_wait3A_116 = tpu.memref_slice %arg5[%dma_wait3A_111, %dma_wait3A_115] : memref<2x64xi32, #tpu.memory_space<vmem>> -> memref<1x64xi32, #tpu.memory_space<vmem>>
    %dma_wait3A_117 = tpu.memref_squeeze %dma_wait3A_116 : memref<1x64xi32, #tpu.memory_space<vmem>> -> memref<64xi32, #tpu.memory_space<vmem>>
    %dma_wait3A_118 = arith.constant 0 : i32
    %dma_wait3A_119 = arith.constant 0 : i32
    %dma_wait3A_120 = tpu.memref_slice %arg4[%dma_wait3A_118, %dma_wait3A_119] : memref<6144x768xf32, #tpu.memory_space<hbm>> -> memref<6144x768xf32, #tpu.memory_space<hbm>>
    tpu.wait_indirect_dma semaphore(%arg8 : memref<!tpu.dma_semaphore, #tpu.memory_space<semaphore_mem>>) src(%dma_wait3A_114 : memref<64x768xf32, #tpu.memory_space<vmem>>) dst(%dma_wait3A_120 : memref<6144x768xf32, #tpu.memory_space<hbm>>)
    return
  }
}

#map = affine_map<(d0, d1) -> (0, 0)>
#map1 = affine_map<(d0, d1) -> (0)>
module attributes {stable_mosaic.version = 14 : i64} {
  func.func @_combine_body(%arg0: i32, %arg1: i32, %arg2: memref<6144x768xf32, #tpu.memory_space<hbm>>, %arg3: memref<2048x768xf32, #tpu.memory_space<hbm>>, %arg4: memref<4096xi32, #tpu.memory_space<hbm>>, %arg5: memref<2048x768xf32, #tpu.memory_space<hbm>>, %arg6: memref<64xi32, #tpu.memory_space<vmem>>, %arg7: memref<64xi32, #tpu.memory_space<vmem>>, %arg8: memref<32xi32, #tpu.memory_space<vmem>>, %arg9: memref<32xi32, #tpu.memory_space<vmem>>, %arg10: memref<2x16x768xf32, #tpu.memory_space<vmem>>, %arg11: memref<2x16x768xf32, #tpu.memory_space<vmem>>, %arg12: memref<2x16x768xf32, #tpu.memory_space<vmem>>, %arg13: memref<!tpu.dma_semaphore, #tpu.memory_space<semaphore_mem>>, %arg14: memref<!tpu.dma_semaphore, #tpu.memory_space<semaphore_mem>>) attributes {dimension_semantics = [#tpu.dimension_semantics<core_parallel>, #tpu.dimension_semantics<subcore_parallel>], iteration_bounds = array<i64: 2, 16>, scalar_prefetch = 0 : i64, scratch_operands = 9 : i64, tpu.core_type = #tpu.core_type<sc_vector_subcore>, window_params = [{transform_indices = #map}, {transform_indices = #map}, {transform_indices = #map1}, {transform_indices = #map}]} {
    %mul3A = arith.constant 2 : i32
    %mul3A_0 = arith.muli %arg1, %mul3A : i32
    %add3A = arith.addi %mul3A_0, %arg0 : i32
    %mul3A_1 = arith.constant 64 : i32
    %mul3A_2 = arith.muli %add3A, %mul3A_1 : i32
    "tpu.region"() ({
      %run_scoped3A_351 = tpu.sem_alloc : memref<!tpu.dma_semaphore, #tpu.memory_space<semaphore_mem>>
      %dma_start3A_352 = tpu.memref_slice %arg4[%mul3A_2] : memref<4096xi32, #tpu.memory_space<hbm>> -> memref<64xi32, #tpu.memory_space<hbm>>
      %dma_start3A_353 = tpu.memref_slice %arg4[%mul3A_2] : memref<4096xi32, #tpu.memory_space<hbm>> -> memref<64xi32, #tpu.memory_space<hbm>>
      tpu.enqueue_dma source(%dma_start3A_353 : memref<64xi32, #tpu.memory_space<hbm>>) target(%arg6 : memref<64xi32, #tpu.memory_space<vmem>>) target_semaphore(%run_scoped3A_351 : memref<!tpu.dma_semaphore, #tpu.memory_space<semaphore_mem>>)
      %dma_wait3A_354 = tpu.memref_slice %arg4[%mul3A_2] : memref<4096xi32, #tpu.memory_space<hbm>> -> memref<64xi32, #tpu.memory_space<hbm>>
      %dma_wait3A_355 = tpu.memref_slice %arg4[%mul3A_2] : memref<4096xi32, #tpu.memory_space<hbm>> -> memref<64xi32, #tpu.memory_space<hbm>>
      tpu.wait_dma2 semaphore(%run_scoped3A_351 : memref<!tpu.dma_semaphore, #tpu.memory_space<semaphore_mem>>) src(%dma_wait3A_355 : memref<64xi32, #tpu.memory_space<hbm>>) dst(%arg6 : memref<64xi32, #tpu.memory_space<vmem>>)
      tpu.yield
    }) : () -> ()
    %add3A_3 = arith.constant 2048 : i32
    %add3A_4 = arith.addi %add3A_3, %mul3A_2 : i32
    "tpu.region"() ({
      %run_scoped3A_351 = tpu.sem_alloc : memref<!tpu.dma_semaphore, #tpu.memory_space<semaphore_mem>>
      %dma_start3A_352 = tpu.memref_slice %arg4[%add3A_4] : memref<4096xi32, #tpu.memory_space<hbm>> -> memref<64xi32, #tpu.memory_space<hbm>>
      %dma_start3A_353 = tpu.memref_slice %arg4[%add3A_4] : memref<4096xi32, #tpu.memory_space<hbm>> -> memref<64xi32, #tpu.memory_space<hbm>>
      tpu.enqueue_dma source(%dma_start3A_353 : memref<64xi32, #tpu.memory_space<hbm>>) target(%arg7 : memref<64xi32, #tpu.memory_space<vmem>>) target_semaphore(%run_scoped3A_351 : memref<!tpu.dma_semaphore, #tpu.memory_space<semaphore_mem>>)
      %dma_wait3A_354 = tpu.memref_slice %arg4[%add3A_4] : memref<4096xi32, #tpu.memory_space<hbm>> -> memref<64xi32, #tpu.memory_space<hbm>>
      %dma_wait3A_355 = tpu.memref_slice %arg4[%add3A_4] : memref<4096xi32, #tpu.memory_space<hbm>> -> memref<64xi32, #tpu.memory_space<hbm>>
      tpu.wait_dma2 semaphore(%run_scoped3A_351 : memref<!tpu.dma_semaphore, #tpu.memory_space<semaphore_mem>>) src(%dma_wait3A_355 : memref<64xi32, #tpu.memory_space<hbm>>) dst(%arg7 : memref<64xi32, #tpu.memory_space<vmem>>)
      tpu.yield
    }) : () -> ()
    %get3A = arith.constant 0 : index
    %get3A_5 = tpu.vector_load %arg6[%get3A] {strides = array<i32>} : memref<64xi32, #tpu.memory_space<vmem>>, vector<16xi32>,
    %swap3A = arith.constant 0 : index
    %swap3A_6 = tpu.vector_load %arg8[%swap3A] {strides = array<i32>} : memref<32xi32, #tpu.memory_space<vmem>>, vector<16xi32>,
    tpu.vector_store %arg8[%swap3A], %get3A_5 {strides = array<i32>} : memref<32xi32, #tpu.memory_space<vmem>>, vector<16xi32>,
    %get3A_7 = arith.constant 0 : index
    %get3A_8 = tpu.vector_load %arg7[%get3A_7] {strides = array<i32>} : memref<64xi32, #tpu.memory_space<vmem>>, vector<16xi32>,
    %swap3A_9 = arith.constant 0 : index
    %swap3A_10 = tpu.vector_load %arg9[%swap3A_9] {strides = array<i32>} : memref<32xi32, #tpu.memory_space<vmem>>, vector<16xi32>,
    tpu.vector_store %arg9[%swap3A_9], %get3A_8 {strides = array<i32>} : memref<32xi32, #tpu.memory_space<vmem>>, vector<16xi32>,
    %dma_start3A = arith.constant 0 : i32
    %dma_start3A_11 = arith.constant 0 : i32
    %dma_start3A_12 = arith.constant 0 : i32
    %dma_start3A_13 = tpu.memref_slice %arg10[%dma_start3A, %dma_start3A_11, %dma_start3A_12] : memref<2x16x768xf32, #tpu.memory_space<vmem>> -> memref<1x16x768xf32, #tpu.memory_space<vmem>>
    %dma_start3A_14 = tpu.memref_squeeze %dma_start3A_13 : memref<1x16x768xf32, #tpu.memory_space<vmem>> -> memref<16x768xf32, #tpu.memory_space<vmem>>
    %dma_start3A_15 = arith.constant 0 : i32
    %dma_start3A_16 = tpu.memref_slice %arg8[%dma_start3A_15] : memref<32xi32, #tpu.memory_space<vmem>> -> memref<16xi32, #tpu.memory_space<vmem>>
    %dma_start3A_17 = arith.constant 0 : i32
    %dma_start3A_18 = arith.constant 0 : i32
    %dma_start3A_19 = tpu.memref_slice %arg2[%dma_start3A_17, %dma_start3A_18] : memref<6144x768xf32, #tpu.memory_space<hbm>> -> memref<6144x768xf32, #tpu.memory_space<hbm>>
    tpu.enqueue_indirect_dma source(%dma_start3A_19 : memref<6144x768xf32, #tpu.memory_space<hbm>>) target(%dma_start3A_14 : memref<16x768xf32, #tpu.memory_space<vmem>>) offsets(%dma_start3A_16 : memref<16xi32, #tpu.memory_space<vmem>>) semaphore(%arg13 : memref<!tpu.dma_semaphore, #tpu.memory_space<semaphore_mem>>)
    %dma_start3A_20 = arith.constant 0 : i32
    %dma_start3A_21 = arith.constant 0 : i32
    %dma_start3A_22 = arith.constant 0 : i32
    %dma_start3A_23 = tpu.memref_slice %arg11[%dma_start3A_20, %dma_start3A_21, %dma_start3A_22] : memref<2x16x768xf32, #tpu.memory_space<vmem>> -> memref<1x16x768xf32, #tpu.memory_space<vmem>>
    %dma_start3A_24 = tpu.memref_squeeze %dma_start3A_23 : memref<1x16x768xf32, #tpu.memory_space<vmem>> -> memref<16x768xf32, #tpu.memory_space<vmem>>
    %dma_start3A_25 = arith.constant 0 : i32
    %dma_start3A_26 = tpu.memref_slice %arg9[%dma_start3A_25] : memref<32xi32, #tpu.memory_space<vmem>> -> memref<16xi32, #tpu.memory_space<vmem>>
    %dma_start3A_27 = arith.constant 0 : i32
    %dma_start3A_28 = arith.constant 0 : i32
    %dma_start3A_29 = tpu.memref_slice %arg2[%dma_start3A_27, %dma_start3A_28] : memref<6144x768xf32, #tpu.memory_space<hbm>> -> memref<6144x768xf32, #tpu.memory_space<hbm>>
    tpu.enqueue_indirect_dma source(%dma_start3A_29 : memref<6144x768xf32, #tpu.memory_space<hbm>>) target(%dma_start3A_24 : memref<16x768xf32, #tpu.memory_space<vmem>>) offsets(%dma_start3A_26 : memref<16xi32, #tpu.memory_space<vmem>>) semaphore(%arg13 : memref<!tpu.dma_semaphore, #tpu.memory_space<semaphore_mem>>)
    %add3A_30 = arith.constant 0 : i32
    %add3A_31 = arith.addi %mul3A_2, %add3A_30 : i32
    %dma_start3A_32 = arith.constant 0 : i32
    %dma_start3A_33 = arith.constant 0 : i32
    %dma_start3A_34 = arith.constant 0 : i32
    %dma_start3A_35 = tpu.memref_slice %arg12[%dma_start3A_32, %dma_start3A_33, %dma_start3A_34] : memref<2x16x768xf32, #tpu.memory_space<vmem>> -> memref<1x16x768xf32, #tpu.memory_space<vmem>>
    %dma_start3A_36 = tpu.memref_squeeze %dma_start3A_35 : memref<1x16x768xf32, #tpu.memory_space<vmem>> -> memref<16x768xf32, #tpu.memory_space<vmem>>
    %dma_start3A_37 = arith.constant 0 : i32
    %dma_start3A_38 = tpu.memref_slice %arg3[%add3A_31, %dma_start3A_37] : memref<2048x768xf32, #tpu.memory_space<hbm>> -> memref<16x768xf32, #tpu.memory_space<hbm>>
    %dma_start3A_39 = arith.constant 0 : i32
    %dma_start3A_40 = arith.constant 0 : i32
    %dma_start3A_41 = tpu.memref_slice %arg12[%dma_start3A_32, %dma_start3A_39, %dma_start3A_40] : memref<2x16x768xf32, #tpu.memory_space<vmem>> -> memref<1x16x768xf32, #tpu.memory_space<vmem>>
    %dma_start3A_42 = tpu.memref_squeeze %dma_start3A_41 : memref<1x16x768xf32, #tpu.memory_space<vmem>> -> memref<16x768xf32, #tpu.memory_space<vmem>>
    %dma_start3A_43 = arith.constant 0 : i32
    %dma_start3A_44 = tpu.memref_slice %arg3[%add3A_31, %dma_start3A_43] : memref<2048x768xf32, #tpu.memory_space<hbm>> -> memref<16x768xf32, #tpu.memory_space<hbm>>
    tpu.enqueue_dma source(%dma_start3A_44 : memref<16x768xf32, #tpu.memory_space<hbm>>) target(%dma_start3A_42 : memref<16x768xf32, #tpu.memory_space<vmem>>) target_semaphore(%arg13 : memref<!tpu.dma_semaphore, #tpu.memory_space<semaphore_mem>>)
    %get3A_45 = arith.constant 16 : index
    %get3A_46 = tpu.vector_load %arg6[%get3A_45] {strides = array<i32>} : memref<64xi32, #tpu.memory_space<vmem>>, vector<16xi32>,
    %swap3A_47 = arith.constant 16 : index
    %swap3A_48 = tpu.vector_load %arg8[%swap3A_47] {strides = array<i32>} : memref<32xi32, #tpu.memory_space<vmem>>, vector<16xi32>,
    tpu.vector_store %arg8[%swap3A_47], %get3A_46 {strides = array<i32>} : memref<32xi32, #tpu.memory_space<vmem>>, vector<16xi32>,
    %get3A_49 = arith.constant 16 : index
    %get3A_50 = tpu.vector_load %arg7[%get3A_49] {strides = array<i32>} : memref<64xi32, #tpu.memory_space<vmem>>, vector<16xi32>,
    %swap3A_51 = arith.constant 16 : index
    %swap3A_52 = tpu.vector_load %arg9[%swap3A_51] {strides = array<i32>} : memref<32xi32, #tpu.memory_space<vmem>>, vector<16xi32>,
    tpu.vector_store %arg9[%swap3A_51], %get3A_50 {strides = array<i32>} : memref<32xi32, #tpu.memory_space<vmem>>, vector<16xi32>,
    %dma_start3A_53 = arith.constant 1 : i32
    %dma_start3A_54 = arith.constant 0 : i32
    %dma_start3A_55 = arith.constant 0 : i32
    %dma_start3A_56 = tpu.memref_slice %arg10[%dma_start3A_53, %dma_start3A_54, %dma_start3A_55] : memref<2x16x768xf32, #tpu.memory_space<vmem>> -> memref<1x16x768xf32, #tpu.memory_space<vmem>>
    %dma_start3A_57 = tpu.memref_squeeze %dma_start3A_56 : memref<1x16x768xf32, #tpu.memory_space<vmem>> -> memref<16x768xf32, #tpu.memory_space<vmem>>
    %dma_start3A_58 = arith.constant 16 : i32
    %dma_start3A_59 = tpu.memref_slice %arg8[%dma_start3A_58] : memref<32xi32, #tpu.memory_space<vmem>> -> memref<16xi32, #tpu.memory_space<vmem>>
    %dma_start3A_60 = arith.constant 0 : i32
    %dma_start3A_61 = arith.constant 0 : i32
    %dma_start3A_62 = tpu.memref_slice %arg2[%dma_start3A_60, %dma_start3A_61] : memref<6144x768xf32, #tpu.memory_space<hbm>> -> memref<6144x768xf32, #tpu.memory_space<hbm>>
    tpu.enqueue_indirect_dma source(%dma_start3A_62 : memref<6144x768xf32, #tpu.memory_space<hbm>>) target(%dma_start3A_57 : memref<16x768xf32, #tpu.memory_space<vmem>>) offsets(%dma_start3A_59 : memref<16xi32, #tpu.memory_space<vmem>>) semaphore(%arg14 : memref<!tpu.dma_semaphore, #tpu.memory_space<semaphore_mem>>)
    %dma_start3A_63 = arith.constant 1 : i32
    %dma_start3A_64 = arith.constant 0 : i32
    %dma_start3A_65 = arith.constant 0 : i32
    %dma_start3A_66 = tpu.memref_slice %arg11[%dma_start3A_63, %dma_start3A_64, %dma_start3A_65] : memref<2x16x768xf32, #tpu.memory_space<vmem>> -> memref<1x16x768xf32, #tpu.memory_space<vmem>>
    %dma_start3A_67 = tpu.memref_squeeze %dma_start3A_66 : memref<1x16x768xf32, #tpu.memory_space<vmem>> -> memref<16x768xf32, #tpu.memory_space<vmem>>
    %dma_start3A_68 = arith.constant 16 : i32
    %dma_start3A_69 = tpu.memref_slice %arg9[%dma_start3A_68] : memref<32xi32, #tpu.memory_space<vmem>> -> memref<16xi32, #tpu.memory_space<vmem>>
    %dma_start3A_70 = arith.constant 0 : i32
    %dma_start3A_71 = arith.constant 0 : i32
    %dma_start3A_72 = tpu.memref_slice %arg2[%dma_start3A_70, %dma_start3A_71] : memref<6144x768xf32, #tpu.memory_space<hbm>> -> memref<6144x768xf32, #tpu.memory_space<hbm>>
    tpu.enqueue_indirect_dma source(%dma_start3A_72 : memref<6144x768xf32, #tpu.memory_space<hbm>>) target(%dma_start3A_67 : memref<16x768xf32, #tpu.memory_space<vmem>>) offsets(%dma_start3A_69 : memref<16xi32, #tpu.memory_space<vmem>>) semaphore(%arg14 : memref<!tpu.dma_semaphore, #tpu.memory_space<semaphore_mem>>)
    %add3A_73 = arith.constant 16 : i32
    %add3A_74 = arith.addi %mul3A_2, %add3A_73 : i32
    %dma_start3A_75 = arith.constant 1 : i32
    %dma_start3A_76 = arith.constant 0 : i32
    %dma_start3A_77 = arith.constant 0 : i32
    %dma_start3A_78 = tpu.memref_slice %arg12[%dma_start3A_75, %dma_start3A_76, %dma_start3A_77] : memref<2x16x768xf32, #tpu.memory_space<vmem>> -> memref<1x16x768xf32, #tpu.memory_space<vmem>>
    %dma_start3A_79 = tpu.memref_squeeze %dma_start3A_78 : memref<1x16x768xf32, #tpu.memory_space<vmem>> -> memref<16x768xf32, #tpu.memory_space<vmem>>
    %dma_start3A_80 = arith.constant 0 : i32
    %dma_start3A_81 = tpu.memref_slice %arg3[%add3A_74, %dma_start3A_80] : memref<2048x768xf32, #tpu.memory_space<hbm>> -> memref<16x768xf32, #tpu.memory_space<hbm>>
    %dma_start3A_82 = arith.constant 0 : i32
    %dma_start3A_83 = arith.constant 0 : i32
    %dma_start3A_84 = tpu.memref_slice %arg12[%dma_start3A_75, %dma_start3A_82, %dma_start3A_83] : memref<2x16x768xf32, #tpu.memory_space<vmem>> -> memref<1x16x768xf32, #tpu.memory_space<vmem>>
    %dma_start3A_85 = tpu.memref_squeeze %dma_start3A_84 : memref<1x16x768xf32, #tpu.memory_space<vmem>> -> memref<16x768xf32, #tpu.memory_space<vmem>>
    %dma_start3A_86 = arith.constant 0 : i32
    %dma_start3A_87 = tpu.memref_slice %arg3[%add3A_74, %dma_start3A_86] : memref<2048x768xf32, #tpu.memory_space<hbm>> -> memref<16x768xf32, #tpu.memory_space<hbm>>
    tpu.enqueue_dma source(%dma_start3A_87 : memref<16x768xf32, #tpu.memory_space<hbm>>) target(%dma_start3A_85 : memref<16x768xf32, #tpu.memory_space<vmem>>) target_semaphore(%arg14 : memref<!tpu.dma_semaphore, #tpu.memory_space<semaphore_mem>>)
    %dma_wait3A = arith.constant 0 : i32
    %dma_wait3A_88 = arith.constant 0 : i32
    %dma_wait3A_89 = arith.constant 0 : i32
    %dma_wait3A_90 = tpu.memref_slice %arg10[%dma_wait3A, %dma_wait3A_88, %dma_wait3A_89] : memref<2x16x768xf32, #tpu.memory_space<vmem>> -> memref<1x16x768xf32, #tpu.memory_space<vmem>>
    %dma_wait3A_91 = tpu.memref_squeeze %dma_wait3A_90 : memref<1x16x768xf32, #tpu.memory_space<vmem>> -> memref<16x768xf32, #tpu.memory_space<vmem>>
    %dma_wait3A_92 = arith.constant 0 : i32
    %dma_wait3A_93 = tpu.memref_slice %arg8[%dma_wait3A_92] : memref<32xi32, #tpu.memory_space<vmem>> -> memref<16xi32, #tpu.memory_space<vmem>>
    %dma_wait3A_94 = arith.constant 0 : i32
    %dma_wait3A_95 = arith.constant 0 : i32
    %dma_wait3A_96 = tpu.memref_slice %arg2[%dma_wait3A_94, %dma_wait3A_95] : memref<6144x768xf32, #tpu.memory_space<hbm>> -> memref<6144x768xf32, #tpu.memory_space<hbm>>
    tpu.wait_indirect_dma semaphore(%arg13 : memref<!tpu.dma_semaphore, #tpu.memory_space<semaphore_mem>>) src(%dma_wait3A_96 : memref<6144x768xf32, #tpu.memory_space<hbm>>) dst(%dma_wait3A_91 : memref<16x768xf32, #tpu.memory_space<vmem>>)
    %dma_wait3A_97 = arith.constant 0 : i32
    %dma_wait3A_98 = arith.constant 0 : i32
    %dma_wait3A_99 = arith.constant 0 : i32
    %dma_wait3A_100 = tpu.memref_slice %arg11[%dma_wait3A_97, %dma_wait3A_98, %dma_wait3A_99] : memref<2x16x768xf32, #tpu.memory_space<vmem>> -> memref<1x16x768xf32, #tpu.memory_space<vmem>>
    %dma_wait3A_101 = tpu.memref_squeeze %dma_wait3A_100 : memref<1x16x768xf32, #tpu.memory_space<vmem>> -> memref<16x768xf32, #tpu.memory_space<vmem>>
    %dma_wait3A_102 = arith.constant 0 : i32
    %dma_wait3A_103 = tpu.memref_slice %arg9[%dma_wait3A_102] : memref<32xi32, #tpu.memory_space<vmem>> -> memref<16xi32, #tpu.memory_space<vmem>>
    %dma_wait3A_104 = arith.constant 0 : i32
    %dma_wait3A_105 = arith.constant 0 : i32
    %dma_wait3A_106 = tpu.memref_slice %arg2[%dma_wait3A_104, %dma_wait3A_105] : memref<6144x768xf32, #tpu.memory_space<hbm>> -> memref<6144x768xf32, #tpu.memory_space<hbm>>
    tpu.wait_indirect_dma semaphore(%arg13 : memref<!tpu.dma_semaphore, #tpu.memory_space<semaphore_mem>>) src(%dma_wait3A_106 : memref<6144x768xf32, #tpu.memory_space<hbm>>) dst(%dma_wait3A_101 : memref<16x768xf32, #tpu.memory_space<vmem>>)
    %dma_wait3A_107 = arith.constant 0 : i32
    %dma_wait3A_108 = arith.constant 0 : i32
    %dma_wait3A_109 = arith.constant 0 : i32
    %dma_wait3A_110 = tpu.memref_slice %arg12[%dma_wait3A_107, %dma_wait3A_108, %dma_wait3A_109] : memref<2x16x768xf32, #tpu.memory_space<vmem>> -> memref<1x16x768xf32, #tpu.memory_space<vmem>>
    %dma_wait3A_111 = tpu.memref_squeeze %dma_wait3A_110 : memref<1x16x768xf32, #tpu.memory_space<vmem>> -> memref<16x768xf32, #tpu.memory_space<vmem>>
    %dma_wait3A_112 = arith.constant 0 : i32
    %dma_wait3A_113 = tpu.memref_slice %arg3[%add3A_31, %dma_wait3A_112] : memref<2048x768xf32, #tpu.memory_space<hbm>> -> memref<16x768xf32, #tpu.memory_space<hbm>>
    %dma_wait3A_114 = arith.constant 0 : i32
    %dma_wait3A_115 = arith.constant 0 : i32
    %dma_wait3A_116 = tpu.memref_slice %arg12[%dma_wait3A_107, %dma_wait3A_114, %dma_wait3A_115] : memref<2x16x768xf32, #tpu.memory_space<vmem>> -> memref<1x16x768xf32, #tpu.memory_space<vmem>>
    %dma_wait3A_117 = tpu.memref_squeeze %dma_wait3A_116 : memref<1x16x768xf32, #tpu.memory_space<vmem>> -> memref<16x768xf32, #tpu.memory_space<vmem>>
    %dma_wait3A_118 = arith.constant 0 : i32
    %dma_wait3A_119 = tpu.memref_slice %arg3[%add3A_31, %dma_wait3A_118] : memref<2048x768xf32, #tpu.memory_space<hbm>> -> memref<16x768xf32, #tpu.memory_space<hbm>>
    tpu.wait_dma2 semaphore(%arg13 : memref<!tpu.dma_semaphore, #tpu.memory_space<semaphore_mem>>) src(%dma_wait3A_119 : memref<16x768xf32, #tpu.memory_space<hbm>>) dst(%dma_wait3A_117 : memref<16x768xf32, #tpu.memory_space<vmem>>)
    %scan3A = arith.constant 0 : i32
    %scan3A_120 = arith.constant 0 : i32
    %scan3A_121 = arith.constant 0 : i32
    %scan3A_122 = arith.constant 0 : i32
    %scan3A_123 = arith.constant 0 : i32
    %scan3A_124 = arith.constant 16 : i32
    %scan3A_125 = arith.addi %scan3A_123, %scan3A_124 : i32
    %scan3A_126 = arith.constant 1 : i32
    scf.for %scan3A_351 = %scan3A_123 to %scan3A_125 step %scan3A_126  : i32 {
      %scan3A_352 = arith.constant 0 : i32
      %scan3A_353 = arith.constant 0 : i32
      %scan3A_354 = arith.constant 16 : i32
      %scan3A_355 = arith.addi %scan3A_353, %scan3A_354 : i32
      %scan3A_356 = arith.constant 1 : i32
      scf.for %scan3A_358 = %scan3A_353 to %scan3A_355 step %scan3A_356  : i32 {
        %mul3A_359 = arith.constant 3 : i32
        %mul3A_360 = arith.muli %scan3A_358, %mul3A_359 : i32
        %add3A_361 = arith.constant 0 : i32
        %add3A_362 = arith.addi %mul3A_360, %add3A_361 : i32
        %mul3A_363 = arith.constant 16 : i32
        %mul3A_364 = arith.muli %add3A_362, %mul3A_363 : i32
        %get3A_365 = arith.constant 0 : i32
        %get3A_366 = arith.constant 0 : i32
        %get3A_367 = tpu.memref_slice %arg10[%scan3A_120, %get3A_365, %get3A_366] : memref<2x16x768xf32, #tpu.memory_space<vmem>> -> memref<1x16x768xf32, #tpu.memory_space<vmem>>
        %get3A_368 = tpu.memref_squeeze %get3A_367 : memref<1x16x768xf32, #tpu.memory_space<vmem>> -> memref<16x768xf32, #tpu.memory_space<vmem>>
        %get3A_369 = arith.index_cast %scan3A_351 : i32 to index
        %get3A_370 = arith.index_cast %mul3A_364 : i32 to index
        %get3A_371 = tpu.vector_load %get3A_368[%get3A_369, %get3A_370] {strides = array<i32>} : memref<16x768xf32, #tpu.memory_space<vmem>>, vector<16xf32>,
        %get3A_372 = arith.constant 0 : i32
        %get3A_373 = arith.constant 0 : i32
        %get3A_374 = tpu.memref_slice %arg11[%scan3A_121, %get3A_372, %get3A_373] : memref<2x16x768xf32, #tpu.memory_space<vmem>> -> memref<1x16x768xf32, #tpu.memory_space<vmem>>
        %get3A_375 = tpu.memref_squeeze %get3A_374 : memref<1x16x768xf32, #tpu.memory_space<vmem>> -> memref<16x768xf32, #tpu.memory_space<vmem>>
        %get3A_376 = arith.index_cast %scan3A_351 : i32 to index
        %get3A_377 = arith.index_cast %mul3A_364 : i32 to index
        %get3A_378 = tpu.vector_load %get3A_375[%get3A_376, %get3A_377] {strides = array<i32>} : memref<16x768xf32, #tpu.memory_space<vmem>>, vector<16xf32>,
        %add3A_379 = arith.addf %get3A_371, %get3A_378 : vector<16xf32>
        %get3A_380 = arith.constant 0 : i32
        %get3A_381 = arith.constant 0 : i32
        %get3A_382 = tpu.memref_slice %arg12[%scan3A_122, %get3A_380, %get3A_381] : memref<2x16x768xf32, #tpu.memory_space<vmem>> -> memref<1x16x768xf32, #tpu.memory_space<vmem>>
        %get3A_383 = tpu.memref_squeeze %get3A_382 : memref<1x16x768xf32, #tpu.memory_space<vmem>> -> memref<16x768xf32, #tpu.memory_space<vmem>>
        %get3A_384 = arith.index_cast %scan3A_351 : i32 to index
        %get3A_385 = arith.index_cast %mul3A_364 : i32 to index
        %get3A_386 = tpu.vector_load %get3A_383[%get3A_384, %get3A_385] {strides = array<i32>} : memref<16x768xf32, #tpu.memory_space<vmem>>, vector<16xf32>,
        %add3A_387 = arith.addf %add3A_379, %get3A_386 : vector<16xf32>
        %swap3A_388 = arith.constant 0 : i32
        %swap3A_389 = arith.constant 0 : i32
        %swap3A_390 = tpu.memref_slice %arg10[%scan3A_120, %swap3A_388, %swap3A_389] : memref<2x16x768xf32, #tpu.memory_space<vmem>> -> memref<1x16x768xf32, #tpu.memory_space<vmem>>
        %swap3A_391 = tpu.memref_squeeze %swap3A_390 : memref<1x16x768xf32, #tpu.memory_space<vmem>> -> memref<16x768xf32, #tpu.memory_space<vmem>>
        %swap3A_392 = arith.index_cast %scan3A_351 : i32 to index
        %swap3A_393 = arith.index_cast %mul3A_364 : i32 to index
        %swap3A_394 = tpu.vector_load %swap3A_391[%swap3A_392, %swap3A_393] {strides = array<i32>} : memref<16x768xf32, #tpu.memory_space<vmem>>, vector<16xf32>,
        tpu.vector_store %swap3A_391[%swap3A_392, %swap3A_393], %add3A_387 {strides = array<i32>} : memref<16x768xf32, #tpu.memory_space<vmem>>, vector<16xf32>,
        %mul3A_395 = arith.constant 3 : i32
        %mul3A_396 = arith.muli %scan3A_358, %mul3A_395 : i32
        %add3A_397 = arith.constant 1 : i32
        %add3A_398 = arith.addi %mul3A_396, %add3A_397 : i32
        %mul3A_399 = arith.constant 16 : i32
        %mul3A_400 = arith.muli %add3A_398, %mul3A_399 : i32
        %get3A_401 = arith.constant 0 : i32
        %get3A_402 = arith.constant 0 : i32
        %get3A_403 = tpu.memref_slice %arg10[%scan3A_120, %get3A_401, %get3A_402] : memref<2x16x768xf32, #tpu.memory_space<vmem>> -> memref<1x16x768xf32, #tpu.memory_space<vmem>>
        %get3A_404 = tpu.memref_squeeze %get3A_403 : memref<1x16x768xf32, #tpu.memory_space<vmem>> -> memref<16x768xf32, #tpu.memory_space<vmem>>
        %get3A_405 = arith.index_cast %scan3A_351 : i32 to index
        %get3A_406 = arith.index_cast %mul3A_400 : i32 to index
        %get3A_407 = tpu.vector_load %get3A_404[%get3A_405, %get3A_406] {strides = array<i32>} : memref<16x768xf32, #tpu.memory_space<vmem>>, vector<16xf32>,
        %get3A_408 = arith.constant 0 : i32
        %get3A_409 = arith.constant 0 : i32
        %get3A_410 = tpu.memref_slice %arg11[%scan3A_121, %get3A_408, %get3A_409] : memref<2x16x768xf32, #tpu.memory_space<vmem>> -> memref<1x16x768xf32, #tpu.memory_space<vmem>>
        %get3A_411 = tpu.memref_squeeze %get3A_410 : memref<1x16x768xf32, #tpu.memory_space<vmem>> -> memref<16x768xf32, #tpu.memory_space<vmem>>
        %get3A_412 = arith.index_cast %scan3A_351 : i32 to index
        %get3A_413 = arith.index_cast %mul3A_400 : i32 to index
        %get3A_414 = tpu.vector_load %get3A_411[%get3A_412, %get3A_413] {strides = array<i32>} : memref<16x768xf32, #tpu.memory_space<vmem>>, vector<16xf32>,
        %add3A_415 = arith.addf %get3A_407, %get3A_414 : vector<16xf32>
        %get3A_416 = arith.constant 0 : i32
        %get3A_417 = arith.constant 0 : i32
        %get3A_418 = tpu.memref_slice %arg12[%scan3A_122, %get3A_416, %get3A_417] : memref<2x16x768xf32, #tpu.memory_space<vmem>> -> memref<1x16x768xf32, #tpu.memory_space<vmem>>
        %get3A_419 = tpu.memref_squeeze %get3A_418 : memref<1x16x768xf32, #tpu.memory_space<vmem>> -> memref<16x768xf32, #tpu.memory_space<vmem>>
        %get3A_420 = arith.index_cast %scan3A_351 : i32 to index
        %get3A_421 = arith.index_cast %mul3A_400 : i32 to index
        %get3A_422 = tpu.vector_load %get3A_419[%get3A_420, %get3A_421] {strides = array<i32>} : memref<16x768xf32, #tpu.memory_space<vmem>>, vector<16xf32>,
        %add3A_423 = arith.addf %add3A_415, %get3A_422 : vector<16xf32>
        %swap3A_424 = arith.constant 0 : i32
        %swap3A_425 = arith.constant 0 : i32
        %swap3A_426 = tpu.memref_slice %arg10[%scan3A_120, %swap3A_424, %swap3A_425] : memref<2x16x768xf32, #tpu.memory_space<vmem>> -> memref<1x16x768xf32, #tpu.memory_space<vmem>>
        %swap3A_427 = tpu.memref_squeeze %swap3A_426 : memref<1x16x768xf32, #tpu.memory_space<vmem>> -> memref<16x768xf32, #tpu.memory_space<vmem>>
        %swap3A_428 = arith.index_cast %scan3A_351 : i32 to index
        %swap3A_429 = arith.index_cast %mul3A_400 : i32 to index
        %swap3A_430 = tpu.vector_load %swap3A_427[%swap3A_428, %swap3A_429] {strides = array<i32>} : memref<16x768xf32, #tpu.memory_space<vmem>>, vector<16xf32>,
        tpu.vector_store %swap3A_427[%swap3A_428, %swap3A_429], %add3A_423 {strides = array<i32>} : memref<16x768xf32, #tpu.memory_space<vmem>>, vector<16xf32>,
        %mul3A_431 = arith.constant 3 : i32
        %mul3A_432 = arith.muli %scan3A_358, %mul3A_431 : i32
        %add3A_433 = arith.constant 2 : i32
        %add3A_434 = arith.addi %mul3A_432, %add3A_433 : i32
        %mul3A_435 = arith.constant 16 : i32
        %mul3A_436 = arith.muli %add3A_434, %mul3A_435 : i32
        %get3A_437 = arith.constant 0 : i32
        %get3A_438 = arith.constant 0 : i32
        %get3A_439 = tpu.memref_slice %arg10[%scan3A_120, %get3A_437, %get3A_438] : memref<2x16x768xf32, #tpu.memory_space<vmem>> -> memref<1x16x768xf32, #tpu.memory_space<vmem>>
        %get3A_440 = tpu.memref_squeeze %get3A_439 : memref<1x16x768xf32, #tpu.memory_space<vmem>> -> memref<16x768xf32, #tpu.memory_space<vmem>>
        %get3A_441 = arith.index_cast %scan3A_351 : i32 to index
        %get3A_442 = arith.index_cast %mul3A_436 : i32 to index
        %get3A_443 = tpu.vector_load %get3A_440[%get3A_441, %get3A_442] {strides = array<i32>} : memref<16x768xf32, #tpu.memory_space<vmem>>, vector<16xf32>,
        %get3A_444 = arith.constant 0 : i32
        %get3A_445 = arith.constant 0 : i32
        %get3A_446 = tpu.memref_slice %arg11[%scan3A_121, %get3A_444, %get3A_445] : memref<2x16x768xf32, #tpu.memory_space<vmem>> -> memref<1x16x768xf32, #tpu.memory_space<vmem>>
        %get3A_447 = tpu.memref_squeeze %get3A_446 : memref<1x16x768xf32, #tpu.memory_space<vmem>> -> memref<16x768xf32, #tpu.memory_space<vmem>>
        %get3A_448 = arith.index_cast %scan3A_351 : i32 to index
        %get3A_449 = arith.index_cast %mul3A_436 : i32 to index
        %get3A_450 = tpu.vector_load %get3A_447[%get3A_448, %get3A_449] {strides = array<i32>} : memref<16x768xf32, #tpu.memory_space<vmem>>, vector<16xf32>,
        %add3A_451 = arith.addf %get3A_443, %get3A_450 : vector<16xf32>
        %get3A_452 = arith.constant 0 : i32
        %get3A_453 = arith.constant 0 : i32
        %get3A_454 = tpu.memref_slice %arg12[%scan3A_122, %get3A_452, %get3A_453] : memref<2x16x768xf32, #tpu.memory_space<vmem>> -> memref<1x16x768xf32, #tpu.memory_space<vmem>>
        %get3A_455 = tpu.memref_squeeze %get3A_454 : memref<1x16x768xf32, #tpu.memory_space<vmem>> -> memref<16x768xf32, #tpu.memory_space<vmem>>
        %get3A_456 = arith.index_cast %scan3A_351 : i32 to index
        %get3A_457 = arith.index_cast %mul3A_436 : i32 to index
        %get3A_458 = tpu.vector_load %get3A_455[%get3A_456, %get3A_457] {strides = array<i32>} : memref<16x768xf32, #tpu.memory_space<vmem>>, vector<16xf32>,
        %add3A_459 = arith.addf %add3A_451, %get3A_458 : vector<16xf32>
        %swap3A_460 = arith.constant 0 : i32
        %swap3A_461 = arith.constant 0 : i32
        %swap3A_462 = tpu.memref_slice %arg10[%scan3A_120, %swap3A_460, %swap3A_461] : memref<2x16x768xf32, #tpu.memory_space<vmem>> -> memref<1x16x768xf32, #tpu.memory_space<vmem>>
        %swap3A_463 = tpu.memref_squeeze %swap3A_462 : memref<1x16x768xf32, #tpu.memory_space<vmem>> -> memref<16x768xf32, #tpu.memory_space<vmem>>
        %swap3A_464 = arith.index_cast %scan3A_351 : i32 to index
        %swap3A_465 = arith.index_cast %mul3A_436 : i32 to index
        %swap3A_466 = tpu.vector_load %swap3A_463[%swap3A_464, %swap3A_465] {strides = array<i32>} : memref<16x768xf32, #tpu.memory_space<vmem>>, vector<16xf32>,
        tpu.vector_store %swap3A_463[%swap3A_464, %swap3A_465], %add3A_459 {strides = array<i32>} : memref<16x768xf32, #tpu.memory_space<vmem>>, vector<16xf32>,
      }
      %scan3A_357 = arith.constant 16 : i32
    }
    %scan3A_127 = arith.constant 16 : i32
    %add3A_128 = arith.constant 0 : i32
    %add3A_129 = arith.addi %mul3A_2, %add3A_128 : i32
    %run_scoped3A = arith.constant 0 : i32
    "tpu.region"() ({
      %run_scoped3A_351 = tpu.sem_alloc : memref<!tpu.dma_semaphore, #tpu.memory_space<semaphore_mem>>
      %dma_start3A_352 = arith.constant 0 : i32
      %dma_start3A_353 = arith.constant 0 : i32
      %dma_start3A_354 = tpu.memref_slice %arg10[%run_scoped3A, %dma_start3A_352, %dma_start3A_353] : memref<2x16x768xf32, #tpu.memory_space<vmem>> -> memref<1x16x768xf32, #tpu.memory_space<vmem>>
      %dma_start3A_355 = tpu.memref_squeeze %dma_start3A_354 : memref<1x16x768xf32, #tpu.memory_space<vmem>> -> memref<16x768xf32, #tpu.memory_space<vmem>>
      %dma_start3A_356 = arith.constant 0 : i32
      %dma_start3A_357 = tpu.memref_slice %arg5[%add3A_129, %dma_start3A_356] : memref<2048x768xf32, #tpu.memory_space<hbm>> -> memref<16x768xf32, #tpu.memory_space<hbm>>
      %dma_start3A_358 = arith.constant 0 : i32
      %dma_start3A_359 = tpu.memref_slice %arg5[%add3A_129, %dma_start3A_358] : memref<2048x768xf32, #tpu.memory_space<hbm>> -> memref<16x768xf32, #tpu.memory_space<hbm>>
      %dma_start3A_360 = arith.constant 0 : i32
      %dma_start3A_361 = arith.constant 0 : i32
      %dma_start3A_362 = tpu.memref_slice %arg10[%run_scoped3A, %dma_start3A_360, %dma_start3A_361] : memref<2x16x768xf32, #tpu.memory_space<vmem>> -> memref<1x16x768xf32, #tpu.memory_space<vmem>>
      %dma_start3A_363 = tpu.memref_squeeze %dma_start3A_362 : memref<1x16x768xf32, #tpu.memory_space<vmem>> -> memref<16x768xf32, #tpu.memory_space<vmem>>
      tpu.enqueue_dma source(%dma_start3A_363 : memref<16x768xf32, #tpu.memory_space<vmem>>) target(%dma_start3A_359 : memref<16x768xf32, #tpu.memory_space<hbm>>) target_semaphore(%run_scoped3A_351 : memref<!tpu.dma_semaphore, #tpu.memory_space<semaphore_mem>>)
      %dma_wait3A_364 = arith.constant 0 : i32
      %dma_wait3A_365 = arith.constant 0 : i32
      %dma_wait3A_366 = tpu.memref_slice %arg10[%run_scoped3A, %dma_wait3A_364, %dma_wait3A_365] : memref<2x16x768xf32, #tpu.memory_space<vmem>> -> memref<1x16x768xf32, #tpu.memory_space<vmem>>
      %dma_wait3A_367 = tpu.memref_squeeze %dma_wait3A_366 : memref<1x16x768xf32, #tpu.memory_space<vmem>> -> memref<16x768xf32, #tpu.memory_space<vmem>>
      %dma_wait3A_368 = arith.constant 0 : i32
      %dma_wait3A_369 = tpu.memref_slice %arg5[%add3A_129, %dma_wait3A_368] : memref<2048x768xf32, #tpu.memory_space<hbm>> -> memref<16x768xf32, #tpu.memory_space<hbm>>
      %dma_wait3A_370 = arith.constant 0 : i32
      %dma_wait3A_371 = tpu.memref_slice %arg5[%add3A_129, %dma_wait3A_370] : memref<2048x768xf32, #tpu.memory_space<hbm>> -> memref<16x768xf32, #tpu.memory_space<hbm>>
      %dma_wait3A_372 = arith.constant 0 : i32
      %dma_wait3A_373 = arith.constant 0 : i32
      %dma_wait3A_374 = tpu.memref_slice %arg10[%run_scoped3A, %dma_wait3A_372, %dma_wait3A_373] : memref<2x16x768xf32, #tpu.memory_space<vmem>> -> memref<1x16x768xf32, #tpu.memory_space<vmem>>
      %dma_wait3A_375 = tpu.memref_squeeze %dma_wait3A_374 : memref<1x16x768xf32, #tpu.memory_space<vmem>> -> memref<16x768xf32, #tpu.memory_space<vmem>>
      tpu.wait_dma2 semaphore(%run_scoped3A_351 : memref<!tpu.dma_semaphore, #tpu.memory_space<semaphore_mem>>) src(%dma_wait3A_375 : memref<16x768xf32, #tpu.memory_space<vmem>>) dst(%dma_wait3A_371 : memref<16x768xf32, #tpu.memory_space<hbm>>)
      tpu.yield
    }) : () -> ()
    %get3A_130 = arith.constant 32 : index
    %get3A_131 = tpu.vector_load %arg6[%get3A_130] {strides = array<i32>} : memref<64xi32, #tpu.memory_space<vmem>>, vector<16xi32>,
    %swap3A_132 = arith.constant 0 : index
    %swap3A_133 = tpu.vector_load %arg8[%swap3A_132] {strides = array<i32>} : memref<32xi32, #tpu.memory_space<vmem>>, vector<16xi32>,
    tpu.vector_store %arg8[%swap3A_132], %get3A_131 {strides = array<i32>} : memref<32xi32, #tpu.memory_space<vmem>>, vector<16xi32>,
    %get3A_134 = arith.constant 32 : index
    %get3A_135 = tpu.vector_load %arg7[%get3A_134] {strides = array<i32>} : memref<64xi32, #tpu.memory_space<vmem>>, vector<16xi32>,
    %swap3A_136 = arith.constant 0 : index
    %swap3A_137 = tpu.vector_load %arg9[%swap3A_136] {strides = array<i32>} : memref<32xi32, #tpu.memory_space<vmem>>, vector<16xi32>,
    tpu.vector_store %arg9[%swap3A_136], %get3A_135 {strides = array<i32>} : memref<32xi32, #tpu.memory_space<vmem>>, vector<16xi32>,
    %dma_start3A_138 = arith.constant 0 : i32
    %dma_start3A_139 = arith.constant 0 : i32
    %dma_start3A_140 = arith.constant 0 : i32
    %dma_start3A_141 = tpu.memref_slice %arg10[%dma_start3A_138, %dma_start3A_139, %dma_start3A_140] : memref<2x16x768xf32, #tpu.memory_space<vmem>> -> memref<1x16x768xf32, #tpu.memory_space<vmem>>
    %dma_start3A_142 = tpu.memref_squeeze %dma_start3A_141 : memref<1x16x768xf32, #tpu.memory_space<vmem>> -> memref<16x768xf32, #tpu.memory_space<vmem>>
    %dma_start3A_143 = arith.constant 0 : i32
    %dma_start3A_144 = tpu.memref_slice %arg8[%dma_start3A_143] : memref<32xi32, #tpu.memory_space<vmem>> -> memref<16xi32, #tpu.memory_space<vmem>>
    %dma_start3A_145 = arith.constant 0 : i32
    %dma_start3A_146 = arith.constant 0 : i32
    %dma_start3A_147 = tpu.memref_slice %arg2[%dma_start3A_145, %dma_start3A_146] : memref<6144x768xf32, #tpu.memory_space<hbm>> -> memref<6144x768xf32, #tpu.memory_space<hbm>>
    tpu.enqueue_indirect_dma source(%dma_start3A_147 : memref<6144x768xf32, #tpu.memory_space<hbm>>) target(%dma_start3A_142 : memref<16x768xf32, #tpu.memory_space<vmem>>) offsets(%dma_start3A_144 : memref<16xi32, #tpu.memory_space<vmem>>) semaphore(%arg13 : memref<!tpu.dma_semaphore, #tpu.memory_space<semaphore_mem>>)
    %dma_start3A_148 = arith.constant 0 : i32
    %dma_start3A_149 = arith.constant 0 : i32
    %dma_start3A_150 = arith.constant 0 : i32
    %dma_start3A_151 = tpu.memref_slice %arg11[%dma_start3A_148, %dma_start3A_149, %dma_start3A_150] : memref<2x16x768xf32, #tpu.memory_space<vmem>> -> memref<1x16x768xf32, #tpu.memory_space<vmem>>
    %dma_start3A_152 = tpu.memref_squeeze %dma_start3A_151 : memref<1x16x768xf32, #tpu.memory_space<vmem>> -> memref<16x768xf32, #tpu.memory_space<vmem>>
    %dma_start3A_153 = arith.constant 0 : i32
    %dma_start3A_154 = tpu.memref_slice %arg9[%dma_start3A_153] : memref<32xi32, #tpu.memory_space<vmem>> -> memref<16xi32, #tpu.memory_space<vmem>>
    %dma_start3A_155 = arith.constant 0 : i32
    %dma_start3A_156 = arith.constant 0 : i32
    %dma_start3A_157 = tpu.memref_slice %arg2[%dma_start3A_155, %dma_start3A_156] : memref<6144x768xf32, #tpu.memory_space<hbm>> -> memref<6144x768xf32, #tpu.memory_space<hbm>>
    tpu.enqueue_indirect_dma source(%dma_start3A_157 : memref<6144x768xf32, #tpu.memory_space<hbm>>) target(%dma_start3A_152 : memref<16x768xf32, #tpu.memory_space<vmem>>) offsets(%dma_start3A_154 : memref<16xi32, #tpu.memory_space<vmem>>) semaphore(%arg13 : memref<!tpu.dma_semaphore, #tpu.memory_space<semaphore_mem>>)
    %add3A_158 = arith.constant 32 : i32
    %add3A_159 = arith.addi %mul3A_2, %add3A_158 : i32
    %dma_start3A_160 = arith.constant 0 : i32
    %dma_start3A_161 = arith.constant 0 : i32
    %dma_start3A_162 = arith.constant 0 : i32
    %dma_start3A_163 = tpu.memref_slice %arg12[%dma_start3A_160, %dma_start3A_161, %dma_start3A_162] : memref<2x16x768xf32, #tpu.memory_space<vmem>> -> memref<1x16x768xf32, #tpu.memory_space<vmem>>
    %dma_start3A_164 = tpu.memref_squeeze %dma_start3A_163 : memref<1x16x768xf32, #tpu.memory_space<vmem>> -> memref<16x768xf32, #tpu.memory_space<vmem>>
    %dma_start3A_165 = arith.constant 0 : i32
    %dma_start3A_166 = tpu.memref_slice %arg3[%add3A_159, %dma_start3A_165] : memref<2048x768xf32, #tpu.memory_space<hbm>> -> memref<16x768xf32, #tpu.memory_space<hbm>>
    %dma_start3A_167 = arith.constant 0 : i32
    %dma_start3A_168 = arith.constant 0 : i32
    %dma_start3A_169 = tpu.memref_slice %arg12[%dma_start3A_160, %dma_start3A_167, %dma_start3A_168] : memref<2x16x768xf32, #tpu.memory_space<vmem>> -> memref<1x16x768xf32, #tpu.memory_space<vmem>>
    %dma_start3A_170 = tpu.memref_squeeze %dma_start3A_169 : memref<1x16x768xf32, #tpu.memory_space<vmem>> -> memref<16x768xf32, #tpu.memory_space<vmem>>
    %dma_start3A_171 = arith.constant 0 : i32
    %dma_start3A_172 = tpu.memref_slice %arg3[%add3A_159, %dma_start3A_171] : memref<2048x768xf32, #tpu.memory_space<hbm>> -> memref<16x768xf32, #tpu.memory_space<hbm>>
    tpu.enqueue_dma source(%dma_start3A_172 : memref<16x768xf32, #tpu.memory_space<hbm>>) target(%dma_start3A_170 : memref<16x768xf32, #tpu.memory_space<vmem>>) target_semaphore(%arg13 : memref<!tpu.dma_semaphore, #tpu.memory_space<semaphore_mem>>)
    %dma_wait3A_173 = arith.constant 1 : i32
    %dma_wait3A_174 = arith.constant 0 : i32
    %dma_wait3A_175 = arith.constant 0 : i32
    %dma_wait3A_176 = tpu.memref_slice %arg10[%dma_wait3A_173, %dma_wait3A_174, %dma_wait3A_175] : memref<2x16x768xf32, #tpu.memory_space<vmem>> -> memref<1x16x768xf32, #tpu.memory_space<vmem>>
    %dma_wait3A_177 = tpu.memref_squeeze %dma_wait3A_176 : memref<1x16x768xf32, #tpu.memory_space<vmem>> -> memref<16x768xf32, #tpu.memory_space<vmem>>
    %dma_wait3A_178 = arith.constant 16 : i32
    %dma_wait3A_179 = tpu.memref_slice %arg8[%dma_wait3A_178] : memref<32xi32, #tpu.memory_space<vmem>> -> memref<16xi32, #tpu.memory_space<vmem>>
    %dma_wait3A_180 = arith.constant 0 : i32
    %dma_wait3A_181 = arith.constant 0 : i32
    %dma_wait3A_182 = tpu.memref_slice %arg2[%dma_wait3A_180, %dma_wait3A_181] : memref<6144x768xf32, #tpu.memory_space<hbm>> -> memref<6144x768xf32, #tpu.memory_space<hbm>>
    tpu.wait_indirect_dma semaphore(%arg14 : memref<!tpu.dma_semaphore, #tpu.memory_space<semaphore_mem>>) src(%dma_wait3A_182 : memref<6144x768xf32, #tpu.memory_space<hbm>>) dst(%dma_wait3A_177 : memref<16x768xf32, #tpu.memory_space<vmem>>)
    %dma_wait3A_183 = arith.constant 1 : i32
    %dma_wait3A_184 = arith.constant 0 : i32
    %dma_wait3A_185 = arith.constant 0 : i32
    %dma_wait3A_186 = tpu.memref_slice %arg11[%dma_wait3A_183, %dma_wait3A_184, %dma_wait3A_185] : memref<2x16x768xf32, #tpu.memory_space<vmem>> -> memref<1x16x768xf32, #tpu.memory_space<vmem>>
    %dma_wait3A_187 = tpu.memref_squeeze %dma_wait3A_186 : memref<1x16x768xf32, #tpu.memory_space<vmem>> -> memref<16x768xf32, #tpu.memory_space<vmem>>
    %dma_wait3A_188 = arith.constant 16 : i32
    %dma_wait3A_189 = tpu.memref_slice %arg9[%dma_wait3A_188] : memref<32xi32, #tpu.memory_space<vmem>> -> memref<16xi32, #tpu.memory_space<vmem>>
    %dma_wait3A_190 = arith.constant 0 : i32
    %dma_wait3A_191 = arith.constant 0 : i32
    %dma_wait3A_192 = tpu.memref_slice %arg2[%dma_wait3A_190, %dma_wait3A_191] : memref<6144x768xf32, #tpu.memory_space<hbm>> -> memref<6144x768xf32, #tpu.memory_space<hbm>>
    tpu.wait_indirect_dma semaphore(%arg14 : memref<!tpu.dma_semaphore, #tpu.memory_space<semaphore_mem>>) src(%dma_wait3A_192 : memref<6144x768xf32, #tpu.memory_space<hbm>>) dst(%dma_wait3A_187 : memref<16x768xf32, #tpu.memory_space<vmem>>)
    %dma_wait3A_193 = arith.constant 1 : i32
    %dma_wait3A_194 = arith.constant 0 : i32
    %dma_wait3A_195 = arith.constant 0 : i32
    %dma_wait3A_196 = tpu.memref_slice %arg12[%dma_wait3A_193, %dma_wait3A_194, %dma_wait3A_195] : memref<2x16x768xf32, #tpu.memory_space<vmem>> -> memref<1x16x768xf32, #tpu.memory_space<vmem>>
    %dma_wait3A_197 = tpu.memref_squeeze %dma_wait3A_196 : memref<1x16x768xf32, #tpu.memory_space<vmem>> -> memref<16x768xf32, #tpu.memory_space<vmem>>
    %dma_wait3A_198 = arith.constant 0 : i32
    %dma_wait3A_199 = tpu.memref_slice %arg3[%add3A_74, %dma_wait3A_198] : memref<2048x768xf32, #tpu.memory_space<hbm>> -> memref<16x768xf32, #tpu.memory_space<hbm>>
    %dma_wait3A_200 = arith.constant 0 : i32
    %dma_wait3A_201 = arith.constant 0 : i32
    %dma_wait3A_202 = tpu.memref_slice %arg12[%dma_wait3A_193, %dma_wait3A_200, %dma_wait3A_201] : memref<2x16x768xf32, #tpu.memory_space<vmem>> -> memref<1x16x768xf32, #tpu.memory_space<vmem>>
    %dma_wait3A_203 = tpu.memref_squeeze %dma_wait3A_202 : memref<1x16x768xf32, #tpu.memory_space<vmem>> -> memref<16x768xf32, #tpu.memory_space<vmem>>
    %dma_wait3A_204 = arith.constant 0 : i32
    %dma_wait3A_205 = tpu.memref_slice %arg3[%add3A_74, %dma_wait3A_204] : memref<2048x768xf32, #tpu.memory_space<hbm>> -> memref<16x768xf32, #tpu.memory_space<hbm>>
    tpu.wait_dma2 semaphore(%arg14 : memref<!tpu.dma_semaphore, #tpu.memory_space<semaphore_mem>>) src(%dma_wait3A_205 : memref<16x768xf32, #tpu.memory_space<hbm>>) dst(%dma_wait3A_203 : memref<16x768xf32, #tpu.memory_space<vmem>>)
    %scan3A_206 = arith.constant 0 : i32
    %scan3A_207 = arith.constant 1 : i32
    %scan3A_208 = arith.constant 1 : i32
    %scan3A_209 = arith.constant 1 : i32
    %scan3A_210 = arith.constant 0 : i32
    %scan3A_211 = arith.constant 16 : i32
    %scan3A_212 = arith.addi %scan3A_210, %scan3A_211 : i32
    %scan3A_213 = arith.constant 1 : i32
    scf.for %scan3A_351 = %scan3A_210 to %scan3A_212 step %scan3A_213  : i32 {
      %scan3A_352 = arith.constant 0 : i32
      %scan3A_353 = arith.constant 0 : i32
      %scan3A_354 = arith.constant 16 : i32
      %scan3A_355 = arith.addi %scan3A_353, %scan3A_354 : i32
      %scan3A_356 = arith.constant 1 : i32
      scf.for %scan3A_358 = %scan3A_353 to %scan3A_355 step %scan3A_356  : i32 {
        %mul3A_359 = arith.constant 3 : i32
        %mul3A_360 = arith.muli %scan3A_358, %mul3A_359 : i32
        %add3A_361 = arith.constant 0 : i32
        %add3A_362 = arith.addi %mul3A_360, %add3A_361 : i32
        %mul3A_363 = arith.constant 16 : i32
        %mul3A_364 = arith.muli %add3A_362, %mul3A_363 : i32
        %get3A_365 = arith.constant 0 : i32
        %get3A_366 = arith.constant 0 : i32
        %get3A_367 = tpu.memref_slice %arg10[%scan3A_207, %get3A_365, %get3A_366] : memref<2x16x768xf32, #tpu.memory_space<vmem>> -> memref<1x16x768xf32, #tpu.memory_space<vmem>>
        %get3A_368 = tpu.memref_squeeze %get3A_367 : memref<1x16x768xf32, #tpu.memory_space<vmem>> -> memref<16x768xf32, #tpu.memory_space<vmem>>
        %get3A_369 = arith.index_cast %scan3A_351 : i32 to index
        %get3A_370 = arith.index_cast %mul3A_364 : i32 to index
        %get3A_371 = tpu.vector_load %get3A_368[%get3A_369, %get3A_370] {strides = array<i32>} : memref<16x768xf32, #tpu.memory_space<vmem>>, vector<16xf32>,
        %get3A_372 = arith.constant 0 : i32
        %get3A_373 = arith.constant 0 : i32
        %get3A_374 = tpu.memref_slice %arg11[%scan3A_208, %get3A_372, %get3A_373] : memref<2x16x768xf32, #tpu.memory_space<vmem>> -> memref<1x16x768xf32, #tpu.memory_space<vmem>>
        %get3A_375 = tpu.memref_squeeze %get3A_374 : memref<1x16x768xf32, #tpu.memory_space<vmem>> -> memref<16x768xf32, #tpu.memory_space<vmem>>
        %get3A_376 = arith.index_cast %scan3A_351 : i32 to index
        %get3A_377 = arith.index_cast %mul3A_364 : i32 to index
        %get3A_378 = tpu.vector_load %get3A_375[%get3A_376, %get3A_377] {strides = array<i32>} : memref<16x768xf32, #tpu.memory_space<vmem>>, vector<16xf32>,
        %add3A_379 = arith.addf %get3A_371, %get3A_378 : vector<16xf32>
        %get3A_380 = arith.constant 0 : i32
        %get3A_381 = arith.constant 0 : i32
        %get3A_382 = tpu.memref_slice %arg12[%scan3A_209, %get3A_380, %get3A_381] : memref<2x16x768xf32, #tpu.memory_space<vmem>> -> memref<1x16x768xf32, #tpu.memory_space<vmem>>
        %get3A_383 = tpu.memref_squeeze %get3A_382 : memref<1x16x768xf32, #tpu.memory_space<vmem>> -> memref<16x768xf32, #tpu.memory_space<vmem>>
        %get3A_384 = arith.index_cast %scan3A_351 : i32 to index
        %get3A_385 = arith.index_cast %mul3A_364 : i32 to index
        %get3A_386 = tpu.vector_load %get3A_383[%get3A_384, %get3A_385] {strides = array<i32>} : memref<16x768xf32, #tpu.memory_space<vmem>>, vector<16xf32>,
        %add3A_387 = arith.addf %add3A_379, %get3A_386 : vector<16xf32>
        %swap3A_388 = arith.constant 0 : i32
        %swap3A_389 = arith.constant 0 : i32
        %swap3A_390 = tpu.memref_slice %arg10[%scan3A_207, %swap3A_388, %swap3A_389] : memref<2x16x768xf32, #tpu.memory_space<vmem>> -> memref<1x16x768xf32, #tpu.memory_space<vmem>>
        %swap3A_391 = tpu.memref_squeeze %swap3A_390 : memref<1x16x768xf32, #tpu.memory_space<vmem>> -> memref<16x768xf32, #tpu.memory_space<vmem>>
        %swap3A_392 = arith.index_cast %scan3A_351 : i32 to index
        %swap3A_393 = arith.index_cast %mul3A_364 : i32 to index
        %swap3A_394 = tpu.vector_load %swap3A_391[%swap3A_392, %swap3A_393] {strides = array<i32>} : memref<16x768xf32, #tpu.memory_space<vmem>>, vector<16xf32>,
        tpu.vector_store %swap3A_391[%swap3A_392, %swap3A_393], %add3A_387 {strides = array<i32>} : memref<16x768xf32, #tpu.memory_space<vmem>>, vector<16xf32>,
        %mul3A_395 = arith.constant 3 : i32
        %mul3A_396 = arith.muli %scan3A_358, %mul3A_395 : i32
        %add3A_397 = arith.constant 1 : i32
        %add3A_398 = arith.addi %mul3A_396, %add3A_397 : i32
        %mul3A_399 = arith.constant 16 : i32
        %mul3A_400 = arith.muli %add3A_398, %mul3A_399 : i32
        %get3A_401 = arith.constant 0 : i32
        %get3A_402 = arith.constant 0 : i32
        %get3A_403 = tpu.memref_slice %arg10[%scan3A_207, %get3A_401, %get3A_402] : memref<2x16x768xf32, #tpu.memory_space<vmem>> -> memref<1x16x768xf32, #tpu.memory_space<vmem>>
        %get3A_404 = tpu.memref_squeeze %get3A_403 : memref<1x16x768xf32, #tpu.memory_space<vmem>> -> memref<16x768xf32, #tpu.memory_space<vmem>>
        %get3A_405 = arith.index_cast %scan3A_351 : i32 to index
        %get3A_406 = arith.index_cast %mul3A_400 : i32 to index
        %get3A_407 = tpu.vector_load %get3A_404[%get3A_405, %get3A_406] {strides = array<i32>} : memref<16x768xf32, #tpu.memory_space<vmem>>, vector<16xf32>,
        %get3A_408 = arith.constant 0 : i32
        %get3A_409 = arith.constant 0 : i32
        %get3A_410 = tpu.memref_slice %arg11[%scan3A_208, %get3A_408, %get3A_409] : memref<2x16x768xf32, #tpu.memory_space<vmem>> -> memref<1x16x768xf32, #tpu.memory_space<vmem>>
        %get3A_411 = tpu.memref_squeeze %get3A_410 : memref<1x16x768xf32, #tpu.memory_space<vmem>> -> memref<16x768xf32, #tpu.memory_space<vmem>>
        %get3A_412 = arith.index_cast %scan3A_351 : i32 to index
        %get3A_413 = arith.index_cast %mul3A_400 : i32 to index
        %get3A_414 = tpu.vector_load %get3A_411[%get3A_412, %get3A_413] {strides = array<i32>} : memref<16x768xf32, #tpu.memory_space<vmem>>, vector<16xf32>,
        %add3A_415 = arith.addf %get3A_407, %get3A_414 : vector<16xf32>
        %get3A_416 = arith.constant 0 : i32
        %get3A_417 = arith.constant 0 : i32
        %get3A_418 = tpu.memref_slice %arg12[%scan3A_209, %get3A_416, %get3A_417] : memref<2x16x768xf32, #tpu.memory_space<vmem>> -> memref<1x16x768xf32, #tpu.memory_space<vmem>>
        %get3A_419 = tpu.memref_squeeze %get3A_418 : memref<1x16x768xf32, #tpu.memory_space<vmem>> -> memref<16x768xf32, #tpu.memory_space<vmem>>
        %get3A_420 = arith.index_cast %scan3A_351 : i32 to index
        %get3A_421 = arith.index_cast %mul3A_400 : i32 to index
        %get3A_422 = tpu.vector_load %get3A_419[%get3A_420, %get3A_421] {strides = array<i32>} : memref<16x768xf32, #tpu.memory_space<vmem>>, vector<16xf32>,
        %add3A_423 = arith.addf %add3A_415, %get3A_422 : vector<16xf32>
        %swap3A_424 = arith.constant 0 : i32
        %swap3A_425 = arith.constant 0 : i32
        %swap3A_426 = tpu.memref_slice %arg10[%scan3A_207, %swap3A_424, %swap3A_425] : memref<2x16x768xf32, #tpu.memory_space<vmem>> -> memref<1x16x768xf32, #tpu.memory_space<vmem>>
        %swap3A_427 = tpu.memref_squeeze %swap3A_426 : memref<1x16x768xf32, #tpu.memory_space<vmem>> -> memref<16x768xf32, #tpu.memory_space<vmem>>
        %swap3A_428 = arith.index_cast %scan3A_351 : i32 to index
        %swap3A_429 = arith.index_cast %mul3A_400 : i32 to index
        %swap3A_430 = tpu.vector_load %swap3A_427[%swap3A_428, %swap3A_429] {strides = array<i32>} : memref<16x768xf32, #tpu.memory_space<vmem>>, vector<16xf32>,
        tpu.vector_store %swap3A_427[%swap3A_428, %swap3A_429], %add3A_423 {strides = array<i32>} : memref<16x768xf32, #tpu.memory_space<vmem>>, vector<16xf32>,
        %mul3A_431 = arith.constant 3 : i32
        %mul3A_432 = arith.muli %scan3A_358, %mul3A_431 : i32
        %add3A_433 = arith.constant 2 : i32
        %add3A_434 = arith.addi %mul3A_432, %add3A_433 : i32
        %mul3A_435 = arith.constant 16 : i32
        %mul3A_436 = arith.muli %add3A_434, %mul3A_435 : i32
        %get3A_437 = arith.constant 0 : i32
        %get3A_438 = arith.constant 0 : i32
        %get3A_439 = tpu.memref_slice %arg10[%scan3A_207, %get3A_437, %get3A_438] : memref<2x16x768xf32, #tpu.memory_space<vmem>> -> memref<1x16x768xf32, #tpu.memory_space<vmem>>
        %get3A_440 = tpu.memref_squeeze %get3A_439 : memref<1x16x768xf32, #tpu.memory_space<vmem>> -> memref<16x768xf32, #tpu.memory_space<vmem>>
        %get3A_441 = arith.index_cast %scan3A_351 : i32 to index
        %get3A_442 = arith.index_cast %mul3A_436 : i32 to index
        %get3A_443 = tpu.vector_load %get3A_440[%get3A_441, %get3A_442] {strides = array<i32>} : memref<16x768xf32, #tpu.memory_space<vmem>>, vector<16xf32>,
        %get3A_444 = arith.constant 0 : i32
        %get3A_445 = arith.constant 0 : i32
        %get3A_446 = tpu.memref_slice %arg11[%scan3A_208, %get3A_444, %get3A_445] : memref<2x16x768xf32, #tpu.memory_space<vmem>> -> memref<1x16x768xf32, #tpu.memory_space<vmem>>
        %get3A_447 = tpu.memref_squeeze %get3A_446 : memref<1x16x768xf32, #tpu.memory_space<vmem>> -> memref<16x768xf32, #tpu.memory_space<vmem>>
        %get3A_448 = arith.index_cast %scan3A_351 : i32 to index
        %get3A_449 = arith.index_cast %mul3A_436 : i32 to index
        %get3A_450 = tpu.vector_load %get3A_447[%get3A_448, %get3A_449] {strides = array<i32>} : memref<16x768xf32, #tpu.memory_space<vmem>>, vector<16xf32>,
        %add3A_451 = arith.addf %get3A_443, %get3A_450 : vector<16xf32>
        %get3A_452 = arith.constant 0 : i32
        %get3A_453 = arith.constant 0 : i32
        %get3A_454 = tpu.memref_slice %arg12[%scan3A_209, %get3A_452, %get3A_453] : memref<2x16x768xf32, #tpu.memory_space<vmem>> -> memref<1x16x768xf32, #tpu.memory_space<vmem>>
        %get3A_455 = tpu.memref_squeeze %get3A_454 : memref<1x16x768xf32, #tpu.memory_space<vmem>> -> memref<16x768xf32, #tpu.memory_space<vmem>>
        %get3A_456 = arith.index_cast %scan3A_351 : i32 to index
        %get3A_457 = arith.index_cast %mul3A_436 : i32 to index
        %get3A_458 = tpu.vector_load %get3A_455[%get3A_456, %get3A_457] {strides = array<i32>} : memref<16x768xf32, #tpu.memory_space<vmem>>, vector<16xf32>,
        %add3A_459 = arith.addf %add3A_451, %get3A_458 : vector<16xf32>
        %swap3A_460 = arith.constant 0 : i32
        %swap3A_461 = arith.constant 0 : i32
        %swap3A_462 = tpu.memref_slice %arg10[%scan3A_207, %swap3A_460, %swap3A_461] : memref<2x16x768xf32, #tpu.memory_space<vmem>> -> memref<1x16x768xf32, #tpu.memory_space<vmem>>
        %swap3A_463 = tpu.memref_squeeze %swap3A_462 : memref<1x16x768xf32, #tpu.memory_space<vmem>> -> memref<16x768xf32, #tpu.memory_space<vmem>>
        %swap3A_464 = arith.index_cast %scan3A_351 : i32 to index
        %swap3A_465 = arith.index_cast %mul3A_436 : i32 to index
        %swap3A_466 = tpu.vector_load %swap3A_463[%swap3A_464, %swap3A_465] {strides = array<i32>} : memref<16x768xf32, #tpu.memory_space<vmem>>, vector<16xf32>,
        tpu.vector_store %swap3A_463[%swap3A_464, %swap3A_465], %add3A_459 {strides = array<i32>} : memref<16x768xf32, #tpu.memory_space<vmem>>, vector<16xf32>,
      }
      %scan3A_357 = arith.constant 16 : i32
    }
    %scan3A_214 = arith.constant 16 : i32
    %add3A_215 = arith.constant 16 : i32
    %add3A_216 = arith.addi %mul3A_2, %add3A_215 : i32
    %run_scoped3A_217 = arith.constant 1 : i32
    "tpu.region"() ({
      %run_scoped3A_351 = tpu.sem_alloc : memref<!tpu.dma_semaphore, #tpu.memory_space<semaphore_mem>>
      %dma_start3A_352 = arith.constant 0 : i32
      %dma_start3A_353 = arith.constant 0 : i32
      %dma_start3A_354 = tpu.memref_slice %arg10[%run_scoped3A_217, %dma_start3A_352, %dma_start3A_353] : memref<2x16x768xf32, #tpu.memory_space<vmem>> -> memref<1x16x768xf32, #tpu.memory_space<vmem>>
      %dma_start3A_355 = tpu.memref_squeeze %dma_start3A_354 : memref<1x16x768xf32, #tpu.memory_space<vmem>> -> memref<16x768xf32, #tpu.memory_space<vmem>>
      %dma_start3A_356 = arith.constant 0 : i32
      %dma_start3A_357 = tpu.memref_slice %arg5[%add3A_216, %dma_start3A_356] : memref<2048x768xf32, #tpu.memory_space<hbm>> -> memref<16x768xf32, #tpu.memory_space<hbm>>
      %dma_start3A_358 = arith.constant 0 : i32
      %dma_start3A_359 = tpu.memref_slice %arg5[%add3A_216, %dma_start3A_358] : memref<2048x768xf32, #tpu.memory_space<hbm>> -> memref<16x768xf32, #tpu.memory_space<hbm>>
      %dma_start3A_360 = arith.constant 0 : i32
      %dma_start3A_361 = arith.constant 0 : i32
      %dma_start3A_362 = tpu.memref_slice %arg10[%run_scoped3A_217, %dma_start3A_360, %dma_start3A_361] : memref<2x16x768xf32, #tpu.memory_space<vmem>> -> memref<1x16x768xf32, #tpu.memory_space<vmem>>
      %dma_start3A_363 = tpu.memref_squeeze %dma_start3A_362 : memref<1x16x768xf32, #tpu.memory_space<vmem>> -> memref<16x768xf32, #tpu.memory_space<vmem>>
      tpu.enqueue_dma source(%dma_start3A_363 : memref<16x768xf32, #tpu.memory_space<vmem>>) target(%dma_start3A_359 : memref<16x768xf32, #tpu.memory_space<hbm>>) target_semaphore(%run_scoped3A_351 : memref<!tpu.dma_semaphore, #tpu.memory_space<semaphore_mem>>)
      %dma_wait3A_364 = arith.constant 0 : i32
      %dma_wait3A_365 = arith.constant 0 : i32
      %dma_wait3A_366 = tpu.memref_slice %arg10[%run_scoped3A_217, %dma_wait3A_364, %dma_wait3A_365] : memref<2x16x768xf32, #tpu.memory_space<vmem>> -> memref<1x16x768xf32, #tpu.memory_space<vmem>>
      %dma_wait3A_367 = tpu.memref_squeeze %dma_wait3A_366 : memref<1x16x768xf32, #tpu.memory_space<vmem>> -> memref<16x768xf32, #tpu.memory_space<vmem>>
      %dma_wait3A_368 = arith.constant 0 : i32
      %dma_wait3A_369 = tpu.memref_slice %arg5[%add3A_216, %dma_wait3A_368] : memref<2048x768xf32, #tpu.memory_space<hbm>> -> memref<16x768xf32, #tpu.memory_space<hbm>>
      %dma_wait3A_370 = arith.constant 0 : i32
      %dma_wait3A_371 = tpu.memref_slice %arg5[%add3A_216, %dma_wait3A_370] : memref<2048x768xf32, #tpu.memory_space<hbm>> -> memref<16x768xf32, #tpu.memory_space<hbm>>
      %dma_wait3A_372 = arith.constant 0 : i32
      %dma_wait3A_373 = arith.constant 0 : i32
      %dma_wait3A_374 = tpu.memref_slice %arg10[%run_scoped3A_217, %dma_wait3A_372, %dma_wait3A_373] : memref<2x16x768xf32, #tpu.memory_space<vmem>> -> memref<1x16x768xf32, #tpu.memory_space<vmem>>
      %dma_wait3A_375 = tpu.memref_squeeze %dma_wait3A_374 : memref<1x16x768xf32, #tpu.memory_space<vmem>> -> memref<16x768xf32, #tpu.memory_space<vmem>>
      tpu.wait_dma2 semaphore(%run_scoped3A_351 : memref<!tpu.dma_semaphore, #tpu.memory_space<semaphore_mem>>) src(%dma_wait3A_375 : memref<16x768xf32, #tpu.memory_space<vmem>>) dst(%dma_wait3A_371 : memref<16x768xf32, #tpu.memory_space<hbm>>)
      tpu.yield
    }) : () -> ()
    %get3A_218 = arith.constant 48 : index
    %get3A_219 = tpu.vector_load %arg6[%get3A_218] {strides = array<i32>} : memref<64xi32, #tpu.memory_space<vmem>>, vector<16xi32>,
    %swap3A_220 = arith.constant 16 : index
    %swap3A_221 = tpu.vector_load %arg8[%swap3A_220] {strides = array<i32>} : memref<32xi32, #tpu.memory_space<vmem>>, vector<16xi32>,
    tpu.vector_store %arg8[%swap3A_220], %get3A_219 {strides = array<i32>} : memref<32xi32, #tpu.memory_space<vmem>>, vector<16xi32>,
    %get3A_222 = arith.constant 48 : index
    %get3A_223 = tpu.vector_load %arg7[%get3A_222] {strides = array<i32>} : memref<64xi32, #tpu.memory_space<vmem>>, vector<16xi32>,
    %swap3A_224 = arith.constant 16 : index
    %swap3A_225 = tpu.vector_load %arg9[%swap3A_224] {strides = array<i32>} : memref<32xi32, #tpu.memory_space<vmem>>, vector<16xi32>,
    tpu.vector_store %arg9[%swap3A_224], %get3A_223 {strides = array<i32>} : memref<32xi32, #tpu.memory_space<vmem>>, vector<16xi32>,
    %dma_start3A_226 = arith.constant 1 : i32
    %dma_start3A_227 = arith.constant 0 : i32
    %dma_start3A_228 = arith.constant 0 : i32
    %dma_start3A_229 = tpu.memref_slice %arg10[%dma_start3A_226, %dma_start3A_227, %dma_start3A_228] : memref<2x16x768xf32, #tpu.memory_space<vmem>> -> memref<1x16x768xf32, #tpu.memory_space<vmem>>
    %dma_start3A_230 = tpu.memref_squeeze %dma_start3A_229 : memref<1x16x768xf32, #tpu.memory_space<vmem>> -> memref<16x768xf32, #tpu.memory_space<vmem>>
    %dma_start3A_231 = arith.constant 16 : i32
    %dma_start3A_232 = tpu.memref_slice %arg8[%dma_start3A_231] : memref<32xi32, #tpu.memory_space<vmem>> -> memref<16xi32, #tpu.memory_space<vmem>>
    %dma_start3A_233 = arith.constant 0 : i32
    %dma_start3A_234 = arith.constant 0 : i32
    %dma_start3A_235 = tpu.memref_slice %arg2[%dma_start3A_233, %dma_start3A_234] : memref<6144x768xf32, #tpu.memory_space<hbm>> -> memref<6144x768xf32, #tpu.memory_space<hbm>>
    tpu.enqueue_indirect_dma source(%dma_start3A_235 : memref<6144x768xf32, #tpu.memory_space<hbm>>) target(%dma_start3A_230 : memref<16x768xf32, #tpu.memory_space<vmem>>) offsets(%dma_start3A_232 : memref<16xi32, #tpu.memory_space<vmem>>) semaphore(%arg14 : memref<!tpu.dma_semaphore, #tpu.memory_space<semaphore_mem>>)
    %dma_start3A_236 = arith.constant 1 : i32
    %dma_start3A_237 = arith.constant 0 : i32
    %dma_start3A_238 = arith.constant 0 : i32
    %dma_start3A_239 = tpu.memref_slice %arg11[%dma_start3A_236, %dma_start3A_237, %dma_start3A_238] : memref<2x16x768xf32, #tpu.memory_space<vmem>> -> memref<1x16x768xf32, #tpu.memory_space<vmem>>
    %dma_start3A_240 = tpu.memref_squeeze %dma_start3A_239 : memref<1x16x768xf32, #tpu.memory_space<vmem>> -> memref<16x768xf32, #tpu.memory_space<vmem>>
    %dma_start3A_241 = arith.constant 16 : i32
    %dma_start3A_242 = tpu.memref_slice %arg9[%dma_start3A_241] : memref<32xi32, #tpu.memory_space<vmem>> -> memref<16xi32, #tpu.memory_space<vmem>>
    %dma_start3A_243 = arith.constant 0 : i32
    %dma_start3A_244 = arith.constant 0 : i32
    %dma_start3A_245 = tpu.memref_slice %arg2[%dma_start3A_243, %dma_start3A_244] : memref<6144x768xf32, #tpu.memory_space<hbm>> -> memref<6144x768xf32, #tpu.memory_space<hbm>>
    tpu.enqueue_indirect_dma source(%dma_start3A_245 : memref<6144x768xf32, #tpu.memory_space<hbm>>) target(%dma_start3A_240 : memref<16x768xf32, #tpu.memory_space<vmem>>) offsets(%dma_start3A_242 : memref<16xi32, #tpu.memory_space<vmem>>) semaphore(%arg14 : memref<!tpu.dma_semaphore, #tpu.memory_space<semaphore_mem>>)
    %add3A_246 = arith.constant 48 : i32
    %add3A_247 = arith.addi %mul3A_2, %add3A_246 : i32
    %dma_start3A_248 = arith.constant 1 : i32
    %dma_start3A_249 = arith.constant 0 : i32
    %dma_start3A_250 = arith.constant 0 : i32
    %dma_start3A_251 = tpu.memref_slice %arg12[%dma_start3A_248, %dma_start3A_249, %dma_start3A_250] : memref<2x16x768xf32, #tpu.memory_space<vmem>> -> memref<1x16x768xf32, #tpu.memory_space<vmem>>
    %dma_start3A_252 = tpu.memref_squeeze %dma_start3A_251 : memref<1x16x768xf32, #tpu.memory_space<vmem>> -> memref<16x768xf32, #tpu.memory_space<vmem>>
    %dma_start3A_253 = arith.constant 0 : i32
    %dma_start3A_254 = tpu.memref_slice %arg3[%add3A_247, %dma_start3A_253] : memref<2048x768xf32, #tpu.memory_space<hbm>> -> memref<16x768xf32, #tpu.memory_space<hbm>>
    %dma_start3A_255 = arith.constant 0 : i32
    %dma_start3A_256 = arith.constant 0 : i32
    %dma_start3A_257 = tpu.memref_slice %arg12[%dma_start3A_248, %dma_start3A_255, %dma_start3A_256] : memref<2x16x768xf32, #tpu.memory_space<vmem>> -> memref<1x16x768xf32, #tpu.memory_space<vmem>>
    %dma_start3A_258 = tpu.memref_squeeze %dma_start3A_257 : memref<1x16x768xf32, #tpu.memory_space<vmem>> -> memref<16x768xf32, #tpu.memory_space<vmem>>
    %dma_start3A_259 = arith.constant 0 : i32
    %dma_start3A_260 = tpu.memref_slice %arg3[%add3A_247, %dma_start3A_259] : memref<2048x768xf32, #tpu.memory_space<hbm>> -> memref<16x768xf32, #tpu.memory_space<hbm>>
    tpu.enqueue_dma source(%dma_start3A_260 : memref<16x768xf32, #tpu.memory_space<hbm>>) target(%dma_start3A_258 : memref<16x768xf32, #tpu.memory_space<vmem>>) target_semaphore(%arg14 : memref<!tpu.dma_semaphore, #tpu.memory_space<semaphore_mem>>)
    %dma_wait3A_261 = arith.constant 0 : i32
    %dma_wait3A_262 = arith.constant 0 : i32
    %dma_wait3A_263 = arith.constant 0 : i32
    %dma_wait3A_264 = tpu.memref_slice %arg10[%dma_wait3A_261, %dma_wait3A_262, %dma_wait3A_263] : memref<2x16x768xf32, #tpu.memory_space<vmem>> -> memref<1x16x768xf32, #tpu.memory_space<vmem>>
    %dma_wait3A_265 = tpu.memref_squeeze %dma_wait3A_264 : memref<1x16x768xf32, #tpu.memory_space<vmem>> -> memref<16x768xf32, #tpu.memory_space<vmem>>
    %dma_wait3A_266 = arith.constant 0 : i32
    %dma_wait3A_267 = tpu.memref_slice %arg8[%dma_wait3A_266] : memref<32xi32, #tpu.memory_space<vmem>> -> memref<16xi32, #tpu.memory_space<vmem>>
    %dma_wait3A_268 = arith.constant 0 : i32
    %dma_wait3A_269 = arith.constant 0 : i32
    %dma_wait3A_270 = tpu.memref_slice %arg2[%dma_wait3A_268, %dma_wait3A_269] : memref<6144x768xf32, #tpu.memory_space<hbm>> -> memref<6144x768xf32, #tpu.memory_space<hbm>>
    tpu.wait_indirect_dma semaphore(%arg13 : memref<!tpu.dma_semaphore, #tpu.memory_space<semaphore_mem>>) src(%dma_wait3A_270 : memref<6144x768xf32, #tpu.memory_space<hbm>>) dst(%dma_wait3A_265 : memref<16x768xf32, #tpu.memory_space<vmem>>)
    %dma_wait3A_271 = arith.constant 0 : i32
    %dma_wait3A_272 = arith.constant 0 : i32
    %dma_wait3A_273 = arith.constant 0 : i32
    %dma_wait3A_274 = tpu.memref_slice %arg11[%dma_wait3A_271, %dma_wait3A_272, %dma_wait3A_273] : memref<2x16x768xf32, #tpu.memory_space<vmem>> -> memref<1x16x768xf32, #tpu.memory_space<vmem>>
    %dma_wait3A_275 = tpu.memref_squeeze %dma_wait3A_274 : memref<1x16x768xf32, #tpu.memory_space<vmem>> -> memref<16x768xf32, #tpu.memory_space<vmem>>
    %dma_wait3A_276 = arith.constant 0 : i32
    %dma_wait3A_277 = tpu.memref_slice %arg9[%dma_wait3A_276] : memref<32xi32, #tpu.memory_space<vmem>> -> memref<16xi32, #tpu.memory_space<vmem>>
    %dma_wait3A_278 = arith.constant 0 : i32
    %dma_wait3A_279 = arith.constant 0 : i32
    %dma_wait3A_280 = tpu.memref_slice %arg2[%dma_wait3A_278, %dma_wait3A_279] : memref<6144x768xf32, #tpu.memory_space<hbm>> -> memref<6144x768xf32, #tpu.memory_space<hbm>>
    tpu.wait_indirect_dma semaphore(%arg13 : memref<!tpu.dma_semaphore, #tpu.memory_space<semaphore_mem>>) src(%dma_wait3A_280 : memref<6144x768xf32, #tpu.memory_space<hbm>>) dst(%dma_wait3A_275 : memref<16x768xf32, #tpu.memory_space<vmem>>)
    %dma_wait3A_281 = arith.constant 0 : i32
    %dma_wait3A_282 = arith.constant 0 : i32
    %dma_wait3A_283 = arith.constant 0 : i32
    %dma_wait3A_284 = tpu.memref_slice %arg12[%dma_wait3A_281, %dma_wait3A_282, %dma_wait3A_283] : memref<2x16x768xf32, #tpu.memory_space<vmem>> -> memref<1x16x768xf32, #tpu.memory_space<vmem>>
    %dma_wait3A_285 = tpu.memref_squeeze %dma_wait3A_284 : memref<1x16x768xf32, #tpu.memory_space<vmem>> -> memref<16x768xf32, #tpu.memory_space<vmem>>
    %dma_wait3A_286 = arith.constant 0 : i32
    %dma_wait3A_287 = tpu.memref_slice %arg3[%add3A_159, %dma_wait3A_286] : memref<2048x768xf32, #tpu.memory_space<hbm>> -> memref<16x768xf32, #tpu.memory_space<hbm>>
    %dma_wait3A_288 = arith.constant 0 : i32
    %dma_wait3A_289 = arith.constant 0 : i32
    %dma_wait3A_290 = tpu.memref_slice %arg12[%dma_wait3A_281, %dma_wait3A_288, %dma_wait3A_289] : memref<2x16x768xf32, #tpu.memory_space<vmem>> -> memref<1x16x768xf32, #tpu.memory_space<vmem>>
    %dma_wait3A_291 = tpu.memref_squeeze %dma_wait3A_290 : memref<1x16x768xf32, #tpu.memory_space<vmem>> -> memref<16x768xf32, #tpu.memory_space<vmem>>
    %dma_wait3A_292 = arith.constant 0 : i32
    %dma_wait3A_293 = tpu.memref_slice %arg3[%add3A_159, %dma_wait3A_292] : memref<2048x768xf32, #tpu.memory_space<hbm>> -> memref<16x768xf32, #tpu.memory_space<hbm>>
    tpu.wait_dma2 semaphore(%arg13 : memref<!tpu.dma_semaphore, #tpu.memory_space<semaphore_mem>>) src(%dma_wait3A_293 : memref<16x768xf32, #tpu.memory_space<hbm>>) dst(%dma_wait3A_291 : memref<16x768xf32, #tpu.memory_space<vmem>>)
    %scan3A_294 = arith.constant 0 : i32
    %scan3A_295 = arith.constant 0 : i32
    %scan3A_296 = arith.constant 0 : i32
    %scan3A_297 = arith.constant 0 : i32
    %scan3A_298 = arith.constant 0 : i32
    %scan3A_299 = arith.constant 16 : i32
    %scan3A_300 = arith.addi %scan3A_298, %scan3A_299 : i32
    %scan3A_301 = arith.constant 1 : i32
    scf.for %scan3A_351 = %scan3A_298 to %scan3A_300 step %scan3A_301  : i32 {
      %scan3A_352 = arith.constant 0 : i32
      %scan3A_353 = arith.constant 0 : i32
      %scan3A_354 = arith.constant 16 : i32
      %scan3A_355 = arith.addi %scan3A_353, %scan3A_354 : i32
      %scan3A_356 = arith.constant 1 : i32
      scf.for %scan3A_358 = %scan3A_353 to %scan3A_355 step %scan3A_356  : i32 {
        %mul3A_359 = arith.constant 3 : i32
        %mul3A_360 = arith.muli %scan3A_358, %mul3A_359 : i32
        %add3A_361 = arith.constant 0 : i32
        %add3A_362 = arith.addi %mul3A_360, %add3A_361 : i32
        %mul3A_363 = arith.constant 16 : i32
        %mul3A_364 = arith.muli %add3A_362, %mul3A_363 : i32
        %get3A_365 = arith.constant 0 : i32
        %get3A_366 = arith.constant 0 : i32
        %get3A_367 = tpu.memref_slice %arg10[%scan3A_295, %get3A_365, %get3A_366] : memref<2x16x768xf32, #tpu.memory_space<vmem>> -> memref<1x16x768xf32, #tpu.memory_space<vmem>>
        %get3A_368 = tpu.memref_squeeze %get3A_367 : memref<1x16x768xf32, #tpu.memory_space<vmem>> -> memref<16x768xf32, #tpu.memory_space<vmem>>
        %get3A_369 = arith.index_cast %scan3A_351 : i32 to index
        %get3A_370 = arith.index_cast %mul3A_364 : i32 to index
        %get3A_371 = tpu.vector_load %get3A_368[%get3A_369, %get3A_370] {strides = array<i32>} : memref<16x768xf32, #tpu.memory_space<vmem>>, vector<16xf32>,
        %get3A_372 = arith.constant 0 : i32
        %get3A_373 = arith.constant 0 : i32
        %get3A_374 = tpu.memref_slice %arg11[%scan3A_296, %get3A_372, %get3A_373] : memref<2x16x768xf32, #tpu.memory_space<vmem>> -> memref<1x16x768xf32, #tpu.memory_space<vmem>>
        %get3A_375 = tpu.memref_squeeze %get3A_374 : memref<1x16x768xf32, #tpu.memory_space<vmem>> -> memref<16x768xf32, #tpu.memory_space<vmem>>
        %get3A_376 = arith.index_cast %scan3A_351 : i32 to index
        %get3A_377 = arith.index_cast %mul3A_364 : i32 to index
        %get3A_378 = tpu.vector_load %get3A_375[%get3A_376, %get3A_377] {strides = array<i32>} : memref<16x768xf32, #tpu.memory_space<vmem>>, vector<16xf32>,
        %add3A_379 = arith.addf %get3A_371, %get3A_378 : vector<16xf32>
        %get3A_380 = arith.constant 0 : i32
        %get3A_381 = arith.constant 0 : i32
        %get3A_382 = tpu.memref_slice %arg12[%scan3A_297, %get3A_380, %get3A_381] : memref<2x16x768xf32, #tpu.memory_space<vmem>> -> memref<1x16x768xf32, #tpu.memory_space<vmem>>
        %get3A_383 = tpu.memref_squeeze %get3A_382 : memref<1x16x768xf32, #tpu.memory_space<vmem>> -> memref<16x768xf32, #tpu.memory_space<vmem>>
        %get3A_384 = arith.index_cast %scan3A_351 : i32 to index
        %get3A_385 = arith.index_cast %mul3A_364 : i32 to index
        %get3A_386 = tpu.vector_load %get3A_383[%get3A_384, %get3A_385] {strides = array<i32>} : memref<16x768xf32, #tpu.memory_space<vmem>>, vector<16xf32>,
        %add3A_387 = arith.addf %add3A_379, %get3A_386 : vector<16xf32>
        %swap3A_388 = arith.constant 0 : i32
        %swap3A_389 = arith.constant 0 : i32
        %swap3A_390 = tpu.memref_slice %arg10[%scan3A_295, %swap3A_388, %swap3A_389] : memref<2x16x768xf32, #tpu.memory_space<vmem>> -> memref<1x16x768xf32, #tpu.memory_space<vmem>>
        %swap3A_391 = tpu.memref_squeeze %swap3A_390 : memref<1x16x768xf32, #tpu.memory_space<vmem>> -> memref<16x768xf32, #tpu.memory_space<vmem>>
        %swap3A_392 = arith.index_cast %scan3A_351 : i32 to index
        %swap3A_393 = arith.index_cast %mul3A_364 : i32 to index
        %swap3A_394 = tpu.vector_load %swap3A_391[%swap3A_392, %swap3A_393] {strides = array<i32>} : memref<16x768xf32, #tpu.memory_space<vmem>>, vector<16xf32>,
        tpu.vector_store %swap3A_391[%swap3A_392, %swap3A_393], %add3A_387 {strides = array<i32>} : memref<16x768xf32, #tpu.memory_space<vmem>>, vector<16xf32>,
        %mul3A_395 = arith.constant 3 : i32
        %mul3A_396 = arith.muli %scan3A_358, %mul3A_395 : i32
        %add3A_397 = arith.constant 1 : i32
        %add3A_398 = arith.addi %mul3A_396, %add3A_397 : i32
        %mul3A_399 = arith.constant 16 : i32
        %mul3A_400 = arith.muli %add3A_398, %mul3A_399 : i32
        %get3A_401 = arith.constant 0 : i32
        %get3A_402 = arith.constant 0 : i32
        %get3A_403 = tpu.memref_slice %arg10[%scan3A_295, %get3A_401, %get3A_402] : memref<2x16x768xf32, #tpu.memory_space<vmem>> -> memref<1x16x768xf32, #tpu.memory_space<vmem>>
        %get3A_404 = tpu.memref_squeeze %get3A_403 : memref<1x16x768xf32, #tpu.memory_space<vmem>> -> memref<16x768xf32, #tpu.memory_space<vmem>>
        %get3A_405 = arith.index_cast %scan3A_351 : i32 to index
        %get3A_406 = arith.index_cast %mul3A_400 : i32 to index
        %get3A_407 = tpu.vector_load %get3A_404[%get3A_405, %get3A_406] {strides = array<i32>} : memref<16x768xf32, #tpu.memory_space<vmem>>, vector<16xf32>,
        %get3A_408 = arith.constant 0 : i32
        %get3A_409 = arith.constant 0 : i32
        %get3A_410 = tpu.memref_slice %arg11[%scan3A_296, %get3A_408, %get3A_409] : memref<2x16x768xf32, #tpu.memory_space<vmem>> -> memref<1x16x768xf32, #tpu.memory_space<vmem>>
        %get3A_411 = tpu.memref_squeeze %get3A_410 : memref<1x16x768xf32, #tpu.memory_space<vmem>> -> memref<16x768xf32, #tpu.memory_space<vmem>>
        %get3A_412 = arith.index_cast %scan3A_351 : i32 to index
        %get3A_413 = arith.index_cast %mul3A_400 : i32 to index
        %get3A_414 = tpu.vector_load %get3A_411[%get3A_412, %get3A_413] {strides = array<i32>} : memref<16x768xf32, #tpu.memory_space<vmem>>, vector<16xf32>,
        %add3A_415 = arith.addf %get3A_407, %get3A_414 : vector<16xf32>
        %get3A_416 = arith.constant 0 : i32
        %get3A_417 = arith.constant 0 : i32
        %get3A_418 = tpu.memref_slice %arg12[%scan3A_297, %get3A_416, %get3A_417] : memref<2x16x768xf32, #tpu.memory_space<vmem>> -> memref<1x16x768xf32, #tpu.memory_space<vmem>>
        %get3A_419 = tpu.memref_squeeze %get3A_418 : memref<1x16x768xf32, #tpu.memory_space<vmem>> -> memref<16x768xf32, #tpu.memory_space<vmem>>
        %get3A_420 = arith.index_cast %scan3A_351 : i32 to index
        %get3A_421 = arith.index_cast %mul3A_400 : i32 to index
        %get3A_422 = tpu.vector_load %get3A_419[%get3A_420, %get3A_421] {strides = array<i32>} : memref<16x768xf32, #tpu.memory_space<vmem>>, vector<16xf32>,
        %add3A_423 = arith.addf %add3A_415, %get3A_422 : vector<16xf32>
        %swap3A_424 = arith.constant 0 : i32
        %swap3A_425 = arith.constant 0 : i32
        %swap3A_426 = tpu.memref_slice %arg10[%scan3A_295, %swap3A_424, %swap3A_425] : memref<2x16x768xf32, #tpu.memory_space<vmem>> -> memref<1x16x768xf32, #tpu.memory_space<vmem>>
        %swap3A_427 = tpu.memref_squeeze %swap3A_426 : memref<1x16x768xf32, #tpu.memory_space<vmem>> -> memref<16x768xf32, #tpu.memory_space<vmem>>
        %swap3A_428 = arith.index_cast %scan3A_351 : i32 to index
        %swap3A_429 = arith.index_cast %mul3A_400 : i32 to index
        %swap3A_430 = tpu.vector_load %swap3A_427[%swap3A_428, %swap3A_429] {strides = array<i32>} : memref<16x768xf32, #tpu.memory_space<vmem>>, vector<16xf32>,
        tpu.vector_store %swap3A_427[%swap3A_428, %swap3A_429], %add3A_423 {strides = array<i32>} : memref<16x768xf32, #tpu.memory_space<vmem>>, vector<16xf32>,
        %mul3A_431 = arith.constant 3 : i32
        %mul3A_432 = arith.muli %scan3A_358, %mul3A_431 : i32
        %add3A_433 = arith.constant 2 : i32
        %add3A_434 = arith.addi %mul3A_432, %add3A_433 : i32
        %mul3A_435 = arith.constant 16 : i32
        %mul3A_436 = arith.muli %add3A_434, %mul3A_435 : i32
        %get3A_437 = arith.constant 0 : i32
        %get3A_438 = arith.constant 0 : i32
        %get3A_439 = tpu.memref_slice %arg10[%scan3A_295, %get3A_437, %get3A_438] : memref<2x16x768xf32, #tpu.memory_space<vmem>> -> memref<1x16x768xf32, #tpu.memory_space<vmem>>
        %get3A_440 = tpu.memref_squeeze %get3A_439 : memref<1x16x768xf32, #tpu.memory_space<vmem>> -> memref<16x768xf32, #tpu.memory_space<vmem>>
        %get3A_441 = arith.index_cast %scan3A_351 : i32 to index
        %get3A_442 = arith.index_cast %mul3A_436 : i32 to index
        %get3A_443 = tpu.vector_load %get3A_440[%get3A_441, %get3A_442] {strides = array<i32>} : memref<16x768xf32, #tpu.memory_space<vmem>>, vector<16xf32>,
        %get3A_444 = arith.constant 0 : i32
        %get3A_445 = arith.constant 0 : i32
        %get3A_446 = tpu.memref_slice %arg11[%scan3A_296, %get3A_444, %get3A_445] : memref<2x16x768xf32, #tpu.memory_space<vmem>> -> memref<1x16x768xf32, #tpu.memory_space<vmem>>
        %get3A_447 = tpu.memref_squeeze %get3A_446 : memref<1x16x768xf32, #tpu.memory_space<vmem>> -> memref<16x768xf32, #tpu.memory_space<vmem>>
        %get3A_448 = arith.index_cast %scan3A_351 : i32 to index
        %get3A_449 = arith.index_cast %mul3A_436 : i32 to index
        %get3A_450 = tpu.vector_load %get3A_447[%get3A_448, %get3A_449] {strides = array<i32>} : memref<16x768xf32, #tpu.memory_space<vmem>>, vector<16xf32>,
        %add3A_451 = arith.addf %get3A_443, %get3A_450 : vector<16xf32>
        %get3A_452 = arith.constant 0 : i32
        %get3A_453 = arith.constant 0 : i32
        %get3A_454 = tpu.memref_slice %arg12[%scan3A_297, %get3A_452, %get3A_453] : memref<2x16x768xf32, #tpu.memory_space<vmem>> -> memref<1x16x768xf32, #tpu.memory_space<vmem>>
        %get3A_455 = tpu.memref_squeeze %get3A_454 : memref<1x16x768xf32, #tpu.memory_space<vmem>> -> memref<16x768xf32, #tpu.memory_space<vmem>>
        %get3A_456 = arith.index_cast %scan3A_351 : i32 to index
        %get3A_457 = arith.index_cast %mul3A_436 : i32 to index
        %get3A_458 = tpu.vector_load %get3A_455[%get3A_456, %get3A_457] {strides = array<i32>} : memref<16x768xf32, #tpu.memory_space<vmem>>, vector<16xf32>,
        %add3A_459 = arith.addf %add3A_451, %get3A_458 : vector<16xf32>
        %swap3A_460 = arith.constant 0 : i32
        %swap3A_461 = arith.constant 0 : i32
        %swap3A_462 = tpu.memref_slice %arg10[%scan3A_295, %swap3A_460, %swap3A_461] : memref<2x16x768xf32, #tpu.memory_space<vmem>> -> memref<1x16x768xf32, #tpu.memory_space<vmem>>
        %swap3A_463 = tpu.memref_squeeze %swap3A_462 : memref<1x16x768xf32, #tpu.memory_space<vmem>> -> memref<16x768xf32, #tpu.memory_space<vmem>>
        %swap3A_464 = arith.index_cast %scan3A_351 : i32 to index
        %swap3A_465 = arith.index_cast %mul3A_436 : i32 to index
        %swap3A_466 = tpu.vector_load %swap3A_463[%swap3A_464, %swap3A_465] {strides = array<i32>} : memref<16x768xf32, #tpu.memory_space<vmem>>, vector<16xf32>,
        tpu.vector_store %swap3A_463[%swap3A_464, %swap3A_465], %add3A_459 {strides = array<i32>} : memref<16x768xf32, #tpu.memory_space<vmem>>, vector<16xf32>,
      }
      %scan3A_357 = arith.constant 16 : i32
    }
    %scan3A_302 = arith.constant 16 : i32
    %add3A_303 = arith.constant 32 : i32
    %add3A_304 = arith.addi %mul3A_2, %add3A_303 : i32
    %run_scoped3A_305 = arith.constant 0 : i32
    "tpu.region"() ({
      %run_scoped3A_351 = tpu.sem_alloc : memref<!tpu.dma_semaphore, #tpu.memory_space<semaphore_mem>>
      %dma_start3A_352 = arith.constant 0 : i32
      %dma_start3A_353 = arith.constant 0 : i32
      %dma_start3A_354 = tpu.memref_slice %arg10[%run_scoped3A_305, %dma_start3A_352, %dma_start3A_353] : memref<2x16x768xf32, #tpu.memory_space<vmem>> -> memref<1x16x768xf32, #tpu.memory_space<vmem>>
      %dma_start3A_355 = tpu.memref_squeeze %dma_start3A_354 : memref<1x16x768xf32, #tpu.memory_space<vmem>> -> memref<16x768xf32, #tpu.memory_space<vmem>>
      %dma_start3A_356 = arith.constant 0 : i32
      %dma_start3A_357 = tpu.memref_slice %arg5[%add3A_304, %dma_start3A_356] : memref<2048x768xf32, #tpu.memory_space<hbm>> -> memref<16x768xf32, #tpu.memory_space<hbm>>
      %dma_start3A_358 = arith.constant 0 : i32
      %dma_start3A_359 = tpu.memref_slice %arg5[%add3A_304, %dma_start3A_358] : memref<2048x768xf32, #tpu.memory_space<hbm>> -> memref<16x768xf32, #tpu.memory_space<hbm>>
      %dma_start3A_360 = arith.constant 0 : i32
      %dma_start3A_361 = arith.constant 0 : i32
      %dma_start3A_362 = tpu.memref_slice %arg10[%run_scoped3A_305, %dma_start3A_360, %dma_start3A_361] : memref<2x16x768xf32, #tpu.memory_space<vmem>> -> memref<1x16x768xf32, #tpu.memory_space<vmem>>
      %dma_start3A_363 = tpu.memref_squeeze %dma_start3A_362 : memref<1x16x768xf32, #tpu.memory_space<vmem>> -> memref<16x768xf32, #tpu.memory_space<vmem>>
      tpu.enqueue_dma source(%dma_start3A_363 : memref<16x768xf32, #tpu.memory_space<vmem>>) target(%dma_start3A_359 : memref<16x768xf32, #tpu.memory_space<hbm>>) target_semaphore(%run_scoped3A_351 : memref<!tpu.dma_semaphore, #tpu.memory_space<semaphore_mem>>)
      %dma_wait3A_364 = arith.constant 0 : i32
      %dma_wait3A_365 = arith.constant 0 : i32
      %dma_wait3A_366 = tpu.memref_slice %arg10[%run_scoped3A_305, %dma_wait3A_364, %dma_wait3A_365] : memref<2x16x768xf32, #tpu.memory_space<vmem>> -> memref<1x16x768xf32, #tpu.memory_space<vmem>>
      %dma_wait3A_367 = tpu.memref_squeeze %dma_wait3A_366 : memref<1x16x768xf32, #tpu.memory_space<vmem>> -> memref<16x768xf32, #tpu.memory_space<vmem>>
      %dma_wait3A_368 = arith.constant 0 : i32
      %dma_wait3A_369 = tpu.memref_slice %arg5[%add3A_304, %dma_wait3A_368] : memref<2048x768xf32, #tpu.memory_space<hbm>> -> memref<16x768xf32, #tpu.memory_space<hbm>>
      %dma_wait3A_370 = arith.constant 0 : i32
      %dma_wait3A_371 = tpu.memref_slice %arg5[%add3A_304, %dma_wait3A_370] : memref<2048x768xf32, #tpu.memory_space<hbm>> -> memref<16x768xf32, #tpu.memory_space<hbm>>
      %dma_wait3A_372 = arith.constant 0 : i32
      %dma_wait3A_373 = arith.constant 0 : i32
      %dma_wait3A_374 = tpu.memref_slice %arg10[%run_scoped3A_305, %dma_wait3A_372, %dma_wait3A_373] : memref<2x16x768xf32, #tpu.memory_space<vmem>> -> memref<1x16x768xf32, #tpu.memory_space<vmem>>
      %dma_wait3A_375 = tpu.memref_squeeze %dma_wait3A_374 : memref<1x16x768xf32, #tpu.memory_space<vmem>> -> memref<16x768xf32, #tpu.memory_space<vmem>>
      tpu.wait_dma2 semaphore(%run_scoped3A_351 : memref<!tpu.dma_semaphore, #tpu.memory_space<semaphore_mem>>) src(%dma_wait3A_375 : memref<16x768xf32, #tpu.memory_space<vmem>>) dst(%dma_wait3A_371 : memref<16x768xf32, #tpu.memory_space<hbm>>)
      tpu.yield
    }) : () -> ()
    %dma_wait3A_306 = arith.constant 1 : i32
    %dma_wait3A_307 = arith.constant 0 : i32
    %dma_wait3A_308 = arith.constant 0 : i32
    %dma_wait3A_309 = tpu.memref_slice %arg10[%dma_wait3A_306, %dma_wait3A_307, %dma_wait3A_308] : memref<2x16x768xf32, #tpu.memory_space<vmem>> -> memref<1x16x768xf32, #tpu.memory_space<vmem>>
    %dma_wait3A_310 = tpu.memref_squeeze %dma_wait3A_309 : memref<1x16x768xf32, #tpu.memory_space<vmem>> -> memref<16x768xf32, #tpu.memory_space<vmem>>
    %dma_wait3A_311 = arith.constant 16 : i32
    %dma_wait3A_312 = tpu.memref_slice %arg8[%dma_wait3A_311] : memref<32xi32, #tpu.memory_space<vmem>> -> memref<16xi32, #tpu.memory_space<vmem>>
    %dma_wait3A_313 = arith.constant 0 : i32
    %dma_wait3A_314 = arith.constant 0 : i32
    %dma_wait3A_315 = tpu.memref_slice %arg2[%dma_wait3A_313, %dma_wait3A_314] : memref<6144x768xf32, #tpu.memory_space<hbm>> -> memref<6144x768xf32, #tpu.memory_space<hbm>>
    tpu.wait_indirect_dma semaphore(%arg14 : memref<!tpu.dma_semaphore, #tpu.memory_space<semaphore_mem>>) src(%dma_wait3A_315 : memref<6144x768xf32, #tpu.memory_space<hbm>>) dst(%dma_wait3A_310 : memref<16x768xf32, #tpu.memory_space<vmem>>)
    %dma_wait3A_316 = arith.constant 1 : i32
    %dma_wait3A_317 = arith.constant 0 : i32
    %dma_wait3A_318 = arith.constant 0 : i32
    %dma_wait3A_319 = tpu.memref_slice %arg11[%dma_wait3A_316, %dma_wait3A_317, %dma_wait3A_318] : memref<2x16x768xf32, #tpu.memory_space<vmem>> -> memref<1x16x768xf32, #tpu.memory_space<vmem>>
    %dma_wait3A_320 = tpu.memref_squeeze %dma_wait3A_319 : memref<1x16x768xf32, #tpu.memory_space<vmem>> -> memref<16x768xf32, #tpu.memory_space<vmem>>
    %dma_wait3A_321 = arith.constant 16 : i32
    %dma_wait3A_322 = tpu.memref_slice %arg9[%dma_wait3A_321] : memref<32xi32, #tpu.memory_space<vmem>> -> memref<16xi32, #tpu.memory_space<vmem>>
    %dma_wait3A_323 = arith.constant 0 : i32
    %dma_wait3A_324 = arith.constant 0 : i32
    %dma_wait3A_325 = tpu.memref_slice %arg2[%dma_wait3A_323, %dma_wait3A_324] : memref<6144x768xf32, #tpu.memory_space<hbm>> -> memref<6144x768xf32, #tpu.memory_space<hbm>>
    tpu.wait_indirect_dma semaphore(%arg14 : memref<!tpu.dma_semaphore, #tpu.memory_space<semaphore_mem>>) src(%dma_wait3A_325 : memref<6144x768xf32, #tpu.memory_space<hbm>>) dst(%dma_wait3A_320 : memref<16x768xf32, #tpu.memory_space<vmem>>)
    %dma_wait3A_326 = arith.constant 1 : i32
    %dma_wait3A_327 = arith.constant 0 : i32
    %dma_wait3A_328 = arith.constant 0 : i32
    %dma_wait3A_329 = tpu.memref_slice %arg12[%dma_wait3A_326, %dma_wait3A_327, %dma_wait3A_328] : memref<2x16x768xf32, #tpu.memory_space<vmem>> -> memref<1x16x768xf32, #tpu.memory_space<vmem>>
    %dma_wait3A_330 = tpu.memref_squeeze %dma_wait3A_329 : memref<1x16x768xf32, #tpu.memory_space<vmem>> -> memref<16x768xf32, #tpu.memory_space<vmem>>
    %dma_wait3A_331 = arith.constant 0 : i32
    %dma_wait3A_332 = tpu.memref_slice %arg3[%add3A_247, %dma_wait3A_331] : memref<2048x768xf32, #tpu.memory_space<hbm>> -> memref<16x768xf32, #tpu.memory_space<hbm>>
    %dma_wait3A_333 = arith.constant 0 : i32
    %dma_wait3A_334 = arith.constant 0 : i32
    %dma_wait3A_335 = tpu.memref_slice %arg12[%dma_wait3A_326, %dma_wait3A_333, %dma_wait3A_334] : memref<2x16x768xf32, #tpu.memory_space<vmem>> -> memref<1x16x768xf32, #tpu.memory_space<vmem>>
    %dma_wait3A_336 = tpu.memref_squeeze %dma_wait3A_335 : memref<1x16x768xf32, #tpu.memory_space<vmem>> -> memref<16x768xf32, #tpu.memory_space<vmem>>
    %dma_wait3A_337 = arith.constant 0 : i32
    %dma_wait3A_338 = tpu.memref_slice %arg3[%add3A_247, %dma_wait3A_337] : memref<2048x768xf32, #tpu.memory_space<hbm>> -> memref<16x768xf32, #tpu.memory_space<hbm>>
    tpu.wait_dma2 semaphore(%arg14 : memref<!tpu.dma_semaphore, #tpu.memory_space<semaphore_mem>>) src(%dma_wait3A_338 : memref<16x768xf32, #tpu.memory_space<hbm>>) dst(%dma_wait3A_336 : memref<16x768xf32, #tpu.memory_space<vmem>>)
    %scan3A_339 = arith.constant 0 : i32
    %scan3A_340 = arith.constant 1 : i32
    %scan3A_341 = arith.constant 1 : i32
    %scan3A_342 = arith.constant 1 : i32
    %scan3A_343 = arith.constant 0 : i32
    %scan3A_344 = arith.constant 16 : i32
    %scan3A_345 = arith.addi %scan3A_343, %scan3A_344 : i32
    %scan3A_346 = arith.constant 1 : i32
    scf.for %scan3A_351 = %scan3A_343 to %scan3A_345 step %scan3A_346  : i32 {
      %scan3A_352 = arith.constant 0 : i32
      %scan3A_353 = arith.constant 0 : i32
      %scan3A_354 = arith.constant 16 : i32
      %scan3A_355 = arith.addi %scan3A_353, %scan3A_354 : i32
      %scan3A_356 = arith.constant 1 : i32
      scf.for %scan3A_358 = %scan3A_353 to %scan3A_355 step %scan3A_356  : i32 {
        %mul3A_359 = arith.constant 3 : i32
        %mul3A_360 = arith.muli %scan3A_358, %mul3A_359 : i32
        %add3A_361 = arith.constant 0 : i32
        %add3A_362 = arith.addi %mul3A_360, %add3A_361 : i32
        %mul3A_363 = arith.constant 16 : i32
        %mul3A_364 = arith.muli %add3A_362, %mul3A_363 : i32
        %get3A_365 = arith.constant 0 : i32
        %get3A_366 = arith.constant 0 : i32
        %get3A_367 = tpu.memref_slice %arg10[%scan3A_340, %get3A_365, %get3A_366] : memref<2x16x768xf32, #tpu.memory_space<vmem>> -> memref<1x16x768xf32, #tpu.memory_space<vmem>>
        %get3A_368 = tpu.memref_squeeze %get3A_367 : memref<1x16x768xf32, #tpu.memory_space<vmem>> -> memref<16x768xf32, #tpu.memory_space<vmem>>
        %get3A_369 = arith.index_cast %scan3A_351 : i32 to index
        %get3A_370 = arith.index_cast %mul3A_364 : i32 to index
        %get3A_371 = tpu.vector_load %get3A_368[%get3A_369, %get3A_370] {strides = array<i32>} : memref<16x768xf32, #tpu.memory_space<vmem>>, vector<16xf32>,
        %get3A_372 = arith.constant 0 : i32
        %get3A_373 = arith.constant 0 : i32
        %get3A_374 = tpu.memref_slice %arg11[%scan3A_341, %get3A_372, %get3A_373] : memref<2x16x768xf32, #tpu.memory_space<vmem>> -> memref<1x16x768xf32, #tpu.memory_space<vmem>>
        %get3A_375 = tpu.memref_squeeze %get3A_374 : memref<1x16x768xf32, #tpu.memory_space<vmem>> -> memref<16x768xf32, #tpu.memory_space<vmem>>
        %get3A_376 = arith.index_cast %scan3A_351 : i32 to index
        %get3A_377 = arith.index_cast %mul3A_364 : i32 to index
        %get3A_378 = tpu.vector_load %get3A_375[%get3A_376, %get3A_377] {strides = array<i32>} : memref<16x768xf32, #tpu.memory_space<vmem>>, vector<16xf32>,
        %add3A_379 = arith.addf %get3A_371, %get3A_378 : vector<16xf32>
        %get3A_380 = arith.constant 0 : i32
        %get3A_381 = arith.constant 0 : i32
        %get3A_382 = tpu.memref_slice %arg12[%scan3A_342, %get3A_380, %get3A_381] : memref<2x16x768xf32, #tpu.memory_space<vmem>> -> memref<1x16x768xf32, #tpu.memory_space<vmem>>
        %get3A_383 = tpu.memref_squeeze %get3A_382 : memref<1x16x768xf32, #tpu.memory_space<vmem>> -> memref<16x768xf32, #tpu.memory_space<vmem>>
        %get3A_384 = arith.index_cast %scan3A_351 : i32 to index
        %get3A_385 = arith.index_cast %mul3A_364 : i32 to index
        %get3A_386 = tpu.vector_load %get3A_383[%get3A_384, %get3A_385] {strides = array<i32>} : memref<16x768xf32, #tpu.memory_space<vmem>>, vector<16xf32>,
        %add3A_387 = arith.addf %add3A_379, %get3A_386 : vector<16xf32>
        %swap3A_388 = arith.constant 0 : i32
        %swap3A_389 = arith.constant 0 : i32
        %swap3A_390 = tpu.memref_slice %arg10[%scan3A_340, %swap3A_388, %swap3A_389] : memref<2x16x768xf32, #tpu.memory_space<vmem>> -> memref<1x16x768xf32, #tpu.memory_space<vmem>>
        %swap3A_391 = tpu.memref_squeeze %swap3A_390 : memref<1x16x768xf32, #tpu.memory_space<vmem>> -> memref<16x768xf32, #tpu.memory_space<vmem>>
        %swap3A_392 = arith.index_cast %scan3A_351 : i32 to index
        %swap3A_393 = arith.index_cast %mul3A_364 : i32 to index
        %swap3A_394 = tpu.vector_load %swap3A_391[%swap3A_392, %swap3A_393] {strides = array<i32>} : memref<16x768xf32, #tpu.memory_space<vmem>>, vector<16xf32>,
        tpu.vector_store %swap3A_391[%swap3A_392, %swap3A_393], %add3A_387 {strides = array<i32>} : memref<16x768xf32, #tpu.memory_space<vmem>>, vector<16xf32>,
        %mul3A_395 = arith.constant 3 : i32
        %mul3A_396 = arith.muli %scan3A_358, %mul3A_395 : i32
        %add3A_397 = arith.constant 1 : i32
        %add3A_398 = arith.addi %mul3A_396, %add3A_397 : i32
        %mul3A_399 = arith.constant 16 : i32
        %mul3A_400 = arith.muli %add3A_398, %mul3A_399 : i32
        %get3A_401 = arith.constant 0 : i32
        %get3A_402 = arith.constant 0 : i32
        %get3A_403 = tpu.memref_slice %arg10[%scan3A_340, %get3A_401, %get3A_402] : memref<2x16x768xf32, #tpu.memory_space<vmem>> -> memref<1x16x768xf32, #tpu.memory_space<vmem>>
        %get3A_404 = tpu.memref_squeeze %get3A_403 : memref<1x16x768xf32, #tpu.memory_space<vmem>> -> memref<16x768xf32, #tpu.memory_space<vmem>>
        %get3A_405 = arith.index_cast %scan3A_351 : i32 to index
        %get3A_406 = arith.index_cast %mul3A_400 : i32 to index
        %get3A_407 = tpu.vector_load %get3A_404[%get3A_405, %get3A_406] {strides = array<i32>} : memref<16x768xf32, #tpu.memory_space<vmem>>, vector<16xf32>,
        %get3A_408 = arith.constant 0 : i32
        %get3A_409 = arith.constant 0 : i32
        %get3A_410 = tpu.memref_slice %arg11[%scan3A_341, %get3A_408, %get3A_409] : memref<2x16x768xf32, #tpu.memory_space<vmem>> -> memref<1x16x768xf32, #tpu.memory_space<vmem>>
        %get3A_411 = tpu.memref_squeeze %get3A_410 : memref<1x16x768xf32, #tpu.memory_space<vmem>> -> memref<16x768xf32, #tpu.memory_space<vmem>>
        %get3A_412 = arith.index_cast %scan3A_351 : i32 to index
        %get3A_413 = arith.index_cast %mul3A_400 : i32 to index
        %get3A_414 = tpu.vector_load %get3A_411[%get3A_412, %get3A_413] {strides = array<i32>} : memref<16x768xf32, #tpu.memory_space<vmem>>, vector<16xf32>,
        %add3A_415 = arith.addf %get3A_407, %get3A_414 : vector<16xf32>
        %get3A_416 = arith.constant 0 : i32
        %get3A_417 = arith.constant 0 : i32
        %get3A_418 = tpu.memref_slice %arg12[%scan3A_342, %get3A_416, %get3A_417] : memref<2x16x768xf32, #tpu.memory_space<vmem>> -> memref<1x16x768xf32, #tpu.memory_space<vmem>>
        %get3A_419 = tpu.memref_squeeze %get3A_418 : memref<1x16x768xf32, #tpu.memory_space<vmem>> -> memref<16x768xf32, #tpu.memory_space<vmem>>
        %get3A_420 = arith.index_cast %scan3A_351 : i32 to index
        %get3A_421 = arith.index_cast %mul3A_400 : i32 to index
        %get3A_422 = tpu.vector_load %get3A_419[%get3A_420, %get3A_421] {strides = array<i32>} : memref<16x768xf32, #tpu.memory_space<vmem>>, vector<16xf32>,
        %add3A_423 = arith.addf %add3A_415, %get3A_422 : vector<16xf32>
        %swap3A_424 = arith.constant 0 : i32
        %swap3A_425 = arith.constant 0 : i32
        %swap3A_426 = tpu.memref_slice %arg10[%scan3A_340, %swap3A_424, %swap3A_425] : memref<2x16x768xf32, #tpu.memory_space<vmem>> -> memref<1x16x768xf32, #tpu.memory_space<vmem>>
        %swap3A_427 = tpu.memref_squeeze %swap3A_426 : memref<1x16x768xf32, #tpu.memory_space<vmem>> -> memref<16x768xf32, #tpu.memory_space<vmem>>
        %swap3A_428 = arith.index_cast %scan3A_351 : i32 to index
        %swap3A_429 = arith.index_cast %mul3A_400 : i32 to index
        %swap3A_430 = tpu.vector_load %swap3A_427[%swap3A_428, %swap3A_429] {strides = array<i32>} : memref<16x768xf32, #tpu.memory_space<vmem>>, vector<16xf32>,
        tpu.vector_store %swap3A_427[%swap3A_428, %swap3A_429], %add3A_423 {strides = array<i32>} : memref<16x768xf32, #tpu.memory_space<vmem>>, vector<16xf32>,
        %mul3A_431 = arith.constant 3 : i32
        %mul3A_432 = arith.muli %scan3A_358, %mul3A_431 : i32
        %add3A_433 = arith.constant 2 : i32
        %add3A_434 = arith.addi %mul3A_432, %add3A_433 : i32
        %mul3A_435 = arith.constant 16 : i32
        %mul3A_436 = arith.muli %add3A_434, %mul3A_435 : i32
        %get3A_437 = arith.constant 0 : i32
        %get3A_438 = arith.constant 0 : i32
        %get3A_439 = tpu.memref_slice %arg10[%scan3A_340, %get3A_437, %get3A_438] : memref<2x16x768xf32, #tpu.memory_space<vmem>> -> memref<1x16x768xf32, #tpu.memory_space<vmem>>
        %get3A_440 = tpu.memref_squeeze %get3A_439 : memref<1x16x768xf32, #tpu.memory_space<vmem>> -> memref<16x768xf32, #tpu.memory_space<vmem>>
        %get3A_441 = arith.index_cast %scan3A_351 : i32 to index
        %get3A_442 = arith.index_cast %mul3A_436 : i32 to index
        %get3A_443 = tpu.vector_load %get3A_440[%get3A_441, %get3A_442] {strides = array<i32>} : memref<16x768xf32, #tpu.memory_space<vmem>>, vector<16xf32>,
        %get3A_444 = arith.constant 0 : i32
        %get3A_445 = arith.constant 0 : i32
        %get3A_446 = tpu.memref_slice %arg11[%scan3A_341, %get3A_444, %get3A_445] : memref<2x16x768xf32, #tpu.memory_space<vmem>> -> memref<1x16x768xf32, #tpu.memory_space<vmem>>
        %get3A_447 = tpu.memref_squeeze %get3A_446 : memref<1x16x768xf32, #tpu.memory_space<vmem>> -> memref<16x768xf32, #tpu.memory_space<vmem>>
        %get3A_448 = arith.index_cast %scan3A_351 : i32 to index
        %get3A_449 = arith.index_cast %mul3A_436 : i32 to index
        %get3A_450 = tpu.vector_load %get3A_447[%get3A_448, %get3A_449] {strides = array<i32>} : memref<16x768xf32, #tpu.memory_space<vmem>>, vector<16xf32>,
        %add3A_451 = arith.addf %get3A_443, %get3A_450 : vector<16xf32>
        %get3A_452 = arith.constant 0 : i32
        %get3A_453 = arith.constant 0 : i32
        %get3A_454 = tpu.memref_slice %arg12[%scan3A_342, %get3A_452, %get3A_453] : memref<2x16x768xf32, #tpu.memory_space<vmem>> -> memref<1x16x768xf32, #tpu.memory_space<vmem>>
        %get3A_455 = tpu.memref_squeeze %get3A_454 : memref<1x16x768xf32, #tpu.memory_space<vmem>> -> memref<16x768xf32, #tpu.memory_space<vmem>>
        %get3A_456 = arith.index_cast %scan3A_351 : i32 to index
        %get3A_457 = arith.index_cast %mul3A_436 : i32 to index
        %get3A_458 = tpu.vector_load %get3A_455[%get3A_456, %get3A_457] {strides = array<i32>} : memref<16x768xf32, #tpu.memory_space<vmem>>, vector<16xf32>,
        %add3A_459 = arith.addf %add3A_451, %get3A_458 : vector<16xf32>
        %swap3A_460 = arith.constant 0 : i32
        %swap3A_461 = arith.constant 0 : i32
        %swap3A_462 = tpu.memref_slice %arg10[%scan3A_340, %swap3A_460, %swap3A_461] : memref<2x16x768xf32, #tpu.memory_space<vmem>> -> memref<1x16x768xf32, #tpu.memory_space<vmem>>
        %swap3A_463 = tpu.memref_squeeze %swap3A_462 : memref<1x16x768xf32, #tpu.memory_space<vmem>> -> memref<16x768xf32, #tpu.memory_space<vmem>>
        %swap3A_464 = arith.index_cast %scan3A_351 : i32 to index
        %swap3A_465 = arith.index_cast %mul3A_436 : i32 to index
        %swap3A_466 = tpu.vector_load %swap3A_463[%swap3A_464, %swap3A_465] {strides = array<i32>} : memref<16x768xf32, #tpu.memory_space<vmem>>, vector<16xf32>,
        tpu.vector_store %swap3A_463[%swap3A_464, %swap3A_465], %add3A_459 {strides = array<i32>} : memref<16x768xf32, #tpu.memory_space<vmem>>, vector<16xf32>,
      }
      %scan3A_357 = arith.constant 16 : i32
    }
    %scan3A_347 = arith.constant 16 : i32
    %add3A_348 = arith.constant 48 : i32
    %add3A_349 = arith.addi %mul3A_2, %add3A_348 : i32
    %run_scoped3A_350 = arith.constant 1 : i32
    "tpu.region"() ({
      %run_scoped3A_351 = tpu.sem_alloc : memref<!tpu.dma_semaphore, #tpu.memory_space<semaphore_mem>>
      %dma_start3A_352 = arith.constant 0 : i32
      %dma_start3A_353 = arith.constant 0 : i32
      %dma_start3A_354 = tpu.memref_slice %arg10[%run_scoped3A_350, %dma_start3A_352, %dma_start3A_353] : memref<2x16x768xf32, #tpu.memory_space<vmem>> -> memref<1x16x768xf32, #tpu.memory_space<vmem>>
      %dma_start3A_355 = tpu.memref_squeeze %dma_start3A_354 : memref<1x16x768xf32, #tpu.memory_space<vmem>> -> memref<16x768xf32, #tpu.memory_space<vmem>>
      %dma_start3A_356 = arith.constant 0 : i32
      %dma_start3A_357 = tpu.memref_slice %arg5[%add3A_349, %dma_start3A_356] : memref<2048x768xf32, #tpu.memory_space<hbm>> -> memref<16x768xf32, #tpu.memory_space<hbm>>
      %dma_start3A_358 = arith.constant 0 : i32
      %dma_start3A_359 = tpu.memref_slice %arg5[%add3A_349, %dma_start3A_358] : memref<2048x768xf32, #tpu.memory_space<hbm>> -> memref<16x768xf32, #tpu.memory_space<hbm>>
      %dma_start3A_360 = arith.constant 0 : i32
      %dma_start3A_361 = arith.constant 0 : i32
      %dma_start3A_362 = tpu.memref_slice %arg10[%run_scoped3A_350, %dma_start3A_360, %dma_start3A_361] : memref<2x16x768xf32, #tpu.memory_space<vmem>> -> memref<1x16x768xf32, #tpu.memory_space<vmem>>
      %dma_start3A_363 = tpu.memref_squeeze %dma_start3A_362 : memref<1x16x768xf32, #tpu.memory_space<vmem>> -> memref<16x768xf32, #tpu.memory_space<vmem>>
      tpu.enqueue_dma source(%dma_start3A_363 : memref<16x768xf32, #tpu.memory_space<vmem>>) target(%dma_start3A_359 : memref<16x768xf32, #tpu.memory_space<hbm>>) target_semaphore(%run_scoped3A_351 : memref<!tpu.dma_semaphore, #tpu.memory_space<semaphore_mem>>)
      %dma_wait3A_364 = arith.constant 0 : i32
      %dma_wait3A_365 = arith.constant 0 : i32
      %dma_wait3A_366 = tpu.memref_slice %arg10[%run_scoped3A_350, %dma_wait3A_364, %dma_wait3A_365] : memref<2x16x768xf32, #tpu.memory_space<vmem>> -> memref<1x16x768xf32, #tpu.memory_space<vmem>>
      %dma_wait3A_367 = tpu.memref_squeeze %dma_wait3A_366 : memref<1x16x768xf32, #tpu.memory_space<vmem>> -> memref<16x768xf32, #tpu.memory_space<vmem>>
      %dma_wait3A_368 = arith.constant 0 : i32
      %dma_wait3A_369 = tpu.memref_slice %arg5[%add3A_349, %dma_wait3A_368] : memref<2048x768xf32, #tpu.memory_space<hbm>> -> memref<16x768xf32, #tpu.memory_space<hbm>>
      %dma_wait3A_370 = arith.constant 0 : i32
      %dma_wait3A_371 = tpu.memref_slice %arg5[%add3A_349, %dma_wait3A_370] : memref<2048x768xf32, #tpu.memory_space<hbm>> -> memref<16x768xf32, #tpu.memory_space<hbm>>
      %dma_wait3A_372 = arith.constant 0 : i32
      %dma_wait3A_373 = arith.constant 0 : i32
      %dma_wait3A_374 = tpu.memref_slice %arg10[%run_scoped3A_350, %dma_wait3A_372, %dma_wait3A_373] : memref<2x16x768xf32, #tpu.memory_space<vmem>> -> memref<1x16x768xf32, #tpu.memory_space<vmem>>
      %dma_wait3A_375 = tpu.memref_squeeze %dma_wait3A_374 : memref<1x16x768xf32, #tpu.memory_space<vmem>> -> memref<16x768xf32, #tpu.memory_space<vmem>>
      tpu.wait_dma2 semaphore(%run_scoped3A_351 : memref<!tpu.dma_semaphore, #tpu.memory_space<semaphore_mem>>) src(%dma_wait3A_375 : memref<16x768xf32, #tpu.memory_space<vmem>>) dst(%dma_wait3A_371 : memref<16x768xf32, #tpu.memory_space<hbm>>)
      tpu.yield
    }) : () -> ()
    return
  }
}

module attributes {stable_mosaic.version = 14 : i64} {
  func.func @_ffn_r_body(%arg0: i32, %arg1: memref<25xi32, #tpu.memory_space<smem>>, %arg2: memref<256x768xf32, #tpu.memory_space<vmem>>, %arg3: memref<1x768x512xf32, #tpu.memory_space<vmem>>, %arg4: memref<1x768x512xf32, #tpu.memory_space<vmem>>, %arg5: memref<1x512x768xf32, #tpu.memory_space<vmem>>, %arg6: memref<256x768xf32, #tpu.memory_space<vmem>>) attributes {dimension_semantics = [#tpu.dimension_semantics<arbitrary>], iteration_bounds = array<i64: 24>, scalar_prefetch = 1 : i64, scratch_operands = 0 : i64, tpu.core_type = #tpu.core_type<tc>, window_params = [{transform_indices = @transform_0, window_bounds = array<i64: 256, 768>}, {transform_indices = @transform_1, window_bounds = array<i64: 1, 768, 512>}, {transform_indices = @transform_2, window_bounds = array<i64: 1, 768, 512>}, {transform_indices = @transform_3, window_bounds = array<i64: 1, 512, 768>}, {transform_indices = @transform_4, window_bounds = array<i64: 256, 768>}]} {
    %get3A = arith.constant 24 : index
    %get3A_0 = memref.load %arg1[%get3A] : memref<25xi32, #tpu.memory_space<smem>>
    %lt3A = arith.cmpi slt, %arg0, %get3A_0 : i32
    %convert_element_type3A = arith.extui %lt3A : i1 to i32
    %cond3A = arith.constant 0 : i32
    %cond3A_1 = arith.cmpi ne, %convert_element_type3A, %cond3A : i32
    scf.if %cond3A_1 {
      %get3A_2 = arith.constant 0 : index
      %get3A_3 = arith.constant 0 : index
      %get3A_4 = vector.load %arg2[%get3A_2, %get3A_3] : memref<256x768xf32, #tpu.memory_space<vmem>>, vector<256x768xf32>
      %get3A_5 = arith.constant 0 : index
      %get3A_6 = arith.constant 0 : index
      %get3A_7 = arith.constant 0 : index
      %get3A_8 = vector.load %arg3[%get3A_5, %get3A_6, %get3A_7] : memref<1x768x512xf32, #tpu.memory_space<vmem>>, vector<1x768x512xf32>
      %get3A_9 = vector.shape_cast %get3A_8 : vector<1x768x512xf32> to vector<768x512xf32>
      %dot_general3A = arith.constant dense<0.000000e+00> : vector<256x512xf32>
      %dot_general3A_10 = tpu.matmul %get3A_4, %get3A_9, %dot_general3A {dimension_numbers = #tpu.dot_dimension_numbers<[1], [0], [0], [1], [0, 0, 1, 1], [], []>, transpose_lhs_hint = false} : vector<256x768xf32>, vector<768x512xf32>, vector<256x512xf32> -> vector<256x512xf32>
      %get3A_11 = arith.constant 0 : index
      %get3A_12 = arith.constant 0 : index
      %get3A_13 = arith.constant 0 : index
      %get3A_14 = vector.load %arg4[%get3A_11, %get3A_12, %get3A_13] : memref<1x768x512xf32, #tpu.memory_space<vmem>>, vector<1x768x512xf32>
      %get3A_15 = vector.shape_cast %get3A_14 : vector<1x768x512xf32> to vector<768x512xf32>
      %dot_general3A_16 = arith.constant dense<0.000000e+00> : vector<256x512xf32>
      %dot_general3A_17 = tpu.matmul %get3A_4, %get3A_15, %dot_general3A_16 {dimension_numbers = #tpu.dot_dimension_numbers<[1], [0], [0], [1], [0, 0, 1, 1], [], []>, transpose_lhs_hint = false} : vector<256x768xf32>, vector<768x512xf32>, vector<256x512xf32> -> vector<256x512xf32>
      %logistic3A = arith.negf %dot_general3A_10 : vector<256x512xf32>
      %logistic3A_18 = math.exp %logistic3A : vector<256x512xf32>
      %logistic3A_19 = arith.constant 1.000000e+00 : f32
      %logistic3A_20 = vector.broadcast %logistic3A_19 : f32 to vector<256x512xf32>
      %logistic3A_21 = arith.addf %logistic3A_20, %logistic3A_18 : vector<256x512xf32>
      %logistic3A_22 = arith.divf %logistic3A_20, %logistic3A_21 : vector<256x512xf32>
      %mul3A = arith.mulf %dot_general3A_10, %logistic3A_22 : vector<256x512xf32>
      %mul3A_23 = arith.mulf %mul3A, %dot_general3A_17 : vector<256x512xf32>
      %get3A_24 = arith.constant 0 : index
      %get3A_25 = arith.constant 0 : index
      %get3A_26 = arith.constant 0 : index
      %get3A_27 = vector.load %arg5[%get3A_24, %get3A_25, %get3A_26] : memref<1x512x768xf32, #tpu.memory_space<vmem>>, vector<1x512x768xf32>
      %get3A_28 = vector.shape_cast %get3A_27 : vector<1x512x768xf32> to vector<512x768xf32>
      %dot_general3A_29 = arith.constant dense<0.000000e+00> : vector<256x768xf32>
      %dot_general3A_30 = tpu.matmul %mul3A_23, %get3A_28, %dot_general3A_29 {dimension_numbers = #tpu.dot_dimension_numbers<[1], [0], [0], [1], [0, 0, 1, 1], [], []>, transpose_lhs_hint = false} : vector<256x512xf32>, vector<512x768xf32>, vector<256x768xf32> -> vector<256x768xf32>
      %swap3A = arith.constant 0 : index
      %swap3A_31 = arith.constant 0 : index
      %swap3A_32 = vector.load %arg6[%swap3A, %swap3A_31] : memref<256x768xf32, #tpu.memory_space<vmem>>, vector<256x768xf32>
      tpu.vector_store %arg6[%swap3A, %swap3A_31], %dot_general3A_30 {strides = array<i32>} : memref<256x768xf32, #tpu.memory_space<vmem>>, vector<256x768xf32>,
    } else {
    }
    return
  }
  func.func @transform_0(%arg0: i32, %arg1: memref<25xi32, #tpu.memory_space<smem>>) -> (i32, i32) {
    %c0_i32 = arith.constant 0 : i32
    %c0_i32_0 = arith.constant 0 : i32
    return %arg0, %c0_i32 : i32, i32
  }
  func.func @transform_1(%arg0: i32, %arg1: memref<25xi32, #tpu.memory_space<smem>>) -> (i32, i32, i32) {
    %get3A = arith.index_cast %arg0 : i32 to index
    %get3A_0 = memref.load %arg1[%get3A] : memref<25xi32, #tpu.memory_space<smem>>
    %c0_i32 = arith.constant 0 : i32
    %c0_i32_1 = arith.constant 0 : i32
    %c0_i32_2 = arith.constant 0 : i32
    return %get3A_0, %c0_i32, %c0_i32_1 : i32, i32, i32
  }
  func.func @transform_2(%arg0: i32, %arg1: memref<25xi32, #tpu.memory_space<smem>>) -> (i32, i32, i32) {
    %get3A = arith.index_cast %arg0 : i32 to index
    %get3A_0 = memref.load %arg1[%get3A] : memref<25xi32, #tpu.memory_space<smem>>
    %c0_i32 = arith.constant 0 : i32
    %c0_i32_1 = arith.constant 0 : i32
    %c0_i32_2 = arith.constant 0 : i32
    return %get3A_0, %c0_i32, %c0_i32_1 : i32, i32, i32
  }
  func.func @transform_3(%arg0: i32, %arg1: memref<25xi32, #tpu.memory_space<smem>>) -> (i32, i32, i32) {
    %get3A = arith.index_cast %arg0 : i32 to index
    %get3A_0 = memref.load %arg1[%get3A] : memref<25xi32, #tpu.memory_space<smem>>
    %c0_i32 = arith.constant 0 : i32
    %c0_i32_1 = arith.constant 0 : i32
    %c0_i32_2 = arith.constant 0 : i32
    return %get3A_0, %c0_i32, %c0_i32_1 : i32, i32, i32
  }
  func.func @transform_4(%arg0: i32, %arg1: memref<25xi32, #tpu.memory_space<smem>>) -> (i32, i32) {
    %c0_i32 = arith.constant 0 : i32
    %c0_i32_0 = arith.constant 0 : i32
    return %arg0, %c0_i32 : i32, i32
  }
}

module attributes {stable_mosaic.version = 14 : i64} {
  func.func @_ffn_s_body(%arg0: i32, %arg1: memref<256x768xf32, #tpu.memory_space<vmem>>, %arg2: memref<512x768xf32, #tpu.memory_space<vmem>>, %arg3: memref<512x768xf32, #tpu.memory_space<vmem>>, %arg4: memref<768x512xf32, #tpu.memory_space<vmem>>, %arg5: memref<256x768xf32, #tpu.memory_space<vmem>>) attributes {dimension_semantics = [#tpu.dimension_semantics<arbitrary>], iteration_bounds = array<i64: 8>, scalar_prefetch = 0 : i64, scratch_operands = 0 : i64, tpu.core_type = #tpu.core_type<tc>, window_params = [{transform_indices = @transform_0, window_bounds = array<i64: 256, 768>}, {pipeline_mode = #tpu.pipeline_mode<synchronous>, transform_indices = @transform_1, window_bounds = array<i64: 512, 768>}, {pipeline_mode = #tpu.pipeline_mode<synchronous>, transform_indices = @transform_2, window_bounds = array<i64: 512, 768>}, {pipeline_mode = #tpu.pipeline_mode<synchronous>, transform_indices = @transform_3, window_bounds = array<i64: 768, 512>}, {transform_indices = @transform_4, window_bounds = array<i64: 256, 768>}]} {
    %get3A = arith.constant 0 : index
    %get3A_0 = arith.constant 0 : index
    %get3A_1 = vector.load %arg1[%get3A, %get3A_0] : memref<256x768xf32, #tpu.memory_space<vmem>>, vector<256x768xf32>
    %get3A_2 = arith.constant 0 : index
    %get3A_3 = arith.constant 0 : index
    %get3A_4 = vector.load %arg2[%get3A_2, %get3A_3] : memref<512x768xf32, #tpu.memory_space<vmem>>, vector<512x768xf32>
    %dot_general3A = arith.constant dense<0.000000e+00> : vector<256x512xf32>
    %dot_general3A_5 = tpu.matmul %get3A_1, %get3A_4, %dot_general3A {dimension_numbers = #tpu.dot_dimension_numbers<[1], [1], [0], [0], [0, 0, 1, 0], [], []>, transpose_lhs_hint = false} : vector<256x768xf32>, vector<512x768xf32>, vector<256x512xf32> -> vector<256x512xf32>
    %get3A_6 = arith.constant 0 : index
    %get3A_7 = arith.constant 0 : index
    %get3A_8 = vector.load %arg3[%get3A_6, %get3A_7] : memref<512x768xf32, #tpu.memory_space<vmem>>, vector<512x768xf32>
    %dot_general3A_9 = arith.constant dense<0.000000e+00> : vector<256x512xf32>
    %dot_general3A_10 = tpu.matmul %get3A_1, %get3A_8, %dot_general3A_9 {dimension_numbers = #tpu.dot_dimension_numbers<[1], [1], [0], [0], [0, 0, 1, 0], [], []>, transpose_lhs_hint = false} : vector<256x768xf32>, vector<512x768xf32>, vector<256x512xf32> -> vector<256x512xf32>
    %logistic3A = arith.negf %dot_general3A_5 : vector<256x512xf32>
    %logistic3A_11 = math.exp %logistic3A : vector<256x512xf32>
    %logistic3A_12 = arith.constant 1.000000e+00 : f32
    %logistic3A_13 = vector.broadcast %logistic3A_12 : f32 to vector<256x512xf32>
    %logistic3A_14 = arith.addf %logistic3A_13, %logistic3A_11 : vector<256x512xf32>
    %logistic3A_15 = arith.divf %logistic3A_13, %logistic3A_14 : vector<256x512xf32>
    %mul3A = arith.mulf %dot_general3A_5, %logistic3A_15 : vector<256x512xf32>
    %mul3A_16 = arith.mulf %mul3A, %dot_general3A_10 : vector<256x512xf32>
    %get3A_17 = arith.constant 0 : index
    %get3A_18 = arith.constant 0 : index
    %get3A_19 = vector.load %arg4[%get3A_17, %get3A_18] : memref<768x512xf32, #tpu.memory_space<vmem>>, vector<768x512xf32>
    %dot_general3A_20 = arith.constant dense<0.000000e+00> : vector<256x768xf32>
    %dot_general3A_21 = tpu.matmul %mul3A_16, %get3A_19, %dot_general3A_20 {dimension_numbers = #tpu.dot_dimension_numbers<[1], [1], [0], [0], [0, 0, 1, 0], [], []>, transpose_lhs_hint = false} : vector<256x512xf32>, vector<768x512xf32>, vector<256x768xf32> -> vector<256x768xf32>
    %swap3A = arith.constant 0 : index
    %swap3A_22 = arith.constant 0 : index
    %swap3A_23 = vector.load %arg5[%swap3A, %swap3A_22] : memref<256x768xf32, #tpu.memory_space<vmem>>, vector<256x768xf32>
    tpu.vector_store %arg5[%swap3A, %swap3A_22], %dot_general3A_21 {strides = array<i32>} : memref<256x768xf32, #tpu.memory_space<vmem>>, vector<256x768xf32>,
    return
  }
  func.func @transform_0(%arg0: i32) -> (i32, i32) {
    %c0_i32 = arith.constant 0 : i32
    %c0_i32_0 = arith.constant 0 : i32
    return %arg0, %c0_i32 : i32, i32
  }
  func.func @transform_1(%arg0: i32) -> (i32, i32) {
    %c0_i32 = arith.constant 0 : i32
    %c0_i32_0 = arith.constant 0 : i32
    %c0_i32_1 = arith.constant 0 : i32
    return %c0_i32, %c0_i32_0 : i32, i32
  }
  func.func @transform_2(%arg0: i32) -> (i32, i32) {
    %c0_i32 = arith.constant 0 : i32
    %c0_i32_0 = arith.constant 0 : i32
    %c0_i32_1 = arith.constant 0 : i32
    return %c0_i32, %c0_i32_0 : i32, i32
  }
  func.func @transform_3(%arg0: i32) -> (i32, i32) {
    %c0_i32 = arith.constant 0 : i32
    %c0_i32_0 = arith.constant 0 : i32
    %c0_i32_1 = arith.constant 0 : i32
    return %c0_i32, %c0_i32_0 : i32, i32
  }
  func.func @transform_4(%arg0: i32) -> (i32, i32) {
    %c0_i32 = arith.constant 0 : i32
    %c0_i32_0 = arith.constant 0 : i32
    return %arg0, %c0_i32 : i32, i32
  }
}

module attributes {stable_mosaic.version = 14 : i64} {
  func.func @_router_body(%arg0: memref<2048x768xf32, #tpu.memory_space<vmem>>, %arg1: memref<768x128xf32, #tpu.memory_space<vmem>>, %arg2: memref<1x128xf32, #tpu.memory_space<vmem>>, %arg3: memref<4096x1xi32, #tpu.memory_space<vmem>>, %arg4: memref<4096x768xf32, #tpu.memory_space<vmem>>, %arg5: memref<25x1xi32, #tpu.memory_space<vmem>>) attributes {dimension_semantics = [], scalar_prefetch = 0 : i64, scratch_operands = 0 : i64, tpu.core_type = #tpu.core_type<tc>} {
    %get3A = arith.constant 0 : index
    %get3A_0 = arith.constant 0 : index
    %get3A_1 = vector.load %arg0[%get3A, %get3A_0] : memref<2048x768xf32, #tpu.memory_space<vmem>>, vector<2048x768xf32>
    %get3A_2 = arith.constant 0 : index
    %get3A_3 = arith.constant 0 : index
    %get3A_4 = vector.load %arg1[%get3A_2, %get3A_3] : memref<768x128xf32, #tpu.memory_space<vmem>>, vector<768x128xf32>
    %dot_general3A = arith.constant dense<0.000000e+00> : vector<2048x128xf32>
    %dot_general3A_5 = tpu.matmul %get3A_1, %get3A_4, %dot_general3A {dimension_numbers = #tpu.dot_dimension_numbers<[1], [0], [0], [1], [0, 0, 1, 1], [], []>, transpose_lhs_hint = false} : vector<2048x768xf32>, vector<768x128xf32>, vector<2048x128xf32> -> vector<2048x128xf32>
    %iota3A = tpu.iota {dimensions = array<i32: 1>} : vector<2048x128xi32>
    %lt3A = arith.constant 8 : i32
    %lt3A_6 = vector.broadcast %lt3A : i32 to vector<2048x128xi32>
    %lt3A_7 = arith.cmpi slt, %iota3A, %lt3A_6 : vector<2048x128xi32>
    %jit3A = arith.constant -1.000000e+30 : f32
    %broadcast_in_dim3A = vector.broadcast %jit3A : f32 to vector<2048x128xf32>
    %select_n3A = arith.select %lt3A_7, %dot_general3A_5, %broadcast_in_dim3A : vector<2048x128xi1>, vector<2048x128xf32>
    %reduce_max3A = arith.constant dense<0xFF800000> : vector<2048xf32>
    %reduce_max3A_8 = vector.multi_reduction <maximumf>, %select_n3A, %reduce_max3A [1] : vector<2048x128xf32> to vector<2048xf32>
    %broadcast_in_dim3A_9 = vector.shape_cast %reduce_max3A_8 : vector<2048xf32> to vector<2048x1xf32>
    %sub3A = vector.broadcast %broadcast_in_dim3A_9 : vector<2048x1xf32> to vector<2048x128xf32>
    %sub3A_10 = arith.subf %select_n3A, %sub3A : vector<2048x128xf32>
    %exp3A = math.exp %sub3A_10 : vector<2048x128xf32>
    %jit3A_11 = arith.constant 0.000000e+00 : f32
    %broadcast_in_dim3A_12 = vector.broadcast %jit3A_11 : f32 to vector<2048x128xf32>
    %select_n3A_13 = arith.select %lt3A_7, %exp3A, %broadcast_in_dim3A_12 : vector<2048x128xi1>, vector<2048x128xf32>
    %reduce_sum3A = arith.constant dense<0.000000e+00> : vector<2048xf32>
    %reduce_sum3A_14 = vector.multi_reduction <add>, %select_n3A_13, %reduce_sum3A [1] : vector<2048x128xf32> to vector<2048xf32>
    %broadcast_in_dim3A_15 = vector.shape_cast %reduce_sum3A_14 : vector<2048xf32> to vector<2048x1xf32>
    %div3A = vector.broadcast %broadcast_in_dim3A_15 : vector<2048x1xf32> to vector<2048x128xf32>
    %div3A_16 = arith.divf %select_n3A_13, %div3A : vector<2048x128xf32>
    %get3A_17 = arith.constant 0 : index
    %get3A_18 = arith.constant 0 : index
    %get3A_19 = vector.load %arg2[%get3A_17, %get3A_18] : memref<1x128xf32, #tpu.memory_space<vmem>>, vector<1x128xf32>
    %add3A = vector.broadcast %get3A_19 : vector<1x128xf32> to vector<2048x128xf32>
    %add3A_20 = arith.addf %div3A_16, %add3A : vector<2048x128xf32>
    %jit3A_21 = arith.constant -1.000000e+30 : f32
    %broadcast_in_dim3A_22 = vector.broadcast %jit3A_21 : f32 to vector<2048x128xf32>
    %select_n3A_23 = arith.select %lt3A_7, %add3A_20, %broadcast_in_dim3A_22 : vector<2048x128xi1>, vector<2048x128xf32>
    %reduce_max3A_24 = arith.constant dense<0xFF800000> : vector<2048xf32>
    %reduce_max3A_25 = vector.multi_reduction <maximumf>, %select_n3A_23, %reduce_max3A_24 [1] : vector<2048x128xf32> to vector<2048xf32>
    %broadcast_in_dim3A_26 = vector.shape_cast %reduce_max3A_25 : vector<2048xf32> to vector<2048x1xf32>
    %eq3A = vector.broadcast %broadcast_in_dim3A_26 : vector<2048x1xf32> to vector<2048x128xf32>
    %eq3A_27 = arith.cmpf oeq, %select_n3A_23, %eq3A : vector<2048x128xf32>
    %jit3A_28 = arith.constant 128 : i32
    %broadcast_in_dim3A_29 = vector.broadcast %jit3A_28 : i32 to vector<2048x128xi32>
    %select_n3A_30 = arith.select %eq3A_27, %iota3A, %broadcast_in_dim3A_29 : vector<2048x128xi1>, vector<2048x128xi32>
    %reduce_min3A = arith.constant dense<2147483647> : vector<2048xi32>
    %reduce_min3A_31 = vector.multi_reduction <minsi>, %select_n3A_30, %reduce_min3A [1] : vector<2048x128xi32> to vector<2048xi32>
    %broadcast_in_dim3A_32 = vector.shape_cast %reduce_min3A_31 : vector<2048xi32> to vector<2048x1xi32>
    %eq3A_33 = vector.broadcast %broadcast_in_dim3A_32 : vector<2048x1xi32> to vector<2048x128xi32>
    %eq3A_34 = arith.cmpi eq, %iota3A, %eq3A_33 : vector<2048x128xi32>
    %jit3A_35 = arith.constant -1.000000e+30 : f32
    %broadcast_in_dim3A_36 = vector.broadcast %jit3A_35 : f32 to vector<2048x128xf32>
    %select_n3A_37 = arith.select %eq3A_34, %broadcast_in_dim3A_36, %select_n3A_23 : vector<2048x128xi1>, vector<2048x128xf32>
    %reduce_max3A_38 = arith.constant dense<0xFF800000> : vector<2048xf32>
    %reduce_max3A_39 = vector.multi_reduction <maximumf>, %select_n3A_37, %reduce_max3A_38 [1] : vector<2048x128xf32> to vector<2048xf32>
    %broadcast_in_dim3A_40 = vector.shape_cast %reduce_max3A_39 : vector<2048xf32> to vector<2048x1xf32>
    %eq3A_41 = vector.broadcast %broadcast_in_dim3A_40 : vector<2048x1xf32> to vector<2048x128xf32>
    %eq3A_42 = arith.cmpf oeq, %select_n3A_37, %eq3A_41 : vector<2048x128xf32>
    %jit3A_43 = arith.constant 128 : i32
    %broadcast_in_dim3A_44 = vector.broadcast %jit3A_43 : i32 to vector<2048x128xi32>
    %select_n3A_45 = arith.select %eq3A_42, %iota3A, %broadcast_in_dim3A_44 : vector<2048x128xi1>, vector<2048x128xi32>
    %reduce_min3A_46 = arith.constant dense<2147483647> : vector<2048xi32>
    %reduce_min3A_47 = vector.multi_reduction <minsi>, %select_n3A_45, %reduce_min3A_46 [1] : vector<2048x128xi32> to vector<2048xi32>
    %broadcast_in_dim3A_48 = vector.shape_cast %reduce_min3A_47 : vector<2048xi32> to vector<2048x1xi32>
    %eq3A_49 = vector.broadcast %broadcast_in_dim3A_48 : vector<2048x1xi32> to vector<2048x128xi32>
    %eq3A_50 = arith.cmpi eq, %iota3A, %eq3A_49 : vector<2048x128xi32>
    %jit3A_51 = arith.constant 0.000000e+00 : f32
    %broadcast_in_dim3A_52 = vector.broadcast %jit3A_51 : f32 to vector<2048x128xf32>
    %select_n3A_53 = arith.select %eq3A_34, %div3A_16, %broadcast_in_dim3A_52 : vector<2048x128xi1>, vector<2048x128xf32>
    %reduce_sum3A_54 = arith.constant dense<0.000000e+00> : vector<2048xf32>
    %reduce_sum3A_55 = vector.multi_reduction <add>, %select_n3A_53, %reduce_sum3A_54 [1] : vector<2048x128xf32> to vector<2048xf32>
    %broadcast_in_dim3A_56 = vector.shape_cast %reduce_sum3A_55 : vector<2048xf32> to vector<2048x1xf32>
    %jit3A_57 = arith.constant 0.000000e+00 : f32
    %broadcast_in_dim3A_58 = vector.broadcast %jit3A_57 : f32 to vector<2048x128xf32>
    %select_n3A_59 = arith.select %eq3A_50, %div3A_16, %broadcast_in_dim3A_58 : vector<2048x128xi1>, vector<2048x128xf32>
    %reduce_sum3A_60 = arith.constant dense<0.000000e+00> : vector<2048xf32>
    %reduce_sum3A_61 = vector.multi_reduction <add>, %select_n3A_59, %reduce_sum3A_60 [1] : vector<2048x128xf32> to vector<2048xf32>
    %broadcast_in_dim3A_62 = vector.shape_cast %reduce_sum3A_61 : vector<2048xf32> to vector<2048x1xf32>
    %add3A_63 = arith.addf %broadcast_in_dim3A_56, %broadcast_in_dim3A_62 : vector<2048x1xf32>
    %add3A_64 = arith.constant 9.99999968E-21 : f32
    %add3A_65 = vector.broadcast %add3A_64 : f32 to vector<2048x1xf32>
    %add3A_66 = arith.addf %add3A_63, %add3A_65 : vector<2048x1xf32>
    %div3A_67 = arith.divf %broadcast_in_dim3A_56, %add3A_66 : vector<2048x1xf32>
    %mul3A = vector.broadcast %div3A_67 : vector<2048x1xf32> to vector<2048x768xf32>
    %mul3A_68 = arith.mulf %get3A_1, %mul3A : vector<2048x768xf32>
    %swap3A = arith.constant 0 : index
    %swap3A_69 = arith.constant 0 : index
    %swap3A_70 = vector.load %arg4[%swap3A, %swap3A_69] : memref<4096x768xf32, #tpu.memory_space<vmem>>, vector<2048x768xf32>
    tpu.vector_store %arg4[%swap3A, %swap3A_69], %mul3A_68 {strides = array<i32>} : memref<4096x768xf32, #tpu.memory_space<vmem>>, vector<2048x768xf32>,
    %div3A_71 = arith.divf %broadcast_in_dim3A_62, %add3A_66 : vector<2048x1xf32>
    %mul3A_72 = vector.broadcast %div3A_71 : vector<2048x1xf32> to vector<2048x768xf32>
    %mul3A_73 = arith.mulf %get3A_1, %mul3A_72 : vector<2048x768xf32>
    %swap3A_74 = arith.constant 2048 : index
    %swap3A_75 = arith.constant 0 : index
    %swap3A_76 = vector.load %arg4[%swap3A_74, %swap3A_75] : memref<4096x768xf32, #tpu.memory_space<vmem>>, vector<2048x768xf32>
    tpu.vector_store %arg4[%swap3A_74, %swap3A_75], %mul3A_73 {strides = array<i32>} : memref<4096x768xf32, #tpu.memory_space<vmem>>, vector<2048x768xf32>,
    %convert_element_type3A = arith.extui %eq3A_34 : vector<2048x128xi1> to vector<2048x128xi32>
    %convert_element_type3A_77 = arith.sitofp %convert_element_type3A : vector<2048x128xi32> to vector<2048x128xf32>
    %convert_element_type3A_78 = arith.extui %eq3A_50 : vector<2048x128xi1> to vector<2048x128xi32>
    %convert_element_type3A_79 = arith.sitofp %convert_element_type3A_78 : vector<2048x128xi32> to vector<2048x128xf32>
    %concatenate3A = tpu.concatenate %convert_element_type3A_77, %convert_element_type3A_79 in 0 : vector<2048x128xf32>, vector<2048x128xf32> -> vector<4096x128xf32>
    %iota3A_80 = tpu.iota {dimensions = array<i32: 0>} : vector<128x128xi32>
    %iota3A_81 = tpu.iota {dimensions = array<i32: 1>} : vector<128x128xi32>
    %ge3A = arith.cmpi sge, %iota3A_80, %iota3A_81 : vector<128x128xi32>
    %convert_element_type3A_82 = arith.extui %ge3A : vector<128x128xi1> to vector<128x128xi32>
    %convert_element_type3A_83 = arith.sitofp %convert_element_type3A_82 : vector<128x128xi32> to vector<128x128xf32>
    %broadcast_in_dim3A_84 = arith.constant 0.000000e+00 : f32
    %broadcast_in_dim3A_85 = vector.broadcast %broadcast_in_dim3A_84 : f32 to vector<1x128xf32>
    %slice3A = vector.extract_strided_slice %concatenate3A {offsets = [0, 0], sizes = [128, 128], strides = [1, 1]} : vector<4096x128xf32> to vector<128x128xf32>
    %dot_general3A_86 = arith.constant dense<0.000000e+00> : vector<128x128xf32>
    %dot_general3A_87 = tpu.matmul %convert_element_type3A_83, %slice3A, %dot_general3A_86 {dimension_numbers = #tpu.dot_dimension_numbers<[1], [0], [0], [1], [0, 0, 1, 1], [], []>, transpose_lhs_hint = false} : vector<128x128xf32>, vector<128x128xf32>, vector<128x128xf32> -> vector<128x128xf32>
    %add3A_88 = vector.broadcast %broadcast_in_dim3A_85 : vector<1x128xf32> to vector<128x128xf32>
    %add3A_89 = arith.addf %dot_general3A_87, %add3A_88 : vector<128x128xf32>
    %mul3A_90 = arith.mulf %add3A_89, %slice3A : vector<128x128xf32>
    %reduce_sum3A_91 = arith.constant dense<0.000000e+00> : vector<128xf32>
    %reduce_sum3A_92 = vector.multi_reduction <add>, %mul3A_90, %reduce_sum3A_91 [1] : vector<128x128xf32> to vector<128xf32>
    %broadcast_in_dim3A_93 = vector.shape_cast %reduce_sum3A_92 : vector<128xf32> to vector<128x1xf32>
    %sub3A_94 = arith.constant 1.000000e+00 : f32
    %sub3A_95 = vector.broadcast %sub3A_94 : f32 to vector<128x1xf32>
    %sub3A_96 = arith.subf %broadcast_in_dim3A_93, %sub3A_95 : vector<128x1xf32>
    %reduce_sum3A_97 = arith.constant dense<0.000000e+00> : vector<128xf32>
    %reduce_sum3A_98 = vector.multi_reduction <add>, %slice3A, %reduce_sum3A_97 [0] : vector<128x128xf32> to vector<128xf32>
    %broadcast_in_dim3A_99 = vector.shape_cast %reduce_sum3A_98 : vector<128xf32> to vector<1x128xf32>
    %add3A_100 = arith.addf %broadcast_in_dim3A_85, %broadcast_in_dim3A_99 : vector<1x128xf32>
    %slice3A_101 = vector.extract_strided_slice %concatenate3A {offsets = [128, 0], sizes = [128, 128], strides = [1, 1]} : vector<4096x128xf32> to vector<128x128xf32>
    %dot_general3A_102 = arith.constant dense<0.000000e+00> : vector<128x128xf32>
    %dot_general3A_103 = tpu.matmul %convert_element_type3A_83, %slice3A_101, %dot_general3A_102 {dimension_numbers = #tpu.dot_dimension_numbers<[1], [0], [0], [1], [0, 0, 1, 1], [], []>, transpose_lhs_hint = false} : vector<128x128xf32>, vector<128x128xf32>, vector<128x128xf32> -> vector<128x128xf32>
    %add3A_104 = vector.broadcast %add3A_100 : vector<1x128xf32> to vector<128x128xf32>
    %add3A_105 = arith.addf %dot_general3A_103, %add3A_104 : vector<128x128xf32>
    %mul3A_106 = arith.mulf %add3A_105, %slice3A_101 : vector<128x128xf32>
    %reduce_sum3A_107 = arith.constant dense<0.000000e+00> : vector<128xf32>
    %reduce_sum3A_108 = vector.multi_reduction <add>, %mul3A_106, %reduce_sum3A_107 [1] : vector<128x128xf32> to vector<128xf32>
    %broadcast_in_dim3A_109 = vector.shape_cast %reduce_sum3A_108 : vector<128xf32> to vector<128x1xf32>
    %sub3A_110 = arith.constant 1.000000e+00 : f32
    %sub3A_111 = vector.broadcast %sub3A_110 : f32 to vector<128x1xf32>
    %sub3A_112 = arith.subf %broadcast_in_dim3A_109, %sub3A_111 : vector<128x1xf32>
    %reduce_sum3A_113 = arith.constant dense<0.000000e+00> : vector<128xf32>
    %reduce_sum3A_114 = vector.multi_reduction <add>, %slice3A_101, %reduce_sum3A_113 [0] : vector<128x128xf32> to vector<128xf32>
    %broadcast_in_dim3A_115 = vector.shape_cast %reduce_sum3A_114 : vector<128xf32> to vector<1x128xf32>
    %add3A_116 = arith.addf %add3A_100, %broadcast_in_dim3A_115 : vector<1x128xf32>
    %slice3A_117 = vector.extract_strided_slice %concatenate3A {offsets = [256, 0], sizes = [128, 128], strides = [1, 1]} : vector<4096x128xf32> to vector<128x128xf32>
    %dot_general3A_118 = arith.constant dense<0.000000e+00> : vector<128x128xf32>
    %dot_general3A_119 = tpu.matmul %convert_element_type3A_83, %slice3A_117, %dot_general3A_118 {dimension_numbers = #tpu.dot_dimension_numbers<[1], [0], [0], [1], [0, 0, 1, 1], [], []>, transpose_lhs_hint = false} : vector<128x128xf32>, vector<128x128xf32>, vector<128x128xf32> -> vector<128x128xf32>
    %add3A_120 = vector.broadcast %add3A_116 : vector<1x128xf32> to vector<128x128xf32>
    %add3A_121 = arith.addf %dot_general3A_119, %add3A_120 : vector<128x128xf32>
    %mul3A_122 = arith.mulf %add3A_121, %slice3A_117 : vector<128x128xf32>
    %reduce_sum3A_123 = arith.constant dense<0.000000e+00> : vector<128xf32>
    %reduce_sum3A_124 = vector.multi_reduction <add>, %mul3A_122, %reduce_sum3A_123 [1] : vector<128x128xf32> to vector<128xf32>
    %broadcast_in_dim3A_125 = vector.shape_cast %reduce_sum3A_124 : vector<128xf32> to vector<128x1xf32>
    %sub3A_126 = arith.constant 1.000000e+00 : f32
    %sub3A_127 = vector.broadcast %sub3A_126 : f32 to vector<128x1xf32>
    %sub3A_128 = arith.subf %broadcast_in_dim3A_125, %sub3A_127 : vector<128x1xf32>
    %reduce_sum3A_129 = arith.constant dense<0.000000e+00> : vector<128xf32>
    %reduce_sum3A_130 = vector.multi_reduction <add>, %slice3A_117, %reduce_sum3A_129 [0] : vector<128x128xf32> to vector<128xf32>
    %broadcast_in_dim3A_131 = vector.shape_cast %reduce_sum3A_130 : vector<128xf32> to vector<1x128xf32>
    %add3A_132 = arith.addf %add3A_116, %broadcast_in_dim3A_131 : vector<1x128xf32>
    %slice3A_133 = vector.extract_strided_slice %concatenate3A {offsets = [384, 0], sizes = [128, 128], strides = [1, 1]} : vector<4096x128xf32> to vector<128x128xf32>
    %dot_general3A_134 = arith.constant dense<0.000000e+00> : vector<128x128xf32>
    %dot_general3A_135 = tpu.matmul %convert_element_type3A_83, %slice3A_133, %dot_general3A_134 {dimension_numbers = #tpu.dot_dimension_numbers<[1], [0], [0], [1], [0, 0, 1, 1], [], []>, transpose_lhs_hint = false} : vector<128x128xf32>, vector<128x128xf32>, vector<128x128xf32> -> vector<128x128xf32>
    %add3A_136 = vector.broadcast %add3A_132 : vector<1x128xf32> to vector<128x128xf32>
    %add3A_137 = arith.addf %dot_general3A_135, %add3A_136 : vector<128x128xf32>
    %mul3A_138 = arith.mulf %add3A_137, %slice3A_133 : vector<128x128xf32>
    %reduce_sum3A_139 = arith.constant dense<0.000000e+00> : vector<128xf32>
    %reduce_sum3A_140 = vector.multi_reduction <add>, %mul3A_138, %reduce_sum3A_139 [1] : vector<128x128xf32> to vector<128xf32>
    %broadcast_in_dim3A_141 = vector.shape_cast %reduce_sum3A_140 : vector<128xf32> to vector<128x1xf32>
    %sub3A_142 = arith.constant 1.000000e+00 : f32
    %sub3A_143 = vector.broadcast %sub3A_142 : f32 to vector<128x1xf32>
    %sub3A_144 = arith.subf %broadcast_in_dim3A_141, %sub3A_143 : vector<128x1xf32>
    %reduce_sum3A_145 = arith.constant dense<0.000000e+00> : vector<128xf32>
    %reduce_sum3A_146 = vector.multi_reduction <add>, %slice3A_133, %reduce_sum3A_145 [0] : vector<128x128xf32> to vector<128xf32>
    %broadcast_in_dim3A_147 = vector.shape_cast %reduce_sum3A_146 : vector<128xf32> to vector<1x128xf32>
    %add3A_148 = arith.addf %add3A_132, %broadcast_in_dim3A_147 : vector<1x128xf32>
    %slice3A_149 = vector.extract_strided_slice %concatenate3A {offsets = [512, 0], sizes = [128, 128], strides = [1, 1]} : vector<4096x128xf32> to vector<128x128xf32>
    %dot_general3A_150 = arith.constant dense<0.000000e+00> : vector<128x128xf32>
    %dot_general3A_151 = tpu.matmul %convert_element_type3A_83, %slice3A_149, %dot_general3A_150 {dimension_numbers = #tpu.dot_dimension_numbers<[1], [0], [0], [1], [0, 0, 1, 1], [], []>, transpose_lhs_hint = false} : vector<128x128xf32>, vector<128x128xf32>, vector<128x128xf32> -> vector<128x128xf32>
    %add3A_152 = vector.broadcast %add3A_148 : vector<1x128xf32> to vector<128x128xf32>
    %add3A_153 = arith.addf %dot_general3A_151, %add3A_152 : vector<128x128xf32>
    %mul3A_154 = arith.mulf %add3A_153, %slice3A_149 : vector<128x128xf32>
    %reduce_sum3A_155 = arith.constant dense<0.000000e+00> : vector<128xf32>
    %reduce_sum3A_156 = vector.multi_reduction <add>, %mul3A_154, %reduce_sum3A_155 [1] : vector<128x128xf32> to vector<128xf32>
    %broadcast_in_dim3A_157 = vector.shape_cast %reduce_sum3A_156 : vector<128xf32> to vector<128x1xf32>
    %sub3A_158 = arith.constant 1.000000e+00 : f32
    %sub3A_159 = vector.broadcast %sub3A_158 : f32 to vector<128x1xf32>
    %sub3A_160 = arith.subf %broadcast_in_dim3A_157, %sub3A_159 : vector<128x1xf32>
    %reduce_sum3A_161 = arith.constant dense<0.000000e+00> : vector<128xf32>
    %reduce_sum3A_162 = vector.multi_reduction <add>, %slice3A_149, %reduce_sum3A_161 [0] : vector<128x128xf32> to vector<128xf32>
    %broadcast_in_dim3A_163 = vector.shape_cast %reduce_sum3A_162 : vector<128xf32> to vector<1x128xf32>
    %add3A_164 = arith.addf %add3A_148, %broadcast_in_dim3A_163 : vector<1x128xf32>
    %slice3A_165 = vector.extract_strided_slice %concatenate3A {offsets = [640, 0], sizes = [128, 128], strides = [1, 1]} : vector<4096x128xf32> to vector<128x128xf32>
    %dot_general3A_166 = arith.constant dense<0.000000e+00> : vector<128x128xf32>
    %dot_general3A_167 = tpu.matmul %convert_element_type3A_83, %slice3A_165, %dot_general3A_166 {dimension_numbers = #tpu.dot_dimension_numbers<[1], [0], [0], [1], [0, 0, 1, 1], [], []>, transpose_lhs_hint = false} : vector<128x128xf32>, vector<128x128xf32>, vector<128x128xf32> -> vector<128x128xf32>
    %add3A_168 = vector.broadcast %add3A_164 : vector<1x128xf32> to vector<128x128xf32>
    %add3A_169 = arith.addf %dot_general3A_167, %add3A_168 : vector<128x128xf32>
    %mul3A_170 = arith.mulf %add3A_169, %slice3A_165 : vector<128x128xf32>
    %reduce_sum3A_171 = arith.constant dense<0.000000e+00> : vector<128xf32>
    %reduce_sum3A_172 = vector.multi_reduction <add>, %mul3A_170, %reduce_sum3A_171 [1] : vector<128x128xf32> to vector<128xf32>
    %broadcast_in_dim3A_173 = vector.shape_cast %reduce_sum3A_172 : vector<128xf32> to vector<128x1xf32>
    %sub3A_174 = arith.constant 1.000000e+00 : f32
    %sub3A_175 = vector.broadcast %sub3A_174 : f32 to vector<128x1xf32>
    %sub3A_176 = arith.subf %broadcast_in_dim3A_173, %sub3A_175 : vector<128x1xf32>
    %reduce_sum3A_177 = arith.constant dense<0.000000e+00> : vector<128xf32>
    %reduce_sum3A_178 = vector.multi_reduction <add>, %slice3A_165, %reduce_sum3A_177 [0] : vector<128x128xf32> to vector<128xf32>
    %broadcast_in_dim3A_179 = vector.shape_cast %reduce_sum3A_178 : vector<128xf32> to vector<1x128xf32>
    %add3A_180 = arith.addf %add3A_164, %broadcast_in_dim3A_179 : vector<1x128xf32>
    %slice3A_181 = vector.extract_strided_slice %concatenate3A {offsets = [768, 0], sizes = [128, 128], strides = [1, 1]} : vector<4096x128xf32> to vector<128x128xf32>
    %dot_general3A_182 = arith.constant dense<0.000000e+00> : vector<128x128xf32>
    %dot_general3A_183 = tpu.matmul %convert_element_type3A_83, %slice3A_181, %dot_general3A_182 {dimension_numbers = #tpu.dot_dimension_numbers<[1], [0], [0], [1], [0, 0, 1, 1], [], []>, transpose_lhs_hint = false} : vector<128x128xf32>, vector<128x128xf32>, vector<128x128xf32> -> vector<128x128xf32>
    %add3A_184 = vector.broadcast %add3A_180 : vector<1x128xf32> to vector<128x128xf32>
    %add3A_185 = arith.addf %dot_general3A_183, %add3A_184 : vector<128x128xf32>
    %mul3A_186 = arith.mulf %add3A_185, %slice3A_181 : vector<128x128xf32>
    %reduce_sum3A_187 = arith.constant dense<0.000000e+00> : vector<128xf32>
    %reduce_sum3A_188 = vector.multi_reduction <add>, %mul3A_186, %reduce_sum3A_187 [1] : vector<128x128xf32> to vector<128xf32>
    %broadcast_in_dim3A_189 = vector.shape_cast %reduce_sum3A_188 : vector<128xf32> to vector<128x1xf32>
    %sub3A_190 = arith.constant 1.000000e+00 : f32
    %sub3A_191 = vector.broadcast %sub3A_190 : f32 to vector<128x1xf32>
    %sub3A_192 = arith.subf %broadcast_in_dim3A_189, %sub3A_191 : vector<128x1xf32>
    %reduce_sum3A_193 = arith.constant dense<0.000000e+00> : vector<128xf32>
    %reduce_sum3A_194 = vector.multi_reduction <add>, %slice3A_181, %reduce_sum3A_193 [0] : vector<128x128xf32> to vector<128xf32>
    %broadcast_in_dim3A_195 = vector.shape_cast %reduce_sum3A_194 : vector<128xf32> to vector<1x128xf32>
    %add3A_196 = arith.addf %add3A_180, %broadcast_in_dim3A_195 : vector<1x128xf32>
    %slice3A_197 = vector.extract_strided_slice %concatenate3A {offsets = [896, 0], sizes = [128, 128], strides = [1, 1]} : vector<4096x128xf32> to vector<128x128xf32>
    %dot_general3A_198 = arith.constant dense<0.000000e+00> : vector<128x128xf32>
    %dot_general3A_199 = tpu.matmul %convert_element_type3A_83, %slice3A_197, %dot_general3A_198 {dimension_numbers = #tpu.dot_dimension_numbers<[1], [0], [0], [1], [0, 0, 1, 1], [], []>, transpose_lhs_hint = false} : vector<128x128xf32>, vector<128x128xf32>, vector<128x128xf32> -> vector<128x128xf32>
    %add3A_200 = vector.broadcast %add3A_196 : vector<1x128xf32> to vector<128x128xf32>
    %add3A_201 = arith.addf %dot_general3A_199, %add3A_200 : vector<128x128xf32>
    %mul3A_202 = arith.mulf %add3A_201, %slice3A_197 : vector<128x128xf32>
    %reduce_sum3A_203 = arith.constant dense<0.000000e+00> : vector<128xf32>
    %reduce_sum3A_204 = vector.multi_reduction <add>, %mul3A_202, %reduce_sum3A_203 [1] : vector<128x128xf32> to vector<128xf32>
    %broadcast_in_dim3A_205 = vector.shape_cast %reduce_sum3A_204 : vector<128xf32> to vector<128x1xf32>
    %sub3A_206 = arith.constant 1.000000e+00 : f32
    %sub3A_207 = vector.broadcast %sub3A_206 : f32 to vector<128x1xf32>
    %sub3A_208 = arith.subf %broadcast_in_dim3A_205, %sub3A_207 : vector<128x1xf32>
    %reduce_sum3A_209 = arith.constant dense<0.000000e+00> : vector<128xf32>
    %reduce_sum3A_210 = vector.multi_reduction <add>, %slice3A_197, %reduce_sum3A_209 [0] : vector<128x128xf32> to vector<128xf32>
    %broadcast_in_dim3A_211 = vector.shape_cast %reduce_sum3A_210 : vector<128xf32> to vector<1x128xf32>
    %add3A_212 = arith.addf %add3A_196, %broadcast_in_dim3A_211 : vector<1x128xf32>
    %slice3A_213 = vector.extract_strided_slice %concatenate3A {offsets = [1024, 0], sizes = [128, 128], strides = [1, 1]} : vector<4096x128xf32> to vector<128x128xf32>
    %dot_general3A_214 = arith.constant dense<0.000000e+00> : vector<128x128xf32>
    %dot_general3A_215 = tpu.matmul %convert_element_type3A_83, %slice3A_213, %dot_general3A_214 {dimension_numbers = #tpu.dot_dimension_numbers<[1], [0], [0], [1], [0, 0, 1, 1], [], []>, transpose_lhs_hint = false} : vector<128x128xf32>, vector<128x128xf32>, vector<128x128xf32> -> vector<128x128xf32>
    %add3A_216 = vector.broadcast %add3A_212 : vector<1x128xf32> to vector<128x128xf32>
    %add3A_217 = arith.addf %dot_general3A_215, %add3A_216 : vector<128x128xf32>
    %mul3A_218 = arith.mulf %add3A_217, %slice3A_213 : vector<128x128xf32>
    %reduce_sum3A_219 = arith.constant dense<0.000000e+00> : vector<128xf32>
    %reduce_sum3A_220 = vector.multi_reduction <add>, %mul3A_218, %reduce_sum3A_219 [1] : vector<128x128xf32> to vector<128xf32>
    %broadcast_in_dim3A_221 = vector.shape_cast %reduce_sum3A_220 : vector<128xf32> to vector<128x1xf32>
    %sub3A_222 = arith.constant 1.000000e+00 : f32
    %sub3A_223 = vector.broadcast %sub3A_222 : f32 to vector<128x1xf32>
    %sub3A_224 = arith.subf %broadcast_in_dim3A_221, %sub3A_223 : vector<128x1xf32>
    %reduce_sum3A_225 = arith.constant dense<0.000000e+00> : vector<128xf32>
    %reduce_sum3A_226 = vector.multi_reduction <add>, %slice3A_213, %reduce_sum3A_225 [0] : vector<128x128xf32> to vector<128xf32>
    %broadcast_in_dim3A_227 = vector.shape_cast %reduce_sum3A_226 : vector<128xf32> to vector<1x128xf32>
    %add3A_228 = arith.addf %add3A_212, %broadcast_in_dim3A_227 : vector<1x128xf32>
    %slice3A_229 = vector.extract_strided_slice %concatenate3A {offsets = [1152, 0], sizes = [128, 128], strides = [1, 1]} : vector<4096x128xf32> to vector<128x128xf32>
    %dot_general3A_230 = arith.constant dense<0.000000e+00> : vector<128x128xf32>
    %dot_general3A_231 = tpu.matmul %convert_element_type3A_83, %slice3A_229, %dot_general3A_230 {dimension_numbers = #tpu.dot_dimension_numbers<[1], [0], [0], [1], [0, 0, 1, 1], [], []>, transpose_lhs_hint = false} : vector<128x128xf32>, vector<128x128xf32>, vector<128x128xf32> -> vector<128x128xf32>
    %add3A_232 = vector.broadcast %add3A_228 : vector<1x128xf32> to vector<128x128xf32>
    %add3A_233 = arith.addf %dot_general3A_231, %add3A_232 : vector<128x128xf32>
    %mul3A_234 = arith.mulf %add3A_233, %slice3A_229 : vector<128x128xf32>
    %reduce_sum3A_235 = arith.constant dense<0.000000e+00> : vector<128xf32>
    %reduce_sum3A_236 = vector.multi_reduction <add>, %mul3A_234, %reduce_sum3A_235 [1] : vector<128x128xf32> to vector<128xf32>
    %broadcast_in_dim3A_237 = vector.shape_cast %reduce_sum3A_236 : vector<128xf32> to vector<128x1xf32>
    %sub3A_238 = arith.constant 1.000000e+00 : f32
    %sub3A_239 = vector.broadcast %sub3A_238 : f32 to vector<128x1xf32>
    %sub3A_240 = arith.subf %broadcast_in_dim3A_237, %sub3A_239 : vector<128x1xf32>
    %reduce_sum3A_241 = arith.constant dense<0.000000e+00> : vector<128xf32>
    %reduce_sum3A_242 = vector.multi_reduction <add>, %slice3A_229, %reduce_sum3A_241 [0] : vector<128x128xf32> to vector<128xf32>
    %broadcast_in_dim3A_243 = vector.shape_cast %reduce_sum3A_242 : vector<128xf32> to vector<1x128xf32>
    %add3A_244 = arith.addf %add3A_228, %broadcast_in_dim3A_243 : vector<1x128xf32>
    %slice3A_245 = vector.extract_strided_slice %concatenate3A {offsets = [1280, 0], sizes = [128, 128], strides = [1, 1]} : vector<4096x128xf32> to vector<128x128xf32>
    %dot_general3A_246 = arith.constant dense<0.000000e+00> : vector<128x128xf32>
    %dot_general3A_247 = tpu.matmul %convert_element_type3A_83, %slice3A_245, %dot_general3A_246 {dimension_numbers = #tpu.dot_dimension_numbers<[1], [0], [0], [1], [0, 0, 1, 1], [], []>, transpose_lhs_hint = false} : vector<128x128xf32>, vector<128x128xf32>, vector<128x128xf32> -> vector<128x128xf32>
    %add3A_248 = vector.broadcast %add3A_244 : vector<1x128xf32> to vector<128x128xf32>
    %add3A_249 = arith.addf %dot_general3A_247, %add3A_248 : vector<128x128xf32>
    %mul3A_250 = arith.mulf %add3A_249, %slice3A_245 : vector<128x128xf32>
    %reduce_sum3A_251 = arith.constant dense<0.000000e+00> : vector<128xf32>
    %reduce_sum3A_252 = vector.multi_reduction <add>, %mul3A_250, %reduce_sum3A_251 [1] : vector<128x128xf32> to vector<128xf32>
    %broadcast_in_dim3A_253 = vector.shape_cast %reduce_sum3A_252 : vector<128xf32> to vector<128x1xf32>
    %sub3A_254 = arith.constant 1.000000e+00 : f32
    %sub3A_255 = vector.broadcast %sub3A_254 : f32 to vector<128x1xf32>
    %sub3A_256 = arith.subf %broadcast_in_dim3A_253, %sub3A_255 : vector<128x1xf32>
    %reduce_sum3A_257 = arith.constant dense<0.000000e+00> : vector<128xf32>
    %reduce_sum3A_258 = vector.multi_reduction <add>, %slice3A_245, %reduce_sum3A_257 [0] : vector<128x128xf32> to vector<128xf32>
    %broadcast_in_dim3A_259 = vector.shape_cast %reduce_sum3A_258 : vector<128xf32> to vector<1x128xf32>
    %add3A_260 = arith.addf %add3A_244, %broadcast_in_dim3A_259 : vector<1x128xf32>
    %slice3A_261 = vector.extract_strided_slice %concatenate3A {offsets = [1408, 0], sizes = [128, 128], strides = [1, 1]} : vector<4096x128xf32> to vector<128x128xf32>
    %dot_general3A_262 = arith.constant dense<0.000000e+00> : vector<128x128xf32>
    %dot_general3A_263 = tpu.matmul %convert_element_type3A_83, %slice3A_261, %dot_general3A_262 {dimension_numbers = #tpu.dot_dimension_numbers<[1], [0], [0], [1], [0, 0, 1, 1], [], []>, transpose_lhs_hint = false} : vector<128x128xf32>, vector<128x128xf32>, vector<128x128xf32> -> vector<128x128xf32>
    %add3A_264 = vector.broadcast %add3A_260 : vector<1x128xf32> to vector<128x128xf32>
    %add3A_265 = arith.addf %dot_general3A_263, %add3A_264 : vector<128x128xf32>
    %mul3A_266 = arith.mulf %add3A_265, %slice3A_261 : vector<128x128xf32>
    %reduce_sum3A_267 = arith.constant dense<0.000000e+00> : vector<128xf32>
    %reduce_sum3A_268 = vector.multi_reduction <add>, %mul3A_266, %reduce_sum3A_267 [1] : vector<128x128xf32> to vector<128xf32>
    %broadcast_in_dim3A_269 = vector.shape_cast %reduce_sum3A_268 : vector<128xf32> to vector<128x1xf32>
    %sub3A_270 = arith.constant 1.000000e+00 : f32
    %sub3A_271 = vector.broadcast %sub3A_270 : f32 to vector<128x1xf32>
    %sub3A_272 = arith.subf %broadcast_in_dim3A_269, %sub3A_271 : vector<128x1xf32>
    %reduce_sum3A_273 = arith.constant dense<0.000000e+00> : vector<128xf32>
    %reduce_sum3A_274 = vector.multi_reduction <add>, %slice3A_261, %reduce_sum3A_273 [0] : vector<128x128xf32> to vector<128xf32>
    %broadcast_in_dim3A_275 = vector.shape_cast %reduce_sum3A_274 : vector<128xf32> to vector<1x128xf32>
    %add3A_276 = arith.addf %add3A_260, %broadcast_in_dim3A_275 : vector<1x128xf32>
    %slice3A_277 = vector.extract_strided_slice %concatenate3A {offsets = [1536, 0], sizes = [128, 128], strides = [1, 1]} : vector<4096x128xf32> to vector<128x128xf32>
    %dot_general3A_278 = arith.constant dense<0.000000e+00> : vector<128x128xf32>
    %dot_general3A_279 = tpu.matmul %convert_element_type3A_83, %slice3A_277, %dot_general3A_278 {dimension_numbers = #tpu.dot_dimension_numbers<[1], [0], [0], [1], [0, 0, 1, 1], [], []>, transpose_lhs_hint = false} : vector<128x128xf32>, vector<128x128xf32>, vector<128x128xf32> -> vector<128x128xf32>
    %add3A_280 = vector.broadcast %add3A_276 : vector<1x128xf32> to vector<128x128xf32>
    %add3A_281 = arith.addf %dot_general3A_279, %add3A_280 : vector<128x128xf32>
    %mul3A_282 = arith.mulf %add3A_281, %slice3A_277 : vector<128x128xf32>
    %reduce_sum3A_283 = arith.constant dense<0.000000e+00> : vector<128xf32>
    %reduce_sum3A_284 = vector.multi_reduction <add>, %mul3A_282, %reduce_sum3A_283 [1] : vector<128x128xf32> to vector<128xf32>
    %broadcast_in_dim3A_285 = vector.shape_cast %reduce_sum3A_284 : vector<128xf32> to vector<128x1xf32>
    %sub3A_286 = arith.constant 1.000000e+00 : f32
    %sub3A_287 = vector.broadcast %sub3A_286 : f32 to vector<128x1xf32>
    %sub3A_288 = arith.subf %broadcast_in_dim3A_285, %sub3A_287 : vector<128x1xf32>
    %reduce_sum3A_289 = arith.constant dense<0.000000e+00> : vector<128xf32>
    %reduce_sum3A_290 = vector.multi_reduction <add>, %slice3A_277, %reduce_sum3A_289 [0] : vector<128x128xf32> to vector<128xf32>
    %broadcast_in_dim3A_291 = vector.shape_cast %reduce_sum3A_290 : vector<128xf32> to vector<1x128xf32>
    %add3A_292 = arith.addf %add3A_276, %broadcast_in_dim3A_291 : vector<1x128xf32>
    %slice3A_293 = vector.extract_strided_slice %concatenate3A {offsets = [1664, 0], sizes = [128, 128], strides = [1, 1]} : vector<4096x128xf32> to vector<128x128xf32>
    %dot_general3A_294 = arith.constant dense<0.000000e+00> : vector<128x128xf32>
    %dot_general3A_295 = tpu.matmul %convert_element_type3A_83, %slice3A_293, %dot_general3A_294 {dimension_numbers = #tpu.dot_dimension_numbers<[1], [0], [0], [1], [0, 0, 1, 1], [], []>, transpose_lhs_hint = false} : vector<128x128xf32>, vector<128x128xf32>, vector<128x128xf32> -> vector<128x128xf32>
    %add3A_296 = vector.broadcast %add3A_292 : vector<1x128xf32> to vector<128x128xf32>
    %add3A_297 = arith.addf %dot_general3A_295, %add3A_296 : vector<128x128xf32>
    %mul3A_298 = arith.mulf %add3A_297, %slice3A_293 : vector<128x128xf32>
    %reduce_sum3A_299 = arith.constant dense<0.000000e+00> : vector<128xf32>
    %reduce_sum3A_300 = vector.multi_reduction <add>, %mul3A_298, %reduce_sum3A_299 [1] : vector<128x128xf32> to vector<128xf32>
    %broadcast_in_dim3A_301 = vector.shape_cast %reduce_sum3A_300 : vector<128xf32> to vector<128x1xf32>
    %sub3A_302 = arith.constant 1.000000e+00 : f32
    %sub3A_303 = vector.broadcast %sub3A_302 : f32 to vector<128x1xf32>
    %sub3A_304 = arith.subf %broadcast_in_dim3A_301, %sub3A_303 : vector<128x1xf32>
    %reduce_sum3A_305 = arith.constant dense<0.000000e+00> : vector<128xf32>
    %reduce_sum3A_306 = vector.multi_reduction <add>, %slice3A_293, %reduce_sum3A_305 [0] : vector<128x128xf32> to vector<128xf32>
    %broadcast_in_dim3A_307 = vector.shape_cast %reduce_sum3A_306 : vector<128xf32> to vector<1x128xf32>
    %add3A_308 = arith.addf %add3A_292, %broadcast_in_dim3A_307 : vector<1x128xf32>
    %slice3A_309 = vector.extract_strided_slice %concatenate3A {offsets = [1792, 0], sizes = [128, 128], strides = [1, 1]} : vector<4096x128xf32> to vector<128x128xf32>
    %dot_general3A_310 = arith.constant dense<0.000000e+00> : vector<128x128xf32>
    %dot_general3A_311 = tpu.matmul %convert_element_type3A_83, %slice3A_309, %dot_general3A_310 {dimension_numbers = #tpu.dot_dimension_numbers<[1], [0], [0], [1], [0, 0, 1, 1], [], []>, transpose_lhs_hint = false} : vector<128x128xf32>, vector<128x128xf32>, vector<128x128xf32> -> vector<128x128xf32>
    %add3A_312 = vector.broadcast %add3A_308 : vector<1x128xf32> to vector<128x128xf32>
    %add3A_313 = arith.addf %dot_general3A_311, %add3A_312 : vector<128x128xf32>
    %mul3A_314 = arith.mulf %add3A_313, %slice3A_309 : vector<128x128xf32>
    %reduce_sum3A_315 = arith.constant dense<0.000000e+00> : vector<128xf32>
    %reduce_sum3A_316 = vector.multi_reduction <add>, %mul3A_314, %reduce_sum3A_315 [1] : vector<128x128xf32> to vector<128xf32>
    %broadcast_in_dim3A_317 = vector.shape_cast %reduce_sum3A_316 : vector<128xf32> to vector<128x1xf32>
    %sub3A_318 = arith.constant 1.000000e+00 : f32
    %sub3A_319 = vector.broadcast %sub3A_318 : f32 to vector<128x1xf32>
    %sub3A_320 = arith.subf %broadcast_in_dim3A_317, %sub3A_319 : vector<128x1xf32>
    %reduce_sum3A_321 = arith.constant dense<0.000000e+00> : vector<128xf32>
    %reduce_sum3A_322 = vector.multi_reduction <add>, %slice3A_309, %reduce_sum3A_321 [0] : vector<128x128xf32> to vector<128xf32>
    %broadcast_in_dim3A_323 = vector.shape_cast %reduce_sum3A_322 : vector<128xf32> to vector<1x128xf32>
    %add3A_324 = arith.addf %add3A_308, %broadcast_in_dim3A_323 : vector<1x128xf32>
    %slice3A_325 = vector.extract_strided_slice %concatenate3A {offsets = [1920, 0], sizes = [128, 128], strides = [1, 1]} : vector<4096x128xf32> to vector<128x128xf32>
    %dot_general3A_326 = arith.constant dense<0.000000e+00> : vector<128x128xf32>
    %dot_general3A_327 = tpu.matmul %convert_element_type3A_83, %slice3A_325, %dot_general3A_326 {dimension_numbers = #tpu.dot_dimension_numbers<[1], [0], [0], [1], [0, 0, 1, 1], [], []>, transpose_lhs_hint = false} : vector<128x128xf32>, vector<128x128xf32>, vector<128x128xf32> -> vector<128x128xf32>
    %add3A_328 = vector.broadcast %add3A_324 : vector<1x128xf32> to vector<128x128xf32>
    %add3A_329 = arith.addf %dot_general3A_327, %add3A_328 : vector<128x128xf32>
    %mul3A_330 = arith.mulf %add3A_329, %slice3A_325 : vector<128x128xf32>
    %reduce_sum3A_331 = arith.constant dense<0.000000e+00> : vector<128xf32>
    %reduce_sum3A_332 = vector.multi_reduction <add>, %mul3A_330, %reduce_sum3A_331 [1] : vector<128x128xf32> to vector<128xf32>
    %broadcast_in_dim3A_333 = vector.shape_cast %reduce_sum3A_332 : vector<128xf32> to vector<128x1xf32>
    %sub3A_334 = arith.constant 1.000000e+00 : f32
    %sub3A_335 = vector.broadcast %sub3A_334 : f32 to vector<128x1xf32>
    %sub3A_336 = arith.subf %broadcast_in_dim3A_333, %sub3A_335 : vector<128x1xf32>
    %reduce_sum3A_337 = arith.constant dense<0.000000e+00> : vector<128xf32>
    %reduce_sum3A_338 = vector.multi_reduction <add>, %slice3A_325, %reduce_sum3A_337 [0] : vector<128x128xf32> to vector<128xf32>
    %broadcast_in_dim3A_339 = vector.shape_cast %reduce_sum3A_338 : vector<128xf32> to vector<1x128xf32>
    %add3A_340 = arith.addf %add3A_324, %broadcast_in_dim3A_339 : vector<1x128xf32>
    %slice3A_341 = vector.extract_strided_slice %concatenate3A {offsets = [2048, 0], sizes = [128, 128], strides = [1, 1]} : vector<4096x128xf32> to vector<128x128xf32>
    %dot_general3A_342 = arith.constant dense<0.000000e+00> : vector<128x128xf32>
    %dot_general3A_343 = tpu.matmul %convert_element_type3A_83, %slice3A_341, %dot_general3A_342 {dimension_numbers = #tpu.dot_dimension_numbers<[1], [0], [0], [1], [0, 0, 1, 1], [], []>, transpose_lhs_hint = false} : vector<128x128xf32>, vector<128x128xf32>, vector<128x128xf32> -> vector<128x128xf32>
    %add3A_344 = vector.broadcast %add3A_340 : vector<1x128xf32> to vector<128x128xf32>
    %add3A_345 = arith.addf %dot_general3A_343, %add3A_344 : vector<128x128xf32>
    %mul3A_346 = arith.mulf %add3A_345, %slice3A_341 : vector<128x128xf32>
    %reduce_sum3A_347 = arith.constant dense<0.000000e+00> : vector<128xf32>
    %reduce_sum3A_348 = vector.multi_reduction <add>, %mul3A_346, %reduce_sum3A_347 [1] : vector<128x128xf32> to vector<128xf32>
    %broadcast_in_dim3A_349 = vector.shape_cast %reduce_sum3A_348 : vector<128xf32> to vector<128x1xf32>
    %sub3A_350 = arith.constant 1.000000e+00 : f32
    %sub3A_351 = vector.broadcast %sub3A_350 : f32 to vector<128x1xf32>
    %sub3A_352 = arith.subf %broadcast_in_dim3A_349, %sub3A_351 : vector<128x1xf32>
    %reduce_sum3A_353 = arith.constant dense<0.000000e+00> : vector<128xf32>
    %reduce_sum3A_354 = vector.multi_reduction <add>, %slice3A_341, %reduce_sum3A_353 [0] : vector<128x128xf32> to vector<128xf32>
    %broadcast_in_dim3A_355 = vector.shape_cast %reduce_sum3A_354 : vector<128xf32> to vector<1x128xf32>
    %add3A_356 = arith.addf %add3A_340, %broadcast_in_dim3A_355 : vector<1x128xf32>
    %slice3A_357 = vector.extract_strided_slice %concatenate3A {offsets = [2176, 0], sizes = [128, 128], strides = [1, 1]} : vector<4096x128xf32> to vector<128x128xf32>
    %dot_general3A_358 = arith.constant dense<0.000000e+00> : vector<128x128xf32>
    %dot_general3A_359 = tpu.matmul %convert_element_type3A_83, %slice3A_357, %dot_general3A_358 {dimension_numbers = #tpu.dot_dimension_numbers<[1], [0], [0], [1], [0, 0, 1, 1], [], []>, transpose_lhs_hint = false} : vector<128x128xf32>, vector<128x128xf32>, vector<128x128xf32> -> vector<128x128xf32>
    %add3A_360 = vector.broadcast %add3A_356 : vector<1x128xf32> to vector<128x128xf32>
    %add3A_361 = arith.addf %dot_general3A_359, %add3A_360 : vector<128x128xf32>
    %mul3A_362 = arith.mulf %add3A_361, %slice3A_357 : vector<128x128xf32>
    %reduce_sum3A_363 = arith.constant dense<0.000000e+00> : vector<128xf32>
    %reduce_sum3A_364 = vector.multi_reduction <add>, %mul3A_362, %reduce_sum3A_363 [1] : vector<128x128xf32> to vector<128xf32>
    %broadcast_in_dim3A_365 = vector.shape_cast %reduce_sum3A_364 : vector<128xf32> to vector<128x1xf32>
    %sub3A_366 = arith.constant 1.000000e+00 : f32
    %sub3A_367 = vector.broadcast %sub3A_366 : f32 to vector<128x1xf32>
    %sub3A_368 = arith.subf %broadcast_in_dim3A_365, %sub3A_367 : vector<128x1xf32>
    %reduce_sum3A_369 = arith.constant dense<0.000000e+00> : vector<128xf32>
    %reduce_sum3A_370 = vector.multi_reduction <add>, %slice3A_357, %reduce_sum3A_369 [0] : vector<128x128xf32> to vector<128xf32>
    %broadcast_in_dim3A_371 = vector.shape_cast %reduce_sum3A_370 : vector<128xf32> to vector<1x128xf32>
    %add3A_372 = arith.addf %add3A_356, %broadcast_in_dim3A_371 : vector<1x128xf32>
    %slice3A_373 = vector.extract_strided_slice %concatenate3A {offsets = [2304, 0], sizes = [128, 128], strides = [1, 1]} : vector<4096x128xf32> to vector<128x128xf32>
    %dot_general3A_374 = arith.constant dense<0.000000e+00> : vector<128x128xf32>
    %dot_general3A_375 = tpu.matmul %convert_element_type3A_83, %slice3A_373, %dot_general3A_374 {dimension_numbers = #tpu.dot_dimension_numbers<[1], [0], [0], [1], [0, 0, 1, 1], [], []>, transpose_lhs_hint = false} : vector<128x128xf32>, vector<128x128xf32>, vector<128x128xf32> -> vector<128x128xf32>
    %add3A_376 = vector.broadcast %add3A_372 : vector<1x128xf32> to vector<128x128xf32>
    %add3A_377 = arith.addf %dot_general3A_375, %add3A_376 : vector<128x128xf32>
    %mul3A_378 = arith.mulf %add3A_377, %slice3A_373 : vector<128x128xf32>
    %reduce_sum3A_379 = arith.constant dense<0.000000e+00> : vector<128xf32>
    %reduce_sum3A_380 = vector.multi_reduction <add>, %mul3A_378, %reduce_sum3A_379 [1] : vector<128x128xf32> to vector<128xf32>
    %broadcast_in_dim3A_381 = vector.shape_cast %reduce_sum3A_380 : vector<128xf32> to vector<128x1xf32>
    %sub3A_382 = arith.constant 1.000000e+00 : f32
    %sub3A_383 = vector.broadcast %sub3A_382 : f32 to vector<128x1xf32>
    %sub3A_384 = arith.subf %broadcast_in_dim3A_381, %sub3A_383 : vector<128x1xf32>
    %reduce_sum3A_385 = arith.constant dense<0.000000e+00> : vector<128xf32>
    %reduce_sum3A_386 = vector.multi_reduction <add>, %slice3A_373, %reduce_sum3A_385 [0] : vector<128x128xf32> to vector<128xf32>
    %broadcast_in_dim3A_387 = vector.shape_cast %reduce_sum3A_386 : vector<128xf32> to vector<1x128xf32>
    %add3A_388 = arith.addf %add3A_372, %broadcast_in_dim3A_387 : vector<1x128xf32>
    %slice3A_389 = vector.extract_strided_slice %concatenate3A {offsets = [2432, 0], sizes = [128, 128], strides = [1, 1]} : vector<4096x128xf32> to vector<128x128xf32>
    %dot_general3A_390 = arith.constant dense<0.000000e+00> : vector<128x128xf32>
    %dot_general3A_391 = tpu.matmul %convert_element_type3A_83, %slice3A_389, %dot_general3A_390 {dimension_numbers = #tpu.dot_dimension_numbers<[1], [0], [0], [1], [0, 0, 1, 1], [], []>, transpose_lhs_hint = false} : vector<128x128xf32>, vector<128x128xf32>, vector<128x128xf32> -> vector<128x128xf32>
    %add3A_392 = vector.broadcast %add3A_388 : vector<1x128xf32> to vector<128x128xf32>
    %add3A_393 = arith.addf %dot_general3A_391, %add3A_392 : vector<128x128xf32>
    %mul3A_394 = arith.mulf %add3A_393, %slice3A_389 : vector<128x128xf32>
    %reduce_sum3A_395 = arith.constant dense<0.000000e+00> : vector<128xf32>
    %reduce_sum3A_396 = vector.multi_reduction <add>, %mul3A_394, %reduce_sum3A_395 [1] : vector<128x128xf32> to vector<128xf32>
    %broadcast_in_dim3A_397 = vector.shape_cast %reduce_sum3A_396 : vector<128xf32> to vector<128x1xf32>
    %sub3A_398 = arith.constant 1.000000e+00 : f32
    %sub3A_399 = vector.broadcast %sub3A_398 : f32 to vector<128x1xf32>
    %sub3A_400 = arith.subf %broadcast_in_dim3A_397, %sub3A_399 : vector<128x1xf32>
    %reduce_sum3A_401 = arith.constant dense<0.000000e+00> : vector<128xf32>
    %reduce_sum3A_402 = vector.multi_reduction <add>, %slice3A_389, %reduce_sum3A_401 [0] : vector<128x128xf32> to vector<128xf32>
    %broadcast_in_dim3A_403 = vector.shape_cast %reduce_sum3A_402 : vector<128xf32> to vector<1x128xf32>
    %add3A_404 = arith.addf %add3A_388, %broadcast_in_dim3A_403 : vector<1x128xf32>
    %slice3A_405 = vector.extract_strided_slice %concatenate3A {offsets = [2560, 0], sizes = [128, 128], strides = [1, 1]} : vector<4096x128xf32> to vector<128x128xf32>
    %dot_general3A_406 = arith.constant dense<0.000000e+00> : vector<128x128xf32>
    %dot_general3A_407 = tpu.matmul %convert_element_type3A_83, %slice3A_405, %dot_general3A_406 {dimension_numbers = #tpu.dot_dimension_numbers<[1], [0], [0], [1], [0, 0, 1, 1], [], []>, transpose_lhs_hint = false} : vector<128x128xf32>, vector<128x128xf32>, vector<128x128xf32> -> vector<128x128xf32>
    %add3A_408 = vector.broadcast %add3A_404 : vector<1x128xf32> to vector<128x128xf32>
    %add3A_409 = arith.addf %dot_general3A_407, %add3A_408 : vector<128x128xf32>
    %mul3A_410 = arith.mulf %add3A_409, %slice3A_405 : vector<128x128xf32>
    %reduce_sum3A_411 = arith.constant dense<0.000000e+00> : vector<128xf32>
    %reduce_sum3A_412 = vector.multi_reduction <add>, %mul3A_410, %reduce_sum3A_411 [1] : vector<128x128xf32> to vector<128xf32>
    %broadcast_in_dim3A_413 = vector.shape_cast %reduce_sum3A_412 : vector<128xf32> to vector<128x1xf32>
    %sub3A_414 = arith.constant 1.000000e+00 : f32
    %sub3A_415 = vector.broadcast %sub3A_414 : f32 to vector<128x1xf32>
    %sub3A_416 = arith.subf %broadcast_in_dim3A_413, %sub3A_415 : vector<128x1xf32>
    %reduce_sum3A_417 = arith.constant dense<0.000000e+00> : vector<128xf32>
    %reduce_sum3A_418 = vector.multi_reduction <add>, %slice3A_405, %reduce_sum3A_417 [0] : vector<128x128xf32> to vector<128xf32>
    %broadcast_in_dim3A_419 = vector.shape_cast %reduce_sum3A_418 : vector<128xf32> to vector<1x128xf32>
    %add3A_420 = arith.addf %add3A_404, %broadcast_in_dim3A_419 : vector<1x128xf32>
    %slice3A_421 = vector.extract_strided_slice %concatenate3A {offsets = [2688, 0], sizes = [128, 128], strides = [1, 1]} : vector<4096x128xf32> to vector<128x128xf32>
    %dot_general3A_422 = arith.constant dense<0.000000e+00> : vector<128x128xf32>
    %dot_general3A_423 = tpu.matmul %convert_element_type3A_83, %slice3A_421, %dot_general3A_422 {dimension_numbers = #tpu.dot_dimension_numbers<[1], [0], [0], [1], [0, 0, 1, 1], [], []>, transpose_lhs_hint = false} : vector<128x128xf32>, vector<128x128xf32>, vector<128x128xf32> -> vector<128x128xf32>
    %add3A_424 = vector.broadcast %add3A_420 : vector<1x128xf32> to vector<128x128xf32>
    %add3A_425 = arith.addf %dot_general3A_423, %add3A_424 : vector<128x128xf32>
    %mul3A_426 = arith.mulf %add3A_425, %slice3A_421 : vector<128x128xf32>
    %reduce_sum3A_427 = arith.constant dense<0.000000e+00> : vector<128xf32>
    %reduce_sum3A_428 = vector.multi_reduction <add>, %mul3A_426, %reduce_sum3A_427 [1] : vector<128x128xf32> to vector<128xf32>
    %broadcast_in_dim3A_429 = vector.shape_cast %reduce_sum3A_428 : vector<128xf32> to vector<128x1xf32>
    %sub3A_430 = arith.constant 1.000000e+00 : f32
    %sub3A_431 = vector.broadcast %sub3A_430 : f32 to vector<128x1xf32>
    %sub3A_432 = arith.subf %broadcast_in_dim3A_429, %sub3A_431 : vector<128x1xf32>
    %reduce_sum3A_433 = arith.constant dense<0.000000e+00> : vector<128xf32>
    %reduce_sum3A_434 = vector.multi_reduction <add>, %slice3A_421, %reduce_sum3A_433 [0] : vector<128x128xf32> to vector<128xf32>
    %broadcast_in_dim3A_435 = vector.shape_cast %reduce_sum3A_434 : vector<128xf32> to vector<1x128xf32>
    %add3A_436 = arith.addf %add3A_420, %broadcast_in_dim3A_435 : vector<1x128xf32>
    %slice3A_437 = vector.extract_strided_slice %concatenate3A {offsets = [2816, 0], sizes = [128, 128], strides = [1, 1]} : vector<4096x128xf32> to vector<128x128xf32>
    %dot_general3A_438 = arith.constant dense<0.000000e+00> : vector<128x128xf32>
    %dot_general3A_439 = tpu.matmul %convert_element_type3A_83, %slice3A_437, %dot_general3A_438 {dimension_numbers = #tpu.dot_dimension_numbers<[1], [0], [0], [1], [0, 0, 1, 1], [], []>, transpose_lhs_hint = false} : vector<128x128xf32>, vector<128x128xf32>, vector<128x128xf32> -> vector<128x128xf32>
    %add3A_440 = vector.broadcast %add3A_436 : vector<1x128xf32> to vector<128x128xf32>
    %add3A_441 = arith.addf %dot_general3A_439, %add3A_440 : vector<128x128xf32>
    %mul3A_442 = arith.mulf %add3A_441, %slice3A_437 : vector<128x128xf32>
    %reduce_sum3A_443 = arith.constant dense<0.000000e+00> : vector<128xf32>
    %reduce_sum3A_444 = vector.multi_reduction <add>, %mul3A_442, %reduce_sum3A_443 [1] : vector<128x128xf32> to vector<128xf32>
    %broadcast_in_dim3A_445 = vector.shape_cast %reduce_sum3A_444 : vector<128xf32> to vector<128x1xf32>
    %sub3A_446 = arith.constant 1.000000e+00 : f32
    %sub3A_447 = vector.broadcast %sub3A_446 : f32 to vector<128x1xf32>
    %sub3A_448 = arith.subf %broadcast_in_dim3A_445, %sub3A_447 : vector<128x1xf32>
    %reduce_sum3A_449 = arith.constant dense<0.000000e+00> : vector<128xf32>
    %reduce_sum3A_450 = vector.multi_reduction <add>, %slice3A_437, %reduce_sum3A_449 [0] : vector<128x128xf32> to vector<128xf32>
    %broadcast_in_dim3A_451 = vector.shape_cast %reduce_sum3A_450 : vector<128xf32> to vector<1x128xf32>
    %add3A_452 = arith.addf %add3A_436, %broadcast_in_dim3A_451 : vector<1x128xf32>
    %slice3A_453 = vector.extract_strided_slice %concatenate3A {offsets = [2944, 0], sizes = [128, 128], strides = [1, 1]} : vector<4096x128xf32> to vector<128x128xf32>
    %dot_general3A_454 = arith.constant dense<0.000000e+00> : vector<128x128xf32>
    %dot_general3A_455 = tpu.matmul %convert_element_type3A_83, %slice3A_453, %dot_general3A_454 {dimension_numbers = #tpu.dot_dimension_numbers<[1], [0], [0], [1], [0, 0, 1, 1], [], []>, transpose_lhs_hint = false} : vector<128x128xf32>, vector<128x128xf32>, vector<128x128xf32> -> vector<128x128xf32>
    %add3A_456 = vector.broadcast %add3A_452 : vector<1x128xf32> to vector<128x128xf32>
    %add3A_457 = arith.addf %dot_general3A_455, %add3A_456 : vector<128x128xf32>
    %mul3A_458 = arith.mulf %add3A_457, %slice3A_453 : vector<128x128xf32>
    %reduce_sum3A_459 = arith.constant dense<0.000000e+00> : vector<128xf32>
    %reduce_sum3A_460 = vector.multi_reduction <add>, %mul3A_458, %reduce_sum3A_459 [1] : vector<128x128xf32> to vector<128xf32>
    %broadcast_in_dim3A_461 = vector.shape_cast %reduce_sum3A_460 : vector<128xf32> to vector<128x1xf32>
    %sub3A_462 = arith.constant 1.000000e+00 : f32
    %sub3A_463 = vector.broadcast %sub3A_462 : f32 to vector<128x1xf32>
    %sub3A_464 = arith.subf %broadcast_in_dim3A_461, %sub3A_463 : vector<128x1xf32>
    %reduce_sum3A_465 = arith.constant dense<0.000000e+00> : vector<128xf32>
    %reduce_sum3A_466 = vector.multi_reduction <add>, %slice3A_453, %reduce_sum3A_465 [0] : vector<128x128xf32> to vector<128xf32>
    %broadcast_in_dim3A_467 = vector.shape_cast %reduce_sum3A_466 : vector<128xf32> to vector<1x128xf32>
    %add3A_468 = arith.addf %add3A_452, %broadcast_in_dim3A_467 : vector<1x128xf32>
    %slice3A_469 = vector.extract_strided_slice %concatenate3A {offsets = [3072, 0], sizes = [128, 128], strides = [1, 1]} : vector<4096x128xf32> to vector<128x128xf32>
    %dot_general3A_470 = arith.constant dense<0.000000e+00> : vector<128x128xf32>
    %dot_general3A_471 = tpu.matmul %convert_element_type3A_83, %slice3A_469, %dot_general3A_470 {dimension_numbers = #tpu.dot_dimension_numbers<[1], [0], [0], [1], [0, 0, 1, 1], [], []>, transpose_lhs_hint = false} : vector<128x128xf32>, vector<128x128xf32>, vector<128x128xf32> -> vector<128x128xf32>
    %add3A_472 = vector.broadcast %add3A_468 : vector<1x128xf32> to vector<128x128xf32>
    %add3A_473 = arith.addf %dot_general3A_471, %add3A_472 : vector<128x128xf32>
    %mul3A_474 = arith.mulf %add3A_473, %slice3A_469 : vector<128x128xf32>
    %reduce_sum3A_475 = arith.constant dense<0.000000e+00> : vector<128xf32>
    %reduce_sum3A_476 = vector.multi_reduction <add>, %mul3A_474, %reduce_sum3A_475 [1] : vector<128x128xf32> to vector<128xf32>
    %broadcast_in_dim3A_477 = vector.shape_cast %reduce_sum3A_476 : vector<128xf32> to vector<128x1xf32>
    %sub3A_478 = arith.constant 1.000000e+00 : f32
    %sub3A_479 = vector.broadcast %sub3A_478 : f32 to vector<128x1xf32>
    %sub3A_480 = arith.subf %broadcast_in_dim3A_477, %sub3A_479 : vector<128x1xf32>
    %reduce_sum3A_481 = arith.constant dense<0.000000e+00> : vector<128xf32>
    %reduce_sum3A_482 = vector.multi_reduction <add>, %slice3A_469, %reduce_sum3A_481 [0] : vector<128x128xf32> to vector<128xf32>
    %broadcast_in_dim3A_483 = vector.shape_cast %reduce_sum3A_482 : vector<128xf32> to vector<1x128xf32>
    %add3A_484 = arith.addf %add3A_468, %broadcast_in_dim3A_483 : vector<1x128xf32>
    %slice3A_485 = vector.extract_strided_slice %concatenate3A {offsets = [3200, 0], sizes = [128, 128], strides = [1, 1]} : vector<4096x128xf32> to vector<128x128xf32>
    %dot_general3A_486 = arith.constant dense<0.000000e+00> : vector<128x128xf32>
    %dot_general3A_487 = tpu.matmul %convert_element_type3A_83, %slice3A_485, %dot_general3A_486 {dimension_numbers = #tpu.dot_dimension_numbers<[1], [0], [0], [1], [0, 0, 1, 1], [], []>, transpose_lhs_hint = false} : vector<128x128xf32>, vector<128x128xf32>, vector<128x128xf32> -> vector<128x128xf32>
    %add3A_488 = vector.broadcast %add3A_484 : vector<1x128xf32> to vector<128x128xf32>
    %add3A_489 = arith.addf %dot_general3A_487, %add3A_488 : vector<128x128xf32>
    %mul3A_490 = arith.mulf %add3A_489, %slice3A_485 : vector<128x128xf32>
    %reduce_sum3A_491 = arith.constant dense<0.000000e+00> : vector<128xf32>
    %reduce_sum3A_492 = vector.multi_reduction <add>, %mul3A_490, %reduce_sum3A_491 [1] : vector<128x128xf32> to vector<128xf32>
    %broadcast_in_dim3A_493 = vector.shape_cast %reduce_sum3A_492 : vector<128xf32> to vector<128x1xf32>
    %sub3A_494 = arith.constant 1.000000e+00 : f32
    %sub3A_495 = vector.broadcast %sub3A_494 : f32 to vector<128x1xf32>
    %sub3A_496 = arith.subf %broadcast_in_dim3A_493, %sub3A_495 : vector<128x1xf32>
    %reduce_sum3A_497 = arith.constant dense<0.000000e+00> : vector<128xf32>
    %reduce_sum3A_498 = vector.multi_reduction <add>, %slice3A_485, %reduce_sum3A_497 [0] : vector<128x128xf32> to vector<128xf32>
    %broadcast_in_dim3A_499 = vector.shape_cast %reduce_sum3A_498 : vector<128xf32> to vector<1x128xf32>
    %add3A_500 = arith.addf %add3A_484, %broadcast_in_dim3A_499 : vector<1x128xf32>
    %slice3A_501 = vector.extract_strided_slice %concatenate3A {offsets = [3328, 0], sizes = [128, 128], strides = [1, 1]} : vector<4096x128xf32> to vector<128x128xf32>
    %dot_general3A_502 = arith.constant dense<0.000000e+00> : vector<128x128xf32>
    %dot_general3A_503 = tpu.matmul %convert_element_type3A_83, %slice3A_501, %dot_general3A_502 {dimension_numbers = #tpu.dot_dimension_numbers<[1], [0], [0], [1], [0, 0, 1, 1], [], []>, transpose_lhs_hint = false} : vector<128x128xf32>, vector<128x128xf32>, vector<128x128xf32> -> vector<128x128xf32>
    %add3A_504 = vector.broadcast %add3A_500 : vector<1x128xf32> to vector<128x128xf32>
    %add3A_505 = arith.addf %dot_general3A_503, %add3A_504 : vector<128x128xf32>
    %mul3A_506 = arith.mulf %add3A_505, %slice3A_501 : vector<128x128xf32>
    %reduce_sum3A_507 = arith.constant dense<0.000000e+00> : vector<128xf32>
    %reduce_sum3A_508 = vector.multi_reduction <add>, %mul3A_506, %reduce_sum3A_507 [1] : vector<128x128xf32> to vector<128xf32>
    %broadcast_in_dim3A_509 = vector.shape_cast %reduce_sum3A_508 : vector<128xf32> to vector<128x1xf32>
    %sub3A_510 = arith.constant 1.000000e+00 : f32
    %sub3A_511 = vector.broadcast %sub3A_510 : f32 to vector<128x1xf32>
    %sub3A_512 = arith.subf %broadcast_in_dim3A_509, %sub3A_511 : vector<128x1xf32>
    %reduce_sum3A_513 = arith.constant dense<0.000000e+00> : vector<128xf32>
    %reduce_sum3A_514 = vector.multi_reduction <add>, %slice3A_501, %reduce_sum3A_513 [0] : vector<128x128xf32> to vector<128xf32>
    %broadcast_in_dim3A_515 = vector.shape_cast %reduce_sum3A_514 : vector<128xf32> to vector<1x128xf32>
    %add3A_516 = arith.addf %add3A_500, %broadcast_in_dim3A_515 : vector<1x128xf32>
    %slice3A_517 = vector.extract_strided_slice %concatenate3A {offsets = [3456, 0], sizes = [128, 128], strides = [1, 1]} : vector<4096x128xf32> to vector<128x128xf32>
    %dot_general3A_518 = arith.constant dense<0.000000e+00> : vector<128x128xf32>
    %dot_general3A_519 = tpu.matmul %convert_element_type3A_83, %slice3A_517, %dot_general3A_518 {dimension_numbers = #tpu.dot_dimension_numbers<[1], [0], [0], [1], [0, 0, 1, 1], [], []>, transpose_lhs_hint = false} : vector<128x128xf32>, vector<128x128xf32>, vector<128x128xf32> -> vector<128x128xf32>
    %add3A_520 = vector.broadcast %add3A_516 : vector<1x128xf32> to vector<128x128xf32>
    %add3A_521 = arith.addf %dot_general3A_519, %add3A_520 : vector<128x128xf32>
    %mul3A_522 = arith.mulf %add3A_521, %slice3A_517 : vector<128x128xf32>
    %reduce_sum3A_523 = arith.constant dense<0.000000e+00> : vector<128xf32>
    %reduce_sum3A_524 = vector.multi_reduction <add>, %mul3A_522, %reduce_sum3A_523 [1] : vector<128x128xf32> to vector<128xf32>
    %broadcast_in_dim3A_525 = vector.shape_cast %reduce_sum3A_524 : vector<128xf32> to vector<128x1xf32>
    %sub3A_526 = arith.constant 1.000000e+00 : f32
    %sub3A_527 = vector.broadcast %sub3A_526 : f32 to vector<128x1xf32>
    %sub3A_528 = arith.subf %broadcast_in_dim3A_525, %sub3A_527 : vector<128x1xf32>
    %reduce_sum3A_529 = arith.constant dense<0.000000e+00> : vector<128xf32>
    %reduce_sum3A_530 = vector.multi_reduction <add>, %slice3A_517, %reduce_sum3A_529 [0] : vector<128x128xf32> to vector<128xf32>
    %broadcast_in_dim3A_531 = vector.shape_cast %reduce_sum3A_530 : vector<128xf32> to vector<1x128xf32>
    %add3A_532 = arith.addf %add3A_516, %broadcast_in_dim3A_531 : vector<1x128xf32>
    %slice3A_533 = vector.extract_strided_slice %concatenate3A {offsets = [3584, 0], sizes = [128, 128], strides = [1, 1]} : vector<4096x128xf32> to vector<128x128xf32>
    %dot_general3A_534 = arith.constant dense<0.000000e+00> : vector<128x128xf32>
    %dot_general3A_535 = tpu.matmul %convert_element_type3A_83, %slice3A_533, %dot_general3A_534 {dimension_numbers = #tpu.dot_dimension_numbers<[1], [0], [0], [1], [0, 0, 1, 1], [], []>, transpose_lhs_hint = false} : vector<128x128xf32>, vector<128x128xf32>, vector<128x128xf32> -> vector<128x128xf32>
    %add3A_536 = vector.broadcast %add3A_532 : vector<1x128xf32> to vector<128x128xf32>
    %add3A_537 = arith.addf %dot_general3A_535, %add3A_536 : vector<128x128xf32>
    %mul3A_538 = arith.mulf %add3A_537, %slice3A_533 : vector<128x128xf32>
    %reduce_sum3A_539 = arith.constant dense<0.000000e+00> : vector<128xf32>
    %reduce_sum3A_540 = vector.multi_reduction <add>, %mul3A_538, %reduce_sum3A_539 [1] : vector<128x128xf32> to vector<128xf32>
    %broadcast_in_dim3A_541 = vector.shape_cast %reduce_sum3A_540 : vector<128xf32> to vector<128x1xf32>
    %sub3A_542 = arith.constant 1.000000e+00 : f32
    %sub3A_543 = vector.broadcast %sub3A_542 : f32 to vector<128x1xf32>
    %sub3A_544 = arith.subf %broadcast_in_dim3A_541, %sub3A_543 : vector<128x1xf32>
    %reduce_sum3A_545 = arith.constant dense<0.000000e+00> : vector<128xf32>
    %reduce_sum3A_546 = vector.multi_reduction <add>, %slice3A_533, %reduce_sum3A_545 [0] : vector<128x128xf32> to vector<128xf32>
    %broadcast_in_dim3A_547 = vector.shape_cast %reduce_sum3A_546 : vector<128xf32> to vector<1x128xf32>
    %add3A_548 = arith.addf %add3A_532, %broadcast_in_dim3A_547 : vector<1x128xf32>
    %slice3A_549 = vector.extract_strided_slice %concatenate3A {offsets = [3712, 0], sizes = [128, 128], strides = [1, 1]} : vector<4096x128xf32> to vector<128x128xf32>
    %dot_general3A_550 = arith.constant dense<0.000000e+00> : vector<128x128xf32>
    %dot_general3A_551 = tpu.matmul %convert_element_type3A_83, %slice3A_549, %dot_general3A_550 {dimension_numbers = #tpu.dot_dimension_numbers<[1], [0], [0], [1], [0, 0, 1, 1], [], []>, transpose_lhs_hint = false} : vector<128x128xf32>, vector<128x128xf32>, vector<128x128xf32> -> vector<128x128xf32>
    %add3A_552 = vector.broadcast %add3A_548 : vector<1x128xf32> to vector<128x128xf32>
    %add3A_553 = arith.addf %dot_general3A_551, %add3A_552 : vector<128x128xf32>
    %mul3A_554 = arith.mulf %add3A_553, %slice3A_549 : vector<128x128xf32>
    %reduce_sum3A_555 = arith.constant dense<0.000000e+00> : vector<128xf32>
    %reduce_sum3A_556 = vector.multi_reduction <add>, %mul3A_554, %reduce_sum3A_555 [1] : vector<128x128xf32> to vector<128xf32>
    %broadcast_in_dim3A_557 = vector.shape_cast %reduce_sum3A_556 : vector<128xf32> to vector<128x1xf32>
    %sub3A_558 = arith.constant 1.000000e+00 : f32
    %sub3A_559 = vector.broadcast %sub3A_558 : f32 to vector<128x1xf32>
    %sub3A_560 = arith.subf %broadcast_in_dim3A_557, %sub3A_559 : vector<128x1xf32>
    %reduce_sum3A_561 = arith.constant dense<0.000000e+00> : vector<128xf32>
    %reduce_sum3A_562 = vector.multi_reduction <add>, %slice3A_549, %reduce_sum3A_561 [0] : vector<128x128xf32> to vector<128xf32>
    %broadcast_in_dim3A_563 = vector.shape_cast %reduce_sum3A_562 : vector<128xf32> to vector<1x128xf32>
    %add3A_564 = arith.addf %add3A_548, %broadcast_in_dim3A_563 : vector<1x128xf32>
    %slice3A_565 = vector.extract_strided_slice %concatenate3A {offsets = [3840, 0], sizes = [128, 128], strides = [1, 1]} : vector<4096x128xf32> to vector<128x128xf32>
    %dot_general3A_566 = arith.constant dense<0.000000e+00> : vector<128x128xf32>
    %dot_general3A_567 = tpu.matmul %convert_element_type3A_83, %slice3A_565, %dot_general3A_566 {dimension_numbers = #tpu.dot_dimension_numbers<[1], [0], [0], [1], [0, 0, 1, 1], [], []>, transpose_lhs_hint = false} : vector<128x128xf32>, vector<128x128xf32>, vector<128x128xf32> -> vector<128x128xf32>
    %add3A_568 = vector.broadcast %add3A_564 : vector<1x128xf32> to vector<128x128xf32>
    %add3A_569 = arith.addf %dot_general3A_567, %add3A_568 : vector<128x128xf32>
    %mul3A_570 = arith.mulf %add3A_569, %slice3A_565 : vector<128x128xf32>
    %reduce_sum3A_571 = arith.constant dense<0.000000e+00> : vector<128xf32>
    %reduce_sum3A_572 = vector.multi_reduction <add>, %mul3A_570, %reduce_sum3A_571 [1] : vector<128x128xf32> to vector<128xf32>
    %broadcast_in_dim3A_573 = vector.shape_cast %reduce_sum3A_572 : vector<128xf32> to vector<128x1xf32>
    %sub3A_574 = arith.constant 1.000000e+00 : f32
    %sub3A_575 = vector.broadcast %sub3A_574 : f32 to vector<128x1xf32>
    %sub3A_576 = arith.subf %broadcast_in_dim3A_573, %sub3A_575 : vector<128x1xf32>
    %reduce_sum3A_577 = arith.constant dense<0.000000e+00> : vector<128xf32>
    %reduce_sum3A_578 = vector.multi_reduction <add>, %slice3A_565, %reduce_sum3A_577 [0] : vector<128x128xf32> to vector<128xf32>
    %broadcast_in_dim3A_579 = vector.shape_cast %reduce_sum3A_578 : vector<128xf32> to vector<1x128xf32>
    %add3A_580 = arith.addf %add3A_564, %broadcast_in_dim3A_579 : vector<1x128xf32>
    %slice3A_581 = vector.extract_strided_slice %concatenate3A {offsets = [3968, 0], sizes = [128, 128], strides = [1, 1]} : vector<4096x128xf32> to vector<128x128xf32>
    %dot_general3A_582 = arith.constant dense<0.000000e+00> : vector<128x128xf32>
    %dot_general3A_583 = tpu.matmul %convert_element_type3A_83, %slice3A_581, %dot_general3A_582 {dimension_numbers = #tpu.dot_dimension_numbers<[1], [0], [0], [1], [0, 0, 1, 1], [], []>, transpose_lhs_hint = false} : vector<128x128xf32>, vector<128x128xf32>, vector<128x128xf32> -> vector<128x128xf32>
    %add3A_584 = vector.broadcast %add3A_580 : vector<1x128xf32> to vector<128x128xf32>
    %add3A_585 = arith.addf %dot_general3A_583, %add3A_584 : vector<128x128xf32>
    %mul3A_586 = arith.mulf %add3A_585, %slice3A_581 : vector<128x128xf32>
    %reduce_sum3A_587 = arith.constant dense<0.000000e+00> : vector<128xf32>
    %reduce_sum3A_588 = vector.multi_reduction <add>, %mul3A_586, %reduce_sum3A_587 [1] : vector<128x128xf32> to vector<128xf32>
    %broadcast_in_dim3A_589 = vector.shape_cast %reduce_sum3A_588 : vector<128xf32> to vector<128x1xf32>
    %sub3A_590 = arith.constant 1.000000e+00 : f32
    %sub3A_591 = vector.broadcast %sub3A_590 : f32 to vector<128x1xf32>
    %sub3A_592 = arith.subf %broadcast_in_dim3A_589, %sub3A_591 : vector<128x1xf32>
    %reduce_sum3A_593 = arith.constant dense<0.000000e+00> : vector<128xf32>
    %reduce_sum3A_594 = vector.multi_reduction <add>, %slice3A_581, %reduce_sum3A_593 [0] : vector<128x128xf32> to vector<128xf32>
    %broadcast_in_dim3A_595 = vector.shape_cast %reduce_sum3A_594 : vector<128xf32> to vector<1x128xf32>
    %add3A_596 = arith.addf %add3A_580, %broadcast_in_dim3A_595 : vector<1x128xf32>
    %div3A_597 = arith.constant 2.560000e+02 : f32
    %div3A_598 = vector.broadcast %div3A_597 : f32 to vector<1x128xf32>
    %div3A_599 = arith.divf %add3A_596, %div3A_598 : vector<1x128xf32>
    %ceil3A = math.ceil %div3A_599 : vector<1x128xf32>
    %mul3A_600 = arith.constant 2.560000e+02 : f32
    %mul3A_601 = vector.broadcast %mul3A_600 : f32 to vector<1x128xf32>
    %mul3A_602 = arith.mulf %ceil3A, %mul3A_601 : vector<1x128xf32>
    %lt3A_603 = arith.cmpi slt, %iota3A_80, %iota3A_81 : vector<128x128xi32>
    %convert_element_type3A_604 = arith.extui %lt3A_603 : vector<128x128xi1> to vector<128x128xi32>
    %convert_element_type3A_605 = arith.sitofp %convert_element_type3A_604 : vector<128x128xi32> to vector<128x128xf32>
    %dot_general3A_606 = arith.constant dense<0.000000e+00> : vector<1x128xf32>
    %dot_general3A_607 = tpu.matmul %mul3A_602, %convert_element_type3A_605, %dot_general3A_606 {dimension_numbers = #tpu.dot_dimension_numbers<[1], [0], [0], [1], [0, 0, 1, 1], [], []>, transpose_lhs_hint = false} : vector<1x128xf32>, vector<128x128xf32>, vector<1x128xf32> -> vector<1x128xf32>
    %concatenate3A_608 = tpu.concatenate %sub3A_96, %sub3A_112, %sub3A_128, %sub3A_144, %sub3A_160, %sub3A_176, %sub3A_192, %sub3A_208, %sub3A_224, %sub3A_240, %sub3A_256, %sub3A_272, %sub3A_288, %sub3A_304, %sub3A_320, %sub3A_336, %sub3A_352, %sub3A_368, %sub3A_384, %sub3A_400, %sub3A_416, %sub3A_432, %sub3A_448, %sub3A_464, %sub3A_480, %sub3A_496, %sub3A_512, %sub3A_528, %sub3A_544, %sub3A_560, %sub3A_576, %sub3A_592 in 0 : vector<128x1xf32>, vector<128x1xf32>, vector<128x1xf32>, vector<128x1xf32>, vector<128x1xf32>, vector<128x1xf32>, vector<128x1xf32>, vector<128x1xf32>, vector<128x1xf32>, vector<128x1xf32>, vector<128x1xf32>, vector<128x1xf32>, vector<128x1xf32>, vector<128x1xf32>, vector<128x1xf32>, vector<128x1xf32>, vector<128x1xf32>, vector<128x1xf32>, vector<128x1xf32>, vector<128x1xf32>, vector<128x1xf32>, vector<128x1xf32>, vector<128x1xf32>, vector<128x1xf32>, vector<128x1xf32>, vector<128x1xf32>, vector<128x1xf32>, vector<128x1xf32>, vector<128x1xf32>, vector<128x1xf32>, vector<128x1xf32>, vector<128x1xf32> -> vector<4096x1xf32>
    %mul3A_609 = vector.broadcast %dot_general3A_607 : vector<1x128xf32> to vector<4096x128xf32>
    %mul3A_610 = arith.mulf %concatenate3A, %mul3A_609 : vector<4096x128xf32>
    %reduce_sum3A_611 = arith.constant dense<0.000000e+00> : vector<4096xf32>
    %reduce_sum3A_612 = vector.multi_reduction <add>, %mul3A_610, %reduce_sum3A_611 [1] : vector<4096x128xf32> to vector<4096xf32>
    %broadcast_in_dim3A_613 = vector.shape_cast %reduce_sum3A_612 : vector<4096xf32> to vector<4096x1xf32>
    %add3A_614 = arith.addf %broadcast_in_dim3A_613, %concatenate3A_608 : vector<4096x1xf32>
    %convert_element_type3A_615 = arith.fptosi %add3A_614 : vector<4096x1xf32> to vector<4096x1xi32>
    %swap3A_616 = arith.constant 0 : index
    %swap3A_617 = arith.constant 0 : index
    %swap3A_618 = vector.load %arg3[%swap3A_616, %swap3A_617] : memref<4096x1xi32, #tpu.memory_space<vmem>>, vector<4096x1xi32>
    tpu.vector_store %arg3[%swap3A_616, %swap3A_617], %convert_element_type3A_615 {strides = array<i32>} : memref<4096x1xi32, #tpu.memory_space<vmem>>, vector<4096x1xi32>,
    %div3A_619 = arith.constant 2.560000e+02 : f32
    %div3A_620 = vector.broadcast %div3A_619 : f32 to vector<1x128xf32>
    %div3A_621 = arith.divf %dot_general3A_607, %div3A_620 : vector<1x128xf32>
    %iota3A_622 = tpu.iota {dimensions = array<i32: 0>} : vector<25x128xi32>
    %convert_element_type3A_623 = arith.sitofp %iota3A_622 : vector<25x128xi32> to vector<25x128xf32>
    %iota3A_624 = tpu.iota {dimensions = array<i32: 1>} : vector<25x128xi32>
    %ge3A_625 = vector.broadcast %div3A_621 : vector<1x128xf32> to vector<25x128xf32>
    %ge3A_626 = arith.cmpf oge, %convert_element_type3A_623, %ge3A_625 : vector<25x128xf32>
    %ge3A_627 = arith.constant 1 : i32
    %ge3A_628 = vector.broadcast %ge3A_627 : i32 to vector<25x128xi32>
    %ge3A_629 = arith.cmpi sge, %iota3A_624, %ge3A_628 : vector<25x128xi32>
    %and3A = arith.andi %ge3A_626, %ge3A_629 : vector<25x128xi1>
    %lt3A_630 = arith.constant 8 : i32
    %lt3A_631 = vector.broadcast %lt3A_630 : i32 to vector<25x128xi32>
    %lt3A_632 = arith.cmpi slt, %iota3A_624, %lt3A_631 : vector<25x128xi32>
    %and3A_633 = arith.andi %and3A, %lt3A_632 : vector<25x128xi1>
    %convert_element_type3A_634 = arith.extui %and3A_633 : vector<25x128xi1> to vector<25x128xi32>
    %convert_element_type3A_635 = arith.sitofp %convert_element_type3A_634 : vector<25x128xi32> to vector<25x128xf32>
    %reduce_sum3A_636 = arith.constant dense<0.000000e+00> : vector<25xf32>
    %reduce_sum3A_637 = vector.multi_reduction <add>, %convert_element_type3A_635, %reduce_sum3A_636 [1] : vector<25x128xf32> to vector<25xf32>
    %broadcast_in_dim3A_638 = vector.shape_cast %reduce_sum3A_637 : vector<25xf32> to vector<25x1xf32>
    %eq3A_639 = arith.constant 8 : i32
    %eq3A_640 = vector.broadcast %eq3A_639 : i32 to vector<25x128xi32>
    %eq3A_641 = arith.cmpi eq, %iota3A_624, %eq3A_640 : vector<25x128xi32>
    %jit3A_642 = arith.constant 0.000000e+00 : f32
    %broadcast_in_dim3A_643 = vector.shape_cast %div3A_621 : vector<1x128xf32> to vector<1x128xf32>
    %broadcast_in_dim3A_644 = vector.broadcast %broadcast_in_dim3A_643 : vector<1x128xf32> to vector<25x128xf32>
    %broadcast_in_dim3A_645 = vector.broadcast %jit3A_642 : f32 to vector<25x128xf32>
    %select_n3A_646 = arith.select %eq3A_641, %broadcast_in_dim3A_644, %broadcast_in_dim3A_645 : vector<25x128xi1>, vector<25x128xf32>
    %reduce_sum3A_647 = arith.constant dense<0.000000e+00> : vector<25xf32>
    %reduce_sum3A_648 = vector.multi_reduction <add>, %select_n3A_646, %reduce_sum3A_647 [1] : vector<25x128xf32> to vector<25xf32>
    %broadcast_in_dim3A_649 = vector.shape_cast %reduce_sum3A_648 : vector<25xf32> to vector<25x1xf32>
    %iota3A_650 = tpu.iota {dimensions = array<i32: 0>} : vector<25x1xi32>
    %lt3A_651 = arith.constant 24 : i32
    %lt3A_652 = vector.broadcast %lt3A_651 : i32 to vector<25x1xi32>
    %lt3A_653 = arith.cmpi slt, %iota3A_650, %lt3A_652 : vector<25x1xi32>
    %select_n3A_654 = arith.select %lt3A_653, %broadcast_in_dim3A_638, %broadcast_in_dim3A_649 : vector<25x1xi1>, vector<25x1xf32>
    %convert_element_type3A_655 = arith.fptosi %select_n3A_654 : vector<25x1xf32> to vector<25x1xi32>
    %swap3A_656 = arith.constant 0 : index
    %swap3A_657 = arith.constant 0 : index
    %swap3A_658 = vector.load %arg5[%swap3A_656, %swap3A_657] : memref<25x1xi32, #tpu.memory_space<vmem>>, vector<25x1xi32>
    tpu.vector_store %arg5[%swap3A_656, %swap3A_657], %convert_element_type3A_655 {strides = array<i32>} : memref<25x1xi32, #tpu.memory_space<vmem>>, vector<25x1xi32>,
    return
  }
}

</mosaic_0001>

<sc_bundles>
// kernel: kernel.10.cloned.1.call-start
scs
__scs_entry_jumppad:
0x0: {  	(pc) =	sbr.rel $0x88, $3  }
0x1: {  	(tag) =	ssettag $0x0;
	lr =	simm.s32 $0x1  }
0x2: {  	[smem:$0x3F98] =	sst lr;
	_ =	strace $0xD0000000  }
0x3: {  	_ = 	snop  }
0x4: {  	_ = 	snop  }
0x5: {  	_ = 	snop  }
0x6: {  	_ = 	snop  }
0x7: {  	_ = 	snop  }
__scs_overlays_trampoline_lowered:
0x8: {  	[smem:$0x3FA7] =	sst s0  }
0x9: {  	[smem:$0x3FA8] =	sst s1  }
0xa: {  	[smem:$0x3FA9] =	sst s2  }
0xb: {  	[smem:$0x3FAA] =	sst s3  }
0xc: {  	[smem:$0x3FAB] =	sst s4  }
0xd: {  	[smem:$0x3FAC] =	sst s5  }
0xe: {  	[smem:$0x3FAD] =	sst s6  }
0xf: {  	[smem:$0x3FAE] =	sst s7  }
0x10: {  	[smem:$0x3FAF] =	sst s8  }
0x11: {  	[smem:$0x3FB0] =	sst s9;
	s0 =	simm.s32 @!p0 $0x0  }
0x12: {  	s1 =	sld [smem:$0x3F96];
	s0 =	simm.s32 @p0 $0x1  }
0x13: {  	[smem:$0x3FB1] =	sst s0;
	s0 =	simm.s32 @!p1 $0x0  }
0x14: {  	s2 =	sld [smem:$0x3F95];
	s0 =	simm.s32 @p1 $0x1  }
0x15: {  	[smem:$0x3FB2] =	sst s0;
	s0 =	simm.s32 @!p2 $0x0  }
0x16: {  	s3 =	sld [smem:$0x3FDB];
	s0 =	simm.s32 @p2 $0x1  }
0x17: {  	s4 =	simm.s32 $0x1BF5;
	[smem:$0x3FB4] =	sst s0  }
0x18: {  	s0 =	sld [smem:$0x3F97];
	_ =	swait.ge [sflag:s4], $0x0  }
0x19: {  	s7 =	sld [smem:$0x3F98]  }
0x1a: {  	s8 =	sadd.s32 $0xFFFFE003, lr  }
0x1b: {  	s9 =	sadd.s32 $0xFFFFFEF7, lr;
	s5 =	simm.s32 $0xFFFFFFFF;
	p2 =	slt.u32 s8, $0xFFFFF086  }
0x1c: {  	p1 =	slt.u32 s9, $0xF7A;
	s5 =	simm.s32 @!p2 $0x0  }
0x1d: {  	s5 =	simm.s32 @p1 $0x1;
	p0 =	seq.s32 s7, s2  }
0x1e: {  	s7 =	smul.u32 @!p0 $0xF7A, s2;
	p2 =	seq.s32 @!p0 s5, $0x0  }
0x1f: {  	s9 =	smul.u32 $0xF7A, s1;
	s8 =	simm.s32 @!p0 $0x1BF5;
	p2 =	por !p2, p0  }
0x20: {  	[sflag:s8] =	ssyncset.s32 @!p0 $0xFFFFF086;
	s6 =	sadd.s32 @!p0 s3, s7;
	s7 =	simm.s32 @!p0 $0x108  }
0x21: {  	s3 =	sadd.s32 s3, s9;
	s6 =	sadd.s32 @!p0 $0x88, s6;
	s7 =	simm.s32 @p2 $0x1082  }
0x22: {  	[simem:s7], [sflag:s8] =	dma.local @!p0 [hbm:s6], $0xF7A  }
0x23: {  	s9 =	sor.u32 $0xD0000000, s2;
	s6 =	simm.s32 $0x108;
	_ =	swait.ge @!p0 [sflag:s8], $0x0  }
0x24: {  	s3 =	sadd.s32 $0x88, s3;
	s6 =	simm.s32 @!p1 $0x1082;
	[sflag:s4] =	ssyncset.s32 $0xFFFFF086  }
0x25: {  	[simem:s6], [sflag:s4] =	dma.local [hbm:s3], $0xF7A  }
0x26: {  	[smem:$0x3F98] =	sst s1;
	(tag) =	ssettag s2;
	_ =	strace s9  }
0x27: {  	s1 =	sld [smem:$0x3FA8]  }
0x28: {  	s2 =	sld [smem:$0x3FA9]  }
0x29: {  	s4 =	sld [smem:$0x3FAB]  }
0x2a: {  	p0 =	seq.s32 s5, $0x0;
	s5 =	sld [smem:$0x3FAC]  }
0x2b: {  	s6 =	sld [smem:$0x3FAD]  }
0x2c: {  	s7 =	sld [smem:$0x3FAE]  }
0x2d: {  	s3 =	simm.s32 $0x108;
	s8 =	sld [smem:$0x3FAF]  }
0x2e: {  	s3 =	simm.s32 @!p0 $0x1082;
	s9 =	sld [smem:$0x3FB0]  }
0x2f: {  	lr =	sadd.s32 s0, s3;
	s0 =	sld [smem:$0x3FA7]  }
0x30: {  	s3 =	sld [smem:$0x3FAA]  }
0x31: {  	[smem:$0x3FB3] =	sst s10  }
0x32: {  	s10 =	sld [smem:$0x3FB1];
	_ =	sdelay $0x3  }
0x33: {  	p0 =	seq.s32 s10, $0x1;
	s10 =	sld [smem:$0x3FB3];
	_ =	sdelay $0x3  }
0x34: {  	[smem:$0x3FB3] =	sst s10  }
0x35: {  	s10 =	sld [smem:$0x3FB2];
	_ =	sdelay $0x3  }
0x36: {  	p1 =	seq.s32 s10, $0x1;
	s10 =	sld [smem:$0x3FB3];
	_ =	sdelay $0x3  }
0x37: {  	[smem:$0x3FB3] =	sst s10  }
0x38: {  	s10 =	sld [smem:$0x3FB4]  }
0x39: {  	_ = 	snop;
	(pc) =	sbr.ind lr, $3  }
0x3a: {  	_ = 	snop  }
0x3b: {  	_ = 	snop  }
0x3c: {  	p2 =	seq.s32 s10, $0x1;
	s10 =	sld [smem:$0x3FB3]  }
0x3d: {  	_ =	shalt  }
0x3e: {  	_ =	shalt  }
0x3f: {  	_ =	shalt  }
0x40: {  	_ =	shalt  }
0x41: {  	_ =	shalt  }
0x42: {  	_ =	shalt  }
0x43: {  	_ =	shalt  }
0x44: {  	_ =	shalt  }
0x45: {  	_ =	shalt  }
0x46: {  	_ =	shalt  }
0x47: {  	_ =	shalt  }
0x48: {  	_ =	shalt  }
0x49: {  	_ =	shalt  }
0x4a: {  	_ =	shalt  }
0x4b: {  	_ =	shalt  }
0x4c: {  	_ =	shalt  }
0x4d: {  	_ =	shalt  }
0x4e: {  	_ =	shalt  }
0x4f: {  	_ =	shalt  }
0x50: {  	_ =	shalt  }
0x51: {  	_ =	shalt  }
0x52: {  	_ =	shalt  }
0x53: {  	_ =	shalt  }
0x54: {  	_ =	shalt  }
0x55: {  	_ =	shalt  }
0x56: {  	_ =	shalt  }
0x57: {  	_ =	shalt  }
0x58: {  	_ =	shalt  }
0x59: {  	_ =	shalt  }
0x5a: {  	_ =	shalt  }
0x5b: {  	_ =	shalt  }
0x5c: {  	_ =	shalt  }
0x5d: {  	_ =	shalt  }
0x5e: {  	_ =	shalt  }
0x5f: {  	_ =	shalt  }
0x60: {  	_ =	shalt  }
0x61: {  	_ =	shalt  }
0x62: {  	_ =	shalt  }
0x63: {  	_ =	shalt  }
0x64: {  	_ =	shalt  }
0x65: {  	_ =	shalt  }
0x66: {  	_ =	shalt  }
0x67: {  	_ =	shalt  }
0x68: {  	_ =	shalt  }
0x69: {  	_ =	shalt  }
0x6a: {  	_ =	shalt  }
0x6b: {  	_ =	shalt  }
0x6c: {  	_ =	shalt  }
0x6d: {  	_ =	shalt  }
0x6e: {  	_ =	shalt  }
0x6f: {  	_ =	shalt  }
0x70: {  	_ =	shalt  }
0x71: {  	_ =	shalt  }
0x72: {  	_ =	shalt  }
0x73: {  	_ =	shalt  }
0x74: {  	_ =	shalt  }
0x75: {  	_ =	shalt  }
0x76: {  	_ =	shalt  }
0x77: {  	_ =	shalt  }
0x78: {  	_ =	shalt  }
0x79: {  	_ =	shalt  }
0x7a: {  	_ =	shalt  }
0x7b: {  	_ =	shalt  }
0x7c: {  	_ =	shalt  }
0x7d: {  	_ =	shalt  }
0x7e: {  	_ =	shalt  }
0x7f: {  	_ =	shalt  }
0x80: {  	_ =	shalt  }
0x81: {  	_ =	shalt  }
0x82: {  	_ =	shalt  }
0x83: {  	_ =	shalt  }
0x84: {  	_ =	shalt  }
0x85: {  	_ =	shalt  }
0x86: {  	_ =	shalt  }
0x87: {  	_ =	shalt  }
.Lfunc_end0:
.L_simem_size_0:
called_computation.1_lowered:
.L_overlay_start_0:
0x88: {  	s2 =	sld [smem:$0x3FD9]  }
0x89: {  	s3 =	sld [smem:$0x3FFE];
	_ =	sdelay $0x1  }
0x8a: {  	s1 =	srdreg.scid  }
0x8b: {  	s0 =	sand.u32 $0x1, s1  }
0x8c: {  	s17 =	sshll.u32 s0, $0xA;
	s2 =	sadd.s32 s3, s2  }
0x8d: {  	s2 =	sadd.s32 s2, s17  }
0x8e: {  	[smem:$0x3FBF] =	sst s2  }
0x8f: {  	_ = 	snop  }
0x90: {  	s2 =	sld [smem:$0x3FD0];
	(tm) =	ssettm $0x1  }
0x91: {  	s18 =	sld [smem:$0x3FFB];
	_ =	sdelay $0x3  }
0x92: {  	_ =	strace s18  }
0x93: {  	s3 =	sld [smem:$0x3FFC];
	_ =	sdelay $0x3  }
0x94: {  	_ =	strace s3  }
0x95: {  	s3 =	sld [smem:$0x3FFD];
	_ =	sdelay $0x3  }
0x96: {  	_ =	strace s3  }
0x97: {  	_ =	strace $0x8FFFFFFF  }
0x98: {  	s19 =	sld [smem:$0x3FDB];
	_ =	sdelay $0x1  }
0x99: {  	s4 =	simm.s32 $_scs_section_size  }
0x9a: {  	s5 =	simm.s32 $_size__tile_overlayer_lowered;
	s6 =	simm.s32 $_tile_overlayer_lowered  }
0x9b: {  	s22 =	simm.s32 $0x1BFF;
	s21 =	sshll.u32 s6, $0x1;
	s3 =	sadd.s32 s4, s19  }
0x9c: {  	s7 =	simm.s32 $0x0;
	s20 =	sshll.u32 s5, $0x1;
	s5 =	sadd.s32 s21, s3  }
0x9d: {  	[timem:s7], [sflag:s22] =	dma.local [hbm:s5], s20  }
0x9e: {  	_ =	swait.ge [sflag:s22], s20  }
0x9f: {  	s4 =	ssub.s32 $0x0, s20;
	[sflag:s22] =	ssyncset.done $0x0  }
0xa0: {  	[sflag:s22] =	ssyncadd.s32 s4;
	_ =	sdelay $0x1  }
0xa1: {  	s23 =	simm.s32 $0x1B8B  }
0xa2: {  	_ =	swait.ge [sflag:s23], $0x1  }
0xa3: {  	[sflag:s23] =	ssyncset.done $0x0  }
0xa4: {  	s25 =	simm.s32 $0x1B8E;
	s24 =	sld [smem:$0x3FFE];
	[sflag:s23] =	ssyncadd.s32 $0xFFFFFFFF  }
0xa5: {  	s26 =	simm.s32 $execute0_lowered;
	[smem:$0x3FD2] =	sst s25  }
0xa6: {  	s5 =	sshll.u32 s26, $0x1;
	_ =	strace $0x80000049;
	[dreg:$0x1] =	wrdreg $0xFFFFFFFF  }
0xa7: {  	s28 =	simm.s32 $_size_execute0_lowered;
	s3 =	sadd.s32 s3, s5;
	[dreg:$0x0] =	wrdreg $0x0  }
0xa8: {  	s5 =	sshll.u32 s28, $0x1;
	[dreg:$0x2] =	wrdreg s3  }
0xa9: {  	[dreg:$0x3] =	wrdreg s5  }
0xaa: {  	[dreg:$0x4] =	wrdreg $0xC0  }
0xab: {  	_ =	task [dreg:s7], $0x5FFFF  }
0xac: {  	[dreg:$0x1] =	wrdreg $0xFFFFFFFF  }
0xad: {  	[dreg:$0x0] =	wrdreg $0x60  }
0xae: {  	[dreg:$0x2] =	wrdreg s24  }
0xaf: {  	[dreg:$0x3] =	wrdreg s2  }
0xb0: {  	[dreg:$0x4] =	wrdreg $0x9  }
0xb1: {  	_ =	task.clear_ibuf [dreg:s7], $0x5FFFF;
	_ =	strace $0x90000049  }
0xb2: {  	s29 =	simm.s32 $0x9;
	_ =	strace $0x8000004B  }
0xb3: {  	_ =	swait.ge [sflag:s29], $0x1  }
0xb4: {  	[sflag:s29] =	ssyncadd.s32 $0xFFFFFFFF  }
0xb5: {  	_ =	strace $0x9000004B  }
0xb6: {  	_ =	sfence  }
0xb7: {  	s30 =	sld [smem:$0x0];
	_ =	sdelay $0x2  }
0xb8: {  	s31 =	sshll.u32 s1, $0xD;
	s1 =	sshrl.u32 s1, $0x2  }
0xb9: {  	s3 =	sand.u32 $0x4000, s31;
	s1 =	sadd.s32 s1, s30  }
0xba: {  	s0 =	sor.u32 s3, s0;
	s1 =	sshll.u32 s1, $0x11  }
0xbb: {  	s0 =	sor.u32 s1, s0  }
0xbc: {  	s0 =	sadd.s32 $0x8F2B, s0  }
0xbd: {  	[sflag:s0] =	ssyncadd.remote.s32 $0x1  }
0xbe: {  	_ =	sfence.sel $0xFFFF  }
0xbf: {  	[dreg:$0x0] =	wrdreg $0xFFFFFFFF;
	(pc) =	sbr.abs _section_cstart, $3  }
0xc0: {  	[dreg:$0x1] =	wrdreg $0xFFFFFFFF  }
0xc1: {  	_ =	task.clear_ibuf [dreg:s7], $0x2FFFF;
	_ =	strace $0x9FFFFFFF  }
0xc2: {  	(tm) =	ssettm $0x7FFFFFFF  }
0xc3: {  	_ =	shalt  }
tec
execute0_lowered:
.L_overlay_start_1:
0x0: {  	(tag) =	ssettag $0x1  }
0x1: {  	s0 =	rddreg [dreg:$0x0]  }
0x2: {  	s1 =	rddreg [dreg:$0x1];
	s2 =	simm.s32 $0x0  }
0x3: {  	s3 =	srdreg.scid;
	s5 =	stileid.u32;
	s17 =	simm.s32 $0x3  }
0x4: {  	s19 =	simm.s32 $0x200;
	s11 =	simm.s32 $0xF200;
	s12 =	simm.s32 $0x0  }
0x5: {  	[smem:$0x7FF] =	sst s2;
	s4 =	sand.u32 $0x1, s3;
	s5 =	sshll.u32 s5, $0x4  }
0x6: {  	s3 =	sadd.s32 $0x121C00, s0;
	s8 =	sadd.s32 $0xF1C00, s0;
	s6 =	sshll.u32 s4, $0x3  }
0x7: {  	_ =	strace $0x8000004A;
	s4 =	ssub.s32 $0x2, s4;
	s5 =	sor.u32 s6, s5  }
0x8: {  	s20 =	sshrl.u32 s4, $0x1;
	s6 =	sadd.s32 $0x121D00, s0;
	s9 =	smul.u32 $0x300, s5  }
0x9: {  	s7 =	sadd.s32 s5, s0;
	s4 =	ssub.s32 s4, s20;
	s5 =	smul.u32 $0x1800, s5  }
0xa: {  	s20 =	simm.s32 $0x5200;
	s21 =	sadd.s32 $0x61A00, s7;
	s22 =	sadd.s32 $0x61B00, s7  }
0xb: {  	s7 =	sadd.s32 $0x121E00, s0;
	s31 =	smax.u32 s4, $0x1;
	[dreg:$0x3] =	wrdreg s21  }
0xc: {  	[dreg:$0x4] =	wrdreg s22;
	s23 =	sor.u32 $0x600, s9;
	s5 =	sshrl.u32 s5, $0x3  }
0xd: {  	s10 =	sadd.s32 s8, s9;
	s9 =	sadd.s32 s1, s9;
	[dreg:$0xd] =	wrdreg s31  }
0xe: {  	s21 =	simm.s32 $0x9200;
	s22 =	simm.s32 $0xA200;
	[dreg:$0x5] =	wrdreg s10  }
0xf: {  	s24 =	sadd.s32 s8, s23;
	s25 =	sadd.s32 $0xC00, s5;
	[dreg:$0x7] =	wrdreg s9  }
0x10: {  	s5 =	sadd.s32 $0x1200, s5;
	s0 =	sadd.s32 s1, s23;
	s9 =	simm.s32 $0x9A00  }
0x11: {  	s23 =	simm.s32 $0xAA00;
	s10 =	simm.s32 $0xB200;
	[dreg:$0x6] =	wrdreg s24  }
0x12: {  	s26 =	sadd.s32 s8, s25;
	[dreg:$0x9] =	wrdreg s0;
	s28 =	sadd.s32 s8, s5  }
0x13: {  	s29 =	sadd.s32 s1, s25;
	s30 =	sadd.s32 s1, s5;
	[dreg:$0x8] =	wrdreg s26  }
0x14: {  	v2 =	vlaneseq.u32;
	s5 =	simm.s32 $0xA00;
	s1 =	simm.s32 $0x3200;
	[dreg:$0xa] =	wrdreg s28  }
0x15: {  	vm0 =	vmmov $0xffff;
	v1 =	vshrl.u32 v2, $0x3;
	s8 =	simm.s32 $0x5A00;
	s24 =	simm.s32 $0xBA00;
	[dreg:$0xb] =	wrdreg s29  }
0x16: {  	v0 =	vand.u32 $0x7, v2;
	v2 =	vor.u32 $0x8, v2;
	v1 =	vmul.u32 $0x8, v1;
	s25 =	simm.s32 $0x1;
	[dreg:$0xc] =	wrdreg s30;
	s26 =	simm.s32 $0x2  }
.LBB2_1:
0x17: {  	s0 =	rddreg [dreg:$0x3]  }
0x18: {  	[tilespmem:s2], [sflag:$0x3] =	stream.linear.gather [hbm4b:s0+s2], $0x40, $0x38;
	[tilespmem:$0x12200] =	vst v63  }
0x19: {  	_ =	swait.ge [sflag:s17], $0x40  }
0x1a: {  	[sflag:s17] =	ssyncset.done $0x0  }
0x1b: {  	s4 =	simm.s32 $0x80;
	s13 =	rddreg [dreg:$0x4];
	[sflag:s17] =	ssyncadd.s32 $0xFFFFFFC0  }
0x1c: {  	[tilespmem:s4], [sflag:$0x3] =	stream.linear.gather [hbm4b:s13+s2], $0x40, $0x38;
	[tilespmem:$0x12200] =	vst v63  }
0x1d: {  	_ =	swait.ge [sflag:s17], $0x40  }
0x1e: {  	[sflag:s17] =	ssyncset.done $0x0  }
0x1f: {  	[sflag:s17] =	ssyncadd.s32 $0xFFFFFFC0  }
0x20: {  	v3 =	vld [tilespmem:$0x0];
	_ =	sdelay $0x4  }
0x21: {  	[tilespmem:$0x100] =	vst v3  }
0x22: {  	v3 =	vld [tilespmem:$0x100];
	_ =	sdelay $0x4  }
0x23: {  	v4 =	vshrl.u32 v3, $0x3  }
0x24: {  	v4 =	vmul.u32 $0x30, v4  }
0x25: {  	v3 =	vand.u32 $0x7, v3  }
0x26: {  	v3 =	vor.u32 v3, v4  }
0x27: {  	v4 =	vperm.xlane v3, v0  }
0x28: {  	v5 =	vld [tilespmem:$0x80]  }
0x29: {  	v4 =	vadd.s32 v1, v4;
	_ =	sdelay $0x3  }
0x2a: {  	[tilespmem:$0x180] =	vst v5;
	v3 =	vperm.xlane v3, v2  }
0x2b: {  	[tilespmem:s19], [sflag:$0x1] =	stream.indirect_vreg.gather [hbm4b:s3+s2], $0x80, v4, vm0, $0xb8;
	[tilespmem:$0x12200] =	vst v63  }
0x2c: {  	v3 =	vadd.s32 v1, v3  }
0x2d: {  	[tilespmem:s5], [sflag:$0x1] =	stream.indirect_vreg.gather [hbm4b:s6+s2], $0x80, v4, vm0, $0xb8;
	[tilespmem:$0x12200] =	vst v63  }
0x2e: {  	s14 =	simm.s32 $0x1200  }
0x2f: {  	[tilespmem:s14], [sflag:$0x1] =	stream.indirect_vreg.gather [hbm4b:s7+s2], $0x80, v4, vm0, $0xb8;
	[tilespmem:$0x12200] =	vst v63  }
0x30: {  	s15 =	simm.s32 $0x1A00  }
0x31: {  	[tilespmem:s15], [sflag:$0x1] =	stream.indirect_vreg.gather [hbm4b:s3+s2], $0x80, v3, vm0, $0xb8;
	[tilespmem:$0x12200] =	vst v63  }
0x32: {  	s16 =	simm.s32 $0x2200  }
0x33: {  	[tilespmem:s16], [sflag:$0x1] =	stream.indirect_vreg.gather [hbm4b:s6+s2], $0x80, v3, vm0, $0xb8;
	[tilespmem:$0x12200] =	vst v63  }
0x34: {  	s18 =	simm.s32 $0x2A00  }
0x35: {  	[tilespmem:s18], [sflag:$0x1] =	stream.indirect_vreg.gather [hbm4b:s7+s2], $0x80, v3, vm0, $0xb8;
	[tilespmem:$0x12200] =	vst v63  }
0x36: {  	v3 =	vld [tilespmem:$0x180];
	_ =	sdelay $0x4  }
0x37: {  	v60 =	vshrl.u32 v3, $0x3  }
0x38: {  	v4 =	vmul.u32 $0x30, v60  }
0x39: {  	v3 =	vand.u32 $0x7, v3  }
0x3a: {  	v3 =	vor.u32 v3, v4  }
0x3b: {  	v4 =	vperm.xlane v3, v0;
	_ =	sdelay $0x1  }
0x3c: {  	v4 =	vadd.s32 v1, v4;
	_ =	sdelay $0x3  }
0x3d: {  	s29 =	simm.s32 $0x6200;
	v3 =	vperm.xlane v3, v2  }
0x3e: {  	[tilespmem:s29], [sflag:$0x1] =	stream.indirect_vreg.gather [hbm4b:s3+s2], $0x80, v4, vm0, $0xb8;
	[tilespmem:$0x12200] =	vst v63  }
0x3f: {  	s30 =	simm.s32 $0x6A00;
	v3 =	vadd.s32 v1, v3  }
0x40: {  	[tilespmem:s30], [sflag:$0x1] =	stream.indirect_vreg.gather [hbm4b:s6+s2], $0x80, v4, vm0, $0xb8;
	[tilespmem:$0x12200] =	vst v63  }
0x41: {  	s31 =	simm.s32 $0x7200  }
0x42: {  	[tilespmem:s31], [sflag:$0x1] =	stream.indirect_vreg.gather [hbm4b:s7+s2], $0x80, v4, vm0, $0xb8;
	[tilespmem:$0x12200] =	vst v63  }
0x43: {  	s4 =	simm.s32 $0x7A00  }
0x44: {  	[tilespmem:s4], [sflag:$0x1] =	stream.indirect_vreg.gather [hbm4b:s3+s2], $0x80, v3, vm0, $0xb8;
	[tilespmem:$0x12200] =	vst v63  }
0x45: {  	s13 =	simm.s32 $0x8200  }
0x46: {  	[tilespmem:s13], [sflag:$0x1] =	stream.indirect_vreg.gather [hbm4b:s6+s2], $0x80, v3, vm0, $0xb8;
	[tilespmem:$0x12200] =	vst v63  }
0x47: {  	s14 =	simm.s32 $0x8A00  }
0x48: {  	[tilespmem:s14], [sflag:$0x1] =	stream.indirect_vreg.gather [hbm4b:s7+s2], $0x80, v3, vm0, $0xb8;
	[tilespmem:$0x12200] =	vst v63  }
0x49: {  	s15 =	rddreg [dreg:$0x5];
	s16 =	simm.s32 $0xC200  }
0x4a: {  	[tilespmem:s16], [sflag:$0x1] =	stream.linear.gather [hbm4b:s15+s2], $0x3000, $0x38;
	[tilespmem:$0x12200] =	vst v63  }
0x4b: {  	v3 =	vld [tilespmem:$0x10];
	_ =	sdelay $0x4  }
0x4c: {  	[tilespmem:$0x110] =	vst v3  }
0x4d: {  	v3 =	vld [tilespmem:$0x110];
	_ =	sdelay $0x4  }
0x4e: {  	v61 =	vshrl.u32 v3, $0x3  }
0x4f: {  	v4 =	vmul.u32 $0x30, v61  }
0x50: {  	v3 =	vand.u32 $0x7, v3  }
0x51: {  	v3 =	vor.u32 v3, v4  }
0x52: {  	v4 =	vperm.xlane v3, v0  }
0x53: {  	v62 =	vld [tilespmem:$0x90]  }
0x54: {  	v4 =	vadd.s32 v1, v4;
	_ =	sdelay $0x3  }
0x55: {  	[tilespmem:$0x190] =	vst v62;
	v3 =	vperm.xlane v3, v2  }
0x56: {  	[tilespmem:s1], [sflag:$0x2] =	stream.indirect_vreg.gather [hbm4b:s3+s2], $0x80, v4, vm0, $0xb8;
	[tilespmem:$0x12200] =	vst v63  }
0x57: {  	s18 =	simm.s32 $0x3A00;
	v3 =	vadd.s32 v1, v3  }
0x58: {  	[tilespmem:s18], [sflag:$0x2] =	stream.indirect_vreg.gather [hbm4b:s6+s2], $0x80, v4, vm0, $0xb8;
	[tilespmem:$0x12200] =	vst v63  }
0x59: {  	s29 =	simm.s32 $0x4200  }
0x5a: {  	[tilespmem:s29], [sflag:$0x2] =	stream.indirect_vreg.gather [hbm4b:s7+s2], $0x80, v4, vm0, $0xb8;
	[tilespmem:$0x12200] =	vst v63  }
0x5b: {  	s30 =	simm.s32 $0x4A00  }
0x5c: {  	[tilespmem:s30], [sflag:$0x2] =	stream.indirect_vreg.gather [hbm4b:s3+s2], $0x80, v3, vm0, $0xb8;
	[tilespmem:$0x12200] =	vst v63  }
0x5d: {  	_ = 	snop  }
0x5e: {  	[tilespmem:s20], [sflag:$0x2] =	stream.indirect_vreg.gather [hbm4b:s6+s2], $0x80, v3, vm0, $0xb8;
	[tilespmem:$0x12200] =	vst v63  }
0x5f: {  	_ = 	snop  }
0x60: {  	[tilespmem:s8], [sflag:$0x2] =	stream.indirect_vreg.gather [hbm4b:s7+s2], $0x80, v3, vm0, $0xb8;
	[tilespmem:$0x12200] =	vst v63  }
0x61: {  	v3 =	vld [tilespmem:$0x190];
	_ =	sdelay $0x4  }
0x62: {  	v63 =	vshrl.u32 v3, $0x3  }
0x63: {  	v4 =	vmul.u32 $0x30, v63  }
0x64: {  	v3 =	vand.u32 $0x7, v3  }
0x65: {  	v3 =	vor.u32 v3, v4  }
0x66: {  	v4 =	vperm.xlane v3, v0;
	_ =	sdelay $0x1  }
0x67: {  	v4 =	vadd.s32 v1, v4;
	_ =	sdelay $0x3  }
0x68: {  	v3 =	vperm.xlane v3, v2  }
0x69: {  	[tilespmem:s21], [sflag:$0x2] =	stream.indirect_vreg.gather [hbm4b:s3+s2], $0x80, v4, vm0, $0xb8;
	[tilespmem:$0x12200] =	vst v63  }
0x6a: {  	v3 =	vadd.s32 v1, v3  }
0x6b: {  	[tilespmem:s9], [sflag:$0x2] =	stream.indirect_vreg.gather [hbm4b:s6+s2], $0x80, v4, vm0, $0xb8;
	[tilespmem:$0x12200] =	vst v63  }
0x6c: {  	_ = 	snop  }
0x6d: {  	[tilespmem:s22], [sflag:$0x2] =	stream.indirect_vreg.gather [hbm4b:s7+s2], $0x80, v4, vm0, $0xb8;
	[tilespmem:$0x12200] =	vst v63  }
0x6e: {  	_ = 	snop  }
0x6f: {  	[tilespmem:s23], [sflag:$0x2] =	stream.indirect_vreg.gather [hbm4b:s3+s2], $0x80, v3, vm0, $0xb8;
	[tilespmem:$0x12200] =	vst v63  }
0x70: {  	_ = 	snop  }
0x71: {  	[tilespmem:s10], [sflag:$0x2] =	stream.indirect_vreg.gather [hbm4b:s6+s2], $0x80, v3, vm0, $0xb8;
	[tilespmem:$0x12200] =	vst v63  }
0x72: {  	_ = 	snop  }
0x73: {  	[tilespmem:s24], [sflag:$0x2] =	stream.indirect_vreg.gather [hbm4b:s7+s2], $0x80, v3, vm0, $0xb8;
	[tilespmem:$0x12200] =	vst v63  }
0x74: {  	s31 =	rddreg [dreg:$0x6]  }
0x75: {  	[tilespmem:s11], [sflag:$0x2] =	stream.linear.gather [hbm4b:s31+s2], $0x3000, $0x38;
	[tilespmem:$0x12200] =	vst v63  }
0x76: {  	_ =	swait.ge [sflag:s25], $0x3000  }
0x77: {  	[sflag:s25] =	ssyncset.done $0x0  }
0x78: {  	[sflag:s25] =	ssyncadd.s32 $0xFFFFD000  }
0x79: {  	_ =	swait.ge [sflag:s25], $0x3000  }
0x7a: {  	[sflag:s25] =	ssyncset.done $0x0  }
0x7b: {  	[sflag:s25] =	ssyncadd.s32 $0xFFFFD000  }
0x7c: {  	_ =	swait.ge [sflag:s25], $0x3000  }
0x7d: {  	[sflag:s25] =	ssyncset.done $0x0  }
0x7e: {  	s28 =	simm.s32 $0x0;
	[sflag:s25] =	ssyncadd.s32 $0xFFFFD000  }
.LBB2_2:
0x7f: {  	s0 =	sshrl.u32 s28, $0x3  }
0x80: {  	s15 =	simm.s32 $0x0;
	s13 =	smul.u32 $0x1800, s0  }
0x81: {  	s14 =	simm.s32 $0x0;
	s0 =	sand.u32 $0x1C00, s15  }
0x82: {  	s15 =	sshll.u32 s28, $0x7;
	s14 =	sand.u32 $0x70, s14;
	s0 =	sadd.s32 s13, s0  }
0x83: {  	s29 =	sand.u32 $0x380, s15;
	s0 =	sor.u32 s14, s0  }
0x84: {  	s0 =	sor.u32 s29, s0  }
0x85: {  	v3 =	vld [tilespmem:s0+$0x200]  }
0x86: {  	v4 =	vld [tilespmem:s0+$0x6200];
	_ =	sdelay $0x1  }
0x87: {  	v5 =	vld [tilespmem:s0+$0xC200];
	_ =	sdelay $0x2  }
0x88: {  	s16 =	simm.s32 $0x80;
	v3 =	vadd.f32 v4, v3  }
0x89: {  	s18 =	simm.s32 $0x10;
	s14 =	sand.u32 $0x3C00, s16  }
0x8a: {  	s15 =	sand.u32 $0x70, s18;
	s14 =	sadd.s32 s13, s14;
	v3 =	vadd.f32 v5, v3  }
0x8b: {  	s14 =	sor.u32 s15, s14  }
0x8c: {  	s4 =	sor.u32 s29, s14;
	[tilespmem:s0+$0x200] =	vst v3  }
0x8d: {  	v3 =	vld [tilespmem:s4+$0x200]  }
0x8e: {  	v4 =	vld [tilespmem:s4+$0x6200];
	_ =	sdelay $0x1  }
0x8f: {  	v5 =	vld [tilespmem:s4+$0xC200];
	_ =	sdelay $0x2  }
0x90: {  	s16 =	simm.s32 $0x100;
	v3 =	vadd.f32 v4, v3  }
0x91: {  	s18 =	simm.s32 $0x20;
	s14 =	sand.u32 $0x3C00, s16  }
0x92: {  	s15 =	sand.u32 $0x70, s18;
	s14 =	sadd.s32 s13, s14;
	v3 =	vadd.f32 v5, v3  }
0x93: {  	s14 =	sor.u32 s15, s14  }
0x94: {  	s31 =	sor.u32 s29, s14;
	[tilespmem:s4+$0x200] =	vst v3  }
0x95: {  	v4 =	vld [tilespmem:s31+$0x200]  }
0x96: {  	v5 =	vld [tilespmem:s31+$0x6200];
	_ =	sdelay $0x1  }
0x97: {  	v3 =	vld [tilespmem:s31+$0xC200]  }
0x98: {  	s30 =	simm.s32 $0x180;
	s16 =	simm.s32 $0x80;
	s14 =	simm.s32 $0x50  }
.LBB2_3:
0x99: {  	s0 =	sadd.s32 $0xFFFFFFE0, s14  }
0x9a: {  	s18 =	sand.u32 $0x1C00, s30;
	v4 =	vadd.f32 v5, v4;
	s4 =	smov.u32 s16;
	s15 =	sadd.s32 $0x30, s16  }
0x9b: {  	p0 =	sne.s32 s16, $0x2F0;
	s0 =	sand.u32 $0x70, s0;
	s16 =	sadd.s32 s13, s18  }
0x9c: {  	s0 =	sor.u32 s0, s16;
	v3 =	vadd.f32 v3, v4  }
0x9d: {  	s0 =	sor.u32 s29, s0  }
0x9e: {  	[tilespmem:s31+$0x200] =	vst v3  }
0x9f: {  	v3 =	vld [tilespmem:s0+$0x200]  }
0xa0: {  	v4 =	vld [tilespmem:s0+$0x6200];
	_ =	sdelay $0x1  }
0xa1: {  	v5 =	vld [tilespmem:s0+$0xC200];
	_ =	sdelay $0x2  }
0xa2: {  	s16 =	sadd.s32 $0x80, s30;
	v3 =	vadd.f32 v4, v3  }
0xa3: {  	s18 =	sadd.s32 $0xFFFFFFF0, s14;
	s16 =	sand.u32 $0x3C00, s16  }
0xa4: {  	s18 =	sand.u32 $0x70, s18;
	s16 =	sadd.s32 s13, s16;
	v3 =	vadd.f32 v5, v3  }
0xa5: {  	s16 =	sor.u32 s18, s16  }
0xa6: {  	[tilespmem:s0+$0x200] =	vst v3;
	s0 =	sor.u32 s29, s16  }
0xa7: {  	v3 =	vld [tilespmem:s0+$0x200]  }
0xa8: {  	v4 =	vld [tilespmem:s0+$0x6200];
	_ =	sdelay $0x1  }
0xa9: {  	v5 =	vld [tilespmem:s0+$0xC200];
	_ =	sdelay $0x2  }
0xaa: {  	s16 =	sadd.s32 $0x100, s30;
	v3 =	vadd.f32 v4, v3  }
0xab: {  	s16 =	sand.u32 $0x3C00, s16  }
0xac: {  	s18 =	sand.u32 $0x70, s14;
	s14 =	smov.u32 s4;
	s16 =	sadd.s32 s13, s16;
	v3 =	vadd.f32 v5, v3  }
0xad: {  	s4 =	sor.u32 s18, s16  }
0xae: {  	s31 =	sor.u32 s29, s4;
	[tilespmem:s0+$0x200] =	vst v3  }
0xaf: {  	v4 =	vld [tilespmem:s31+$0x200]  }
.Ltmp0:
0xb0: {  	v5 =	vld [tilespmem:s31+$0x6200];
	(pc) =	sbr.rel @p0 .LBB2_3-.Ltmp0, $2  }
0xb1: {  	v3 =	vld [tilespmem:s31+$0xC200];
	_ =	sdelay $0x2  }
0xb2: {  	s30 =	sadd.s32 $0x180, s30;
	s16 =	smov.u32 s15  }
0xb3: {  	v4 =	vadd.f32 v5, v4  }
0xb4: {  	s0 =	sadd.s32 $0xFFFFFFE0, s14;
	s4 =	sand.u32 $0x1C00, s30  }
0xb5: {  	s0 =	sand.u32 $0x70, s0;
	s4 =	sadd.s32 s13, s4;
	v3 =	vadd.f32 v3, v4  }
0xb6: {  	s0 =	sor.u32 s0, s4  }
0xb7: {  	s0 =	sor.u32 s29, s0;
	[tilespmem:s31+$0x200] =	vst v3  }
0xb8: {  	v3 =	vld [tilespmem:s0+$0x200]  }
0xb9: {  	v58 =	vld [tilespmem:s0+$0x6200];
	_ =	sdelay $0x1  }
0xba: {  	v59 =	vld [tilespmem:s0+$0xC200];
	_ =	sdelay $0x2  }
0xbb: {  	s31 =	sadd.s32 $0x80, s30;
	v3 =	vadd.f32 v58, v3  }
0xbc: {  	s15 =	sadd.s32 $0xFFFFFFF0, s14;
	s4 =	sand.u32 $0x3C00, s31  }
0xbd: {  	s15 =	sand.u32 $0x70, s15;
	s4 =	sadd.s32 s13, s4;
	v3 =	vadd.f32 v59, v3  }
0xbe: {  	s4 =	sor.u32 s15, s4  }
0xbf: {  	s16 =	sor.u32 s29, s4;
	[tilespmem:s0+$0x200] =	vst v3  }
0xc0: {  	v3 =	vld [tilespmem:s16+$0x200]  }
0xc1: {  	v60 =	vld [tilespmem:s16+$0x6200];
	_ =	sdelay $0x1  }
0xc2: {  	v61 =	vld [tilespmem:s16+$0xC200];
	_ =	sdelay $0x2  }
0xc3: {  	s18 =	sadd.s32 $0x100, s30;
	v3 =	vadd.f32 v60, v3  }
0xc4: {  	s4 =	sand.u32 $0x3C00, s18  }
0xc5: {  	s30 =	sand.u32 $0x70, s14;
	s4 =	sadd.s32 s13, s4;
	v3 =	vadd.f32 v61, v3  }
0xc6: {  	s4 =	sor.u32 s30, s4  }
0xc7: {  	s31 =	sor.u32 s29, s4;
	[tilespmem:s16+$0x200] =	vst v3  }
0xc8: {  	v3 =	vld [tilespmem:s31+$0x200]  }
0xc9: {  	v62 =	vld [tilespmem:s31+$0x6200];
	_ =	sdelay $0x1  }
0xca: {  	v63 =	vld [tilespmem:s31+$0xC200]  }
0xcb: {  	s28 =	sadd.s32 $0x1, s28  }
0xcc: {  	p0 =	sne.s32 s28, $0x10  }
.Ltmp1:
0xcd: {  	v3 =	vadd.f32 v62, v3;
	(pc) =	sbr.rel @p0 .LBB2_2-.Ltmp1, $3  }
0xce: {  	_ = 	snop  }
0xcf: {  	v3 =	vadd.f32 v63, v3;
	_ =	sdelay $0x1  }
0xd0: {  	[tilespmem:s31+$0x200] =	vst v3  }
0xd1: {  	s28 =	simm.s32 $0x0;
	s0 =	rddreg [dreg:$0x7]  }
0xd2: {  	[hbm4b:s0+s28] =	stream.linear.scatter [tilespmem:s19], [sflag:$0x3], $0x3000, $0x38;
	[tilespmem:$0x12200] =	vst v63  }
0xd3: {  	_ =	swait.ge [sflag:s17], $0x3000  }
0xd4: {  	[sflag:s17] =	ssyncset.done $0x0  }
0xd5: {  	[sflag:s17] =	ssyncadd.s32 $0xFFFFD000  }
0xd6: {  	v3 =	vld [tilespmem:$0x20];
	_ =	sdelay $0x4  }
0xd7: {  	[tilespmem:$0x100] =	vst v3  }
0xd8: {  	v3 =	vld [tilespmem:$0x100];
	_ =	sdelay $0x4  }
0xd9: {  	v4 =	vshrl.u32 v3, $0x3  }
0xda: {  	v4 =	vmul.u32 $0x30, v4  }
0xdb: {  	v3 =	vand.u32 $0x7, v3  }
0xdc: {  	v3 =	vor.u32 v3, v4  }
0xdd: {  	v4 =	vperm.xlane v3, v0  }
0xde: {  	v5 =	vld [tilespmem:$0xA0]  }
0xdf: {  	v4 =	vadd.s32 v1, v4;
	_ =	sdelay $0x3  }
0xe0: {  	[tilespmem:$0x180] =	vst v5;
	v3 =	vperm.xlane v3, v2  }
0xe1: {  	[tilespmem:s19], [sflag:$0x1] =	stream.indirect_vreg.gather [hbm4b:s3+s28], $0x80, v4, vm0, $0xb8;
	[tilespmem:$0x12200] =	vst v63  }
0xe2: {  	v3 =	vadd.s32 v1, v3  }
0xe3: {  	[tilespmem:s5], [sflag:$0x1] =	stream.indirect_vreg.gather [hbm4b:s6+s28], $0x80, v4, vm0, $0xb8;
	[tilespmem:$0x12200] =	vst v63  }
0xe4: {  	s31 =	simm.s32 $0x1200  }
0xe5: {  	[tilespmem:s31], [sflag:$0x1] =	stream.indirect_vreg.gather [hbm4b:s7+s28], $0x80, v4, vm0, $0xb8;
	[tilespmem:$0x12200] =	vst v63  }
0xe6: {  	s4 =	simm.s32 $0x1A00  }
0xe7: {  	[tilespmem:s4], [sflag:$0x1] =	stream.indirect_vreg.gather [hbm4b:s3+s28], $0x80, v3, vm0, $0xb8;
	[tilespmem:$0x12200] =	vst v63  }
0xe8: {  	s5 =	simm.s32 $0x2200  }
0xe9: {  	[tilespmem:s5], [sflag:$0x1] =	stream.indirect_vreg.gather [hbm4b:s6+s28], $0x80, v3, vm0, $0xb8;
	[tilespmem:$0x12200] =	vst v63  }
0xea: {  	s13 =	simm.s32 $0x2A00  }
0xeb: {  	[tilespmem:s13], [sflag:$0x1] =	stream.indirect_vreg.gather [hbm4b:s7+s28], $0x80, v3, vm0, $0xb8;
	[tilespmem:$0x12200] =	vst v63  }
0xec: {  	v3 =	vld [tilespmem:$0x180];
	_ =	sdelay $0x4  }
0xed: {  	v63 =	vshrl.u32 v3, $0x3  }
0xee: {  	v4 =	vmul.u32 $0x30, v63  }
0xef: {  	v3 =	vand.u32 $0x7, v3  }
0xf0: {  	v3 =	vor.u32 v3, v4  }
0xf1: {  	v4 =	vperm.xlane v3, v0;
	_ =	sdelay $0x1  }
0xf2: {  	v4 =	vadd.s32 v1, v4;
	_ =	sdelay $0x3  }
0xf3: {  	s14 =	simm.s32 $0x6200;
	v3 =	vperm.xlane v3, v2  }
0xf4: {  	[tilespmem:s14], [sflag:$0x1] =	stream.indirect_vreg.gather [hbm4b:s3+s28], $0x80, v4, vm0, $0xb8;
	[tilespmem:$0x12200] =	vst v63  }
0xf5: {  	s15 =	simm.s32 $0x6A00;
	v3 =	vadd.s32 v1, v3  }
0xf6: {  	[tilespmem:s15], [sflag:$0x1] =	stream.indirect_vreg.gather [hbm4b:s6+s28], $0x80, v4, vm0, $0xb8;
	[tilespmem:$0x12200] =	vst v63  }
0xf7: {  	s16 =	simm.s32 $0x7200  }
0xf8: {  	[tilespmem:s16], [sflag:$0x1] =	stream.indirect_vreg.gather [hbm4b:s7+s28], $0x80, v4, vm0, $0xb8;
	[tilespmem:$0x12200] =	vst v63  }
0xf9: {  	s18 =	simm.s32 $0x7A00  }
0xfa: {  	[tilespmem:s18], [sflag:$0x1] =	stream.indirect_vreg.gather [hbm4b:s3+s28], $0x80, v3, vm0, $0xb8;
	[tilespmem:$0x12200] =	vst v63  }
0xfb: {  	s29 =	simm.s32 $0x8200  }
0xfc: {  	[tilespmem:s29], [sflag:$0x1] =	stream.indirect_vreg.gather [hbm4b:s6+s28], $0x80, v3, vm0, $0xb8;
	[tilespmem:$0x12200] =	vst v63  }
0xfd: {  	s30 =	simm.s32 $0x8A00  }
0xfe: {  	[tilespmem:s30], [sflag:$0x1] =	stream.indirect_vreg.gather [hbm4b:s7+s28], $0x80, v3, vm0, $0xb8;
	[tilespmem:$0x12200] =	vst v63  }
0xff: {  	s31 =	rddreg [dreg:$0x8];
	s4 =	simm.s32 $0xC200  }
0x100: {  	[tilespmem:s4], [sflag:$0x1] =	stream.linear.gather [hbm4b:s31+s28], $0x3000, $0x38;
	[tilespmem:$0x12200] =	vst v63  }
0x101: {  	_ =	swait.ge [sflag:s26], $0x3000  }
0x102: {  	[sflag:s26] =	ssyncset.done $0x0  }
0x103: {  	[sflag:s26] =	ssyncadd.s32 $0xFFFFD000  }
0x104: {  	_ =	swait.ge [sflag:s26], $0x3000  }
0x105: {  	[sflag:s26] =	ssyncset.done $0x0  }
0x106: {  	[sflag:s26] =	ssyncadd.s32 $0xFFFFD000  }
0x107: {  	_ =	swait.ge [sflag:s26], $0x3000  }
0x108: {  	[sflag:s26] =	ssyncset.done $0x0  }
0x109: {  	s13 =	simm.s32 $0x0;
	[sflag:s26] =	ssyncadd.s32 $0xFFFFD000  }
.LBB2_6:
0x10a: {  	s0 =	sshrl.u32 s13, $0x3  }
0x10b: {  	s29 =	smul.u32 $0x1800, s0  }
0x10c: {  	s16 =	simm.s32 $0x0;
	s4 =	sand.u32 $0x1C00, s28  }
0x10d: {  	s14 =	sshll.u32 s13, $0x7;
	s0 =	sand.u32 $0x70, s16;
	s4 =	sadd.s32 s29, s4  }
0x10e: {  	s14 =	sand.u32 $0x380, s14;
	s0 =	sor.u32 s0, s4  }
0x10f: {  	s0 =	sor.u32 s14, s0  }
0x110: {  	v3 =	vld [tilespmem:s0+$0x3200]  }
0x111: {  	v4 =	vld [tilespmem:s0+$0x9200];
	_ =	sdelay $0x1  }
0x112: {  	v5 =	vld [tilespmem:s0+$0xF200];
	_ =	sdelay $0x2  }
0x113: {  	s18 =	simm.s32 $0x80;
	v3 =	vadd.f32 v4, v3  }
0x114: {  	s15 =	simm.s32 $0x10;
	s4 =	sand.u32 $0x3C00, s18  }
0x115: {  	s15 =	sand.u32 $0x70, s15;
	s4 =	sadd.s32 s29, s4;
	v3 =	vadd.f32 v5, v3  }
0x116: {  	s4 =	sor.u32 s15, s4  }
0x117: {  	s5 =	sor.u32 s14, s4;
	[tilespmem:s0+$0x3200] =	vst v3  }
0x118: {  	v3 =	vld [tilespmem:s5+$0x3200]  }
0x119: {  	v4 =	vld [tilespmem:s5+$0x9200];
	_ =	sdelay $0x1  }
0x11a: {  	v5 =	vld [tilespmem:s5+$0xF200];
	_ =	sdelay $0x2  }
0x11b: {  	s16 =	simm.s32 $0x100;
	v3 =	vadd.f32 v4, v3  }
0x11c: {  	s18 =	simm.s32 $0x20;
	s4 =	sand.u32 $0x3C00, s16  }
0x11d: {  	s15 =	sand.u32 $0x70, s18;
	s4 =	sadd.s32 s29, s4;
	v3 =	vadd.f32 v5, v3  }
0x11e: {  	s4 =	sor.u32 s15, s4  }
0x11f: {  	s16 =	sor.u32 s14, s4;
	[tilespmem:s5+$0x3200] =	vst v3  }
0x120: {  	v4 =	vld [tilespmem:s16+$0x3200]  }
0x121: {  	v5 =	vld [tilespmem:s16+$0x9200];
	_ =	sdelay $0x1  }
0x122: {  	v3 =	vld [tilespmem:s16+$0xF200]  }
0x123: {  	s30 =	simm.s32 $0x50;
	s31 =	simm.s32 $0x80;
	s15 =	simm.s32 $0x180  }
.LBB2_7:
0x124: {  	s4 =	sadd.s32 $0xFFFFFFE0, s30  }
0x125: {  	s18 =	sand.u32 $0x1C00, s15;
	v4 =	vadd.f32 v5, v4;
	s5 =	smov.u32 s31;
	s0 =	sadd.s32 $0x30, s31  }
0x126: {  	p0 =	sne.s32 s31, $0x2F0;
	s4 =	sand.u32 $0x70, s4;
	s18 =	sadd.s32 s29, s18  }
0x127: {  	s4 =	sor.u32 s4, s18;
	v3 =	vadd.f32 v3, v4  }
0x128: {  	s4 =	sor.u32 s14, s4  }
0x129: {  	[tilespmem:s16+$0x3200] =	vst v3  }
0x12a: {  	v3 =	vld [tilespmem:s4+$0x3200]  }
0x12b: {  	v4 =	vld [tilespmem:s4+$0x9200];
	_ =	sdelay $0x1  }
0x12c: {  	v5 =	vld [tilespmem:s4+$0xF200];
	_ =	sdelay $0x2  }
0x12d: {  	s16 =	sadd.s32 $0x80, s15;
	v3 =	vadd.f32 v4, v3  }
0x12e: {  	s18 =	sadd.s32 $0xFFFFFFF0, s30;
	s16 =	sand.u32 $0x3C00, s16  }
0x12f: {  	s18 =	sand.u32 $0x70, s18;
	s16 =	sadd.s32 s29, s16;
	v3 =	vadd.f32 v5, v3  }
0x130: {  	s16 =	sor.u32 s18, s16  }
0x131: {  	[tilespmem:s4+$0x3200] =	vst v3;
	s4 =	sor.u32 s14, s16  }
0x132: {  	v3 =	vld [tilespmem:s4+$0x3200]  }
0x133: {  	v4 =	vld [tilespmem:s4+$0x9200];
	_ =	sdelay $0x1  }
0x134: {  	v5 =	vld [tilespmem:s4+$0xF200];
	_ =	sdelay $0x2  }
0x135: {  	s16 =	sadd.s32 $0x100, s15;
	v3 =	vadd.f32 v4, v3  }
0x136: {  	s16 =	sand.u32 $0x3C00, s16  }
0x137: {  	s18 =	sand.u32 $0x70, s30;
	s30 =	smov.u32 s5;
	s16 =	sadd.s32 s29, s16;
	v3 =	vadd.f32 v5, v3  }
0x138: {  	s5 =	sor.u32 s18, s16  }
0x139: {  	s16 =	sor.u32 s14, s5;
	[tilespmem:s4+$0x3200] =	vst v3  }
0x13a: {  	v4 =	vld [tilespmem:s16+$0x3200]  }
.Ltmp2:
0x13b: {  	v5 =	vld [tilespmem:s16+$0x9200];
	(pc) =	sbr.rel @p0 .LBB2_7-.Ltmp2, $2  }
0x13c: {  	v3 =	vld [tilespmem:s16+$0xF200];
	_ =	sdelay $0x2  }
0x13d: {  	s31 =	smov.u32 s0;
	s15 =	sadd.s32 $0x180, s15  }
0x13e: {  	v4 =	vadd.f32 v5, v4  }
0x13f: {  	s0 =	sadd.s32 $0xFFFFFFE0, s30;
	s4 =	sand.u32 $0x1C00, s15  }
0x140: {  	s0 =	sand.u32 $0x70, s0;
	s4 =	sadd.s32 s29, s4;
	v3 =	vadd.f32 v3, v4  }
0x141: {  	s0 =	sor.u32 s0, s4  }
0x142: {  	s0 =	sor.u32 s14, s0;
	[tilespmem:s16+$0x3200] =	vst v3  }
0x143: {  	v3 =	vld [tilespmem:s0+$0x3200]  }
0x144: {  	v58 =	vld [tilespmem:s0+$0x9200];
	_ =	sdelay $0x1  }
0x145: {  	v59 =	vld [tilespmem:s0+$0xF200];
	_ =	sdelay $0x2  }
0x146: {  	s31 =	sadd.s32 $0x80, s15;
	v3 =	vadd.f32 v58, v3  }
0x147: {  	s5 =	sadd.s32 $0xFFFFFFF0, s30;
	s4 =	sand.u32 $0x3C00, s31  }
0x148: {  	s5 =	sand.u32 $0x70, s5;
	s4 =	sadd.s32 s29, s4;
	v3 =	vadd.f32 v59, v3  }
0x149: {  	s4 =	sor.u32 s5, s4  }
0x14a: {  	s16 =	sor.u32 s14, s4;
	[tilespmem:s0+$0x3200] =	vst v3  }
0x14b: {  	v3 =	vld [tilespmem:s16+$0x3200]  }
0x14c: {  	v60 =	vld [tilespmem:s16+$0x9200];
	_ =	sdelay $0x1  }
0x14d: {  	v61 =	vld [tilespmem:s16+$0xF200];
	_ =	sdelay $0x2  }
0x14e: {  	s18 =	sadd.s32 $0x100, s15;
	v3 =	vadd.f32 v60, v3  }
0x14f: {  	s4 =	sand.u32 $0x3C00, s18  }
0x150: {  	s30 =	sand.u32 $0x70, s30;
	s4 =	sadd.s32 s29, s4;
	v3 =	vadd.f32 v61, v3  }
0x151: {  	s4 =	sor.u32 s30, s4  }
0x152: {  	s31 =	sor.u32 s14, s4;
	[tilespmem:s16+$0x3200] =	vst v3  }
0x153: {  	v3 =	vld [tilespmem:s31+$0x3200]  }
0x154: {  	v62 =	vld [tilespmem:s31+$0x9200];
	_ =	sdelay $0x1  }
0x155: {  	v63 =	vld [tilespmem:s31+$0xF200]  }
0x156: {  	s13 =	sadd.s32 $0x1, s13  }
0x157: {  	p0 =	sne.s32 s13, $0x10  }
.Ltmp3:
0x158: {  	v3 =	vadd.f32 v62, v3;
	(pc) =	sbr.rel @p0 .LBB2_6-.Ltmp3, $3  }
0x159: {  	_ = 	snop  }
0x15a: {  	v3 =	vadd.f32 v63, v3;
	_ =	sdelay $0x1  }
0x15b: {  	[tilespmem:s31+$0x3200] =	vst v3  }
0x15c: {  	s28 =	simm.s32 $0x0;
	s0 =	rddreg [dreg:$0x9]  }
0x15d: {  	[hbm4b:s0+s28] =	stream.linear.scatter [tilespmem:s1], [sflag:$0x3], $0x3000, $0x38;
	[tilespmem:$0x12200] =	vst v63  }
0x15e: {  	_ =	swait.ge [sflag:s17], $0x3000  }
0x15f: {  	[sflag:s17] =	ssyncset.done $0x0  }
0x160: {  	[sflag:s17] =	ssyncadd.s32 $0xFFFFD000  }
0x161: {  	v3 =	vld [tilespmem:$0x30];
	_ =	sdelay $0x4  }
0x162: {  	[tilespmem:$0x110] =	vst v3  }
0x163: {  	v3 =	vld [tilespmem:$0x110];
	_ =	sdelay $0x4  }
0x164: {  	v4 =	vshrl.u32 v3, $0x3  }
0x165: {  	v4 =	vmul.u32 $0x30, v4  }
0x166: {  	v3 =	vand.u32 $0x7, v3  }
0x167: {  	v3 =	vor.u32 v3, v4  }
0x168: {  	v4 =	vperm.xlane v3, v0  }
0x169: {  	v5 =	vld [tilespmem:$0xB0]  }
0x16a: {  	v4 =	vadd.s32 v1, v4;
	_ =	sdelay $0x3  }
0x16b: {  	[tilespmem:$0x190] =	vst v5;
	v3 =	vperm.xlane v3, v2  }
0x16c: {  	[tilespmem:s1], [sflag:$0x2] =	stream.indirect_vreg.gather [hbm4b:s3+s28], $0x80, v4, vm0, $0xb8;
	[tilespmem:$0x12200] =	vst v63  }
0x16d: {  	s18 =	simm.s32 $0x3A00;
	v3 =	vadd.s32 v1, v3  }
0x16e: {  	[tilespmem:s18], [sflag:$0x2] =	stream.indirect_vreg.gather [hbm4b:s6+s28], $0x80, v4, vm0, $0xb8;
	[tilespmem:$0x12200] =	vst v63  }
0x16f: {  	s29 =	simm.s32 $0x4200  }
0x170: {  	[tilespmem:s29], [sflag:$0x2] =	stream.indirect_vreg.gather [hbm4b:s7+s28], $0x80, v4, vm0, $0xb8;
	[tilespmem:$0x12200] =	vst v63  }
0x171: {  	s30 =	simm.s32 $0x4A00  }
0x172: {  	[tilespmem:s30], [sflag:$0x2] =	stream.indirect_vreg.gather [hbm4b:s3+s28], $0x80, v3, vm0, $0xb8;
	[tilespmem:$0x12200] =	vst v63  }
0x173: {  	_ = 	snop  }
0x174: {  	[tilespmem:s20], [sflag:$0x2] =	stream.indirect_vreg.gather [hbm4b:s6+s28], $0x80, v3, vm0, $0xb8;
	[tilespmem:$0x12200] =	vst v63  }
0x175: {  	_ = 	snop  }
0x176: {  	[tilespmem:s8], [sflag:$0x2] =	stream.indirect_vreg.gather [hbm4b:s7+s28], $0x80, v3, vm0, $0xb8;
	[tilespmem:$0x12200] =	vst v63  }
0x177: {  	v3 =	vld [tilespmem:$0x190];
	_ =	sdelay $0x4  }
0x178: {  	v63 =	vshrl.u32 v3, $0x3  }
0x179: {  	v4 =	vmul.u32 $0x30, v63  }
0x17a: {  	v3 =	vand.u32 $0x7, v3  }
0x17b: {  	v3 =	vor.u32 v3, v4  }
0x17c: {  	v4 =	vperm.xlane v3, v0;
	_ =	sdelay $0x1  }
0x17d: {  	v4 =	vadd.s32 v1, v4;
	_ =	sdelay $0x3  }
0x17e: {  	v3 =	vperm.xlane v3, v2  }
0x17f: {  	[tilespmem:s21], [sflag:$0x2] =	stream.indirect_vreg.gather [hbm4b:s3+s28], $0x80, v4, vm0, $0xb8;
	[tilespmem:$0x12200] =	vst v63  }
0x180: {  	v3 =	vadd.s32 v1, v3  }
0x181: {  	[tilespmem:s9], [sflag:$0x2] =	stream.indirect_vreg.gather [hbm4b:s6+s28], $0x80, v4, vm0, $0xb8;
	[tilespmem:$0x12200] =	vst v63  }
0x182: {  	_ = 	snop  }
0x183: {  	[tilespmem:s22], [sflag:$0x2] =	stream.indirect_vreg.gather [hbm4b:s7+s28], $0x80, v4, vm0, $0xb8;
	[tilespmem:$0x12200] =	vst v63  }
0x184: {  	_ = 	snop  }
0x185: {  	[tilespmem:s23], [sflag:$0x2] =	stream.indirect_vreg.gather [hbm4b:s3+s28], $0x80, v3, vm0, $0xb8;
	[tilespmem:$0x12200] =	vst v63  }
0x186: {  	_ = 	snop  }
0x187: {  	[tilespmem:s10], [sflag:$0x2] =	stream.indirect_vreg.gather [hbm4b:s6+s28], $0x80, v3, vm0, $0xb8;
	[tilespmem:$0x12200] =	vst v63  }
0x188: {  	_ = 	snop  }
0x189: {  	[tilespmem:s24], [sflag:$0x2] =	stream.indirect_vreg.gather [hbm4b:s7+s28], $0x80, v3, vm0, $0xb8;
	[tilespmem:$0x12200] =	vst v63  }
0x18a: {  	s31 =	rddreg [dreg:$0xa]  }
0x18b: {  	[tilespmem:s11], [sflag:$0x2] =	stream.linear.gather [hbm4b:s31+s28], $0x3000, $0x38;
	[tilespmem:$0x12200] =	vst v63  }
0x18c: {  	_ =	swait.ge [sflag:s25], $0x3000  }
0x18d: {  	[sflag:s25] =	ssyncset.done $0x0  }
0x18e: {  	[sflag:s25] =	ssyncadd.s32 $0xFFFFD000  }
0x18f: {  	_ =	swait.ge [sflag:s25], $0x3000  }
0x190: {  	[sflag:s25] =	ssyncset.done $0x0  }
0x191: {  	[sflag:s25] =	ssyncadd.s32 $0xFFFFD000  }
0x192: {  	_ =	swait.ge [sflag:s25], $0x3000  }
0x193: {  	[sflag:s25] =	ssyncset.done $0x0  }
0x194: {  	s13 =	simm.s32 $0x0;
	[sflag:s25] =	ssyncadd.s32 $0xFFFFD000  }
.LBB2_10:
0x195: {  	s0 =	sshrl.u32 s13, $0x3  }
0x196: {  	s29 =	smul.u32 $0x1800, s0  }
0x197: {  	s31 =	simm.s32 $0x0;
	s4 =	sand.u32 $0x1C00, s28  }
0x198: {  	s5 =	sshll.u32 s13, $0x7;
	s0 =	sand.u32 $0x70, s31;
	s4 =	sadd.s32 s29, s4  }
0x199: {  	s14 =	sand.u32 $0x380, s5;
	s0 =	sor.u32 s0, s4  }
0x19a: {  	s0 =	sor.u32 s14, s0  }
0x19b: {  	v3 =	vld [tilespmem:s0+$0x200]  }
0x19c: {  	v4 =	vld [tilespmem:s0+$0x6200];
	_ =	sdelay $0x1  }
0x19d: {  	v5 =	vld [tilespmem:s0+$0xC200];
	_ =	sdelay $0x2  }
0x19e: {  	s5 =	simm.s32 $0x80;
	v3 =	vadd.f32 v4, v3  }
0x19f: {  	s15 =	simm.s32 $0x10;
	s4 =	sand.u32 $0x3C00, s5  }
0x1a0: {  	s5 =	sand.u32 $0x70, s15;
	s4 =	sadd.s32 s29, s4;
	v3 =	vadd.f32 v5, v3  }
0x1a1: {  	s4 =	sor.u32 s5, s4  }
0x1a2: {  	s16 =	sor.u32 s14, s4;
	[tilespmem:s0+$0x200] =	vst v3  }
0x1a3: {  	v3 =	vld [tilespmem:s16+$0x200]  }
0x1a4: {  	v4 =	vld [tilespmem:s16+$0x6200];
	_ =	sdelay $0x1  }
0x1a5: {  	v5 =	vld [tilespmem:s16+$0xC200];
	_ =	sdelay $0x2  }
0x1a6: {  	s18 =	simm.s32 $0x100;
	v3 =	vadd.f32 v4, v3  }
0x1a7: {  	s31 =	simm.s32 $0x20;
	s4 =	sand.u32 $0x3C00, s18  }
0x1a8: {  	s5 =	sand.u32 $0x70, s31;
	s4 =	sadd.s32 s29, s4;
	v3 =	vadd.f32 v5, v3  }
0x1a9: {  	s4 =	sor.u32 s5, s4  }
0x1aa: {  	[tilespmem:s16+$0x200] =	vst v3;
	s16 =	sor.u32 s14, s4  }
0x1ab: {  	v4 =	vld [tilespmem:s16+$0x200]  }
0x1ac: {  	v5 =	vld [tilespmem:s16+$0x6200];
	_ =	sdelay $0x1  }
0x1ad: {  	v3 =	vld [tilespmem:s16+$0xC200]  }
0x1ae: {  	s30 =	simm.s32 $0x50;
	s15 =	simm.s32 $0x180;
	s0 =	simm.s32 $0x80  }
.LBB2_11:
0x1af: {  	s4 =	sadd.s32 $0xFFFFFFE0, s30  }
0x1b0: {  	s5 =	sand.u32 $0x1C00, s15;
	v4 =	vadd.f32 v5, v4;
	s18 =	smov.u32 s0;
	s31 =	sadd.s32 $0x30, s0  }
0x1b1: {  	p0 =	sne.s32 s0, $0x2F0;
	s0 =	sand.u32 $0x70, s4;
	s4 =	sadd.s32 s29, s5  }
0x1b2: {  	s0 =	sor.u32 s0, s4;
	v3 =	vadd.f32 v3, v4  }
0x1b3: {  	s0 =	sor.u32 s14, s0  }
0x1b4: {  	[tilespmem:s16+$0x200] =	vst v3  }
0x1b5: {  	v3 =	vld [tilespmem:s0+$0x200]  }
0x1b6: {  	v4 =	vld [tilespmem:s0+$0x6200];
	_ =	sdelay $0x1  }
0x1b7: {  	v5 =	vld [tilespmem:s0+$0xC200];
	_ =	sdelay $0x2  }
0x1b8: {  	s4 =	sadd.s32 $0x80, s15;
	v3 =	vadd.f32 v4, v3  }
0x1b9: {  	s5 =	sadd.s32 $0xFFFFFFF0, s30;
	s4 =	sand.u32 $0x3C00, s4  }
0x1ba: {  	s5 =	sand.u32 $0x70, s5;
	s4 =	sadd.s32 s29, s4;
	v3 =	vadd.f32 v5, v3  }
0x1bb: {  	s4 =	sor.u32 s5, s4  }
0x1bc: {  	[tilespmem:s0+$0x200] =	vst v3;
	s0 =	sor.u32 s14, s4  }
0x1bd: {  	v3 =	vld [tilespmem:s0+$0x200]  }
0x1be: {  	v4 =	vld [tilespmem:s0+$0x6200];
	_ =	sdelay $0x1  }
0x1bf: {  	v5 =	vld [tilespmem:s0+$0xC200];
	_ =	sdelay $0x2  }
0x1c0: {  	s4 =	sadd.s32 $0x100, s15;
	v3 =	vadd.f32 v4, v3  }
0x1c1: {  	s4 =	sand.u32 $0x3C00, s4  }
0x1c2: {  	s5 =	sand.u32 $0x70, s30;
	s30 =	smov.u32 s18;
	s4 =	sadd.s32 s29, s4;
	v3 =	vadd.f32 v5, v3  }
0x1c3: {  	s4 =	sor.u32 s5, s4  }
0x1c4: {  	s16 =	sor.u32 s14, s4;
	[tilespmem:s0+$0x200] =	vst v3  }
0x1c5: {  	v4 =	vld [tilespmem:s16+$0x200]  }
.Ltmp4:
0x1c6: {  	v5 =	vld [tilespmem:s16+$0x6200];
	(pc) =	sbr.rel @p0 .LBB2_11-.Ltmp4, $2  }
0x1c7: {  	v3 =	vld [tilespmem:s16+$0xC200];
	_ =	sdelay $0x2  }
0x1c8: {  	s15 =	sadd.s32 $0x180, s15;
	s0 =	smov.u32 s31  }
0x1c9: {  	v4 =	vadd.f32 v5, v4  }
0x1ca: {  	s0 =	sadd.s32 $0xFFFFFFE0, s30;
	s4 =	sand.u32 $0x1C00, s15  }
0x1cb: {  	s0 =	sand.u32 $0x70, s0;
	s4 =	sadd.s32 s29, s4;
	v3 =	vadd.f32 v3, v4  }
0x1cc: {  	s0 =	sor.u32 s0, s4  }
0x1cd: {  	s0 =	sor.u32 s14, s0;
	[tilespmem:s16+$0x200] =	vst v3  }
0x1ce: {  	v3 =	vld [tilespmem:s0+$0x200]  }
0x1cf: {  	v58 =	vld [tilespmem:s0+$0x6200];
	_ =	sdelay $0x1  }
0x1d0: {  	v59 =	vld [tilespmem:s0+$0xC200];
	_ =	sdelay $0x2  }
0x1d1: {  	s31 =	sadd.s32 $0x80, s15;
	v3 =	vadd.f32 v58, v3  }
0x1d2: {  	s5 =	sadd.s32 $0xFFFFFFF0, s30;
	s4 =	sand.u32 $0x3C00, s31  }
0x1d3: {  	s5 =	sand.u32 $0x70, s5;
	s4 =	sadd.s32 s29, s4;
	v3 =	vadd.f32 v59, v3  }
0x1d4: {  	s4 =	sor.u32 s5, s4  }
0x1d5: {  	s16 =	sor.u32 s14, s4;
	[tilespmem:s0+$0x200] =	vst v3  }
0x1d6: {  	v3 =	vld [tilespmem:s16+$0x200]  }
0x1d7: {  	v60 =	vld [tilespmem:s16+$0x6200];
	_ =	sdelay $0x1  }
0x1d8: {  	v61 =	vld [tilespmem:s16+$0xC200];
	_ =	sdelay $0x2  }
0x1d9: {  	s18 =	sadd.s32 $0x100, s15;
	v3 =	vadd.f32 v60, v3  }
0x1da: {  	s4 =	sand.u32 $0x3C00, s18  }
0x1db: {  	s30 =	sand.u32 $0x70, s30;
	s4 =	sadd.s32 s29, s4;
	v3 =	vadd.f32 v61, v3  }
0x1dc: {  	s4 =	sor.u32 s30, s4  }
0x1dd: {  	s31 =	sor.u32 s14, s4;
	[tilespmem:s16+$0x200] =	vst v3  }
0x1de: {  	v3 =	vld [tilespmem:s31+$0x200]  }
0x1df: {  	v62 =	vld [tilespmem:s31+$0x6200];
	_ =	sdelay $0x1  }
0x1e0: {  	v63 =	vld [tilespmem:s31+$0xC200]  }
0x1e1: {  	s13 =	sadd.s32 $0x1, s13  }
0x1e2: {  	p0 =	sne.s32 s13, $0x10  }
.Ltmp5:
0x1e3: {  	v3 =	vadd.f32 v62, v3;
	(pc) =	sbr.rel @p0 .LBB2_10-.Ltmp5, $3  }
0x1e4: {  	_ = 	snop  }
0x1e5: {  	v3 =	vadd.f32 v63, v3;
	_ =	sdelay $0x1  }
0x1e6: {  	[tilespmem:s31+$0x200] =	vst v3  }
0x1e7: {  	s28 =	simm.s32 $0x0;
	s0 =	rddreg [dreg:$0xb]  }
0x1e8: {  	[hbm4b:s0+s28] =	stream.linear.scatter [tilespmem:s19], [sflag:$0x3], $0x3000, $0x38;
	[tilespmem:$0x12200] =	vst v63  }
0x1e9: {  	_ =	swait.ge [sflag:s17], $0x3000  }
0x1ea: {  	[sflag:s17] =	ssyncset.done $0x0  }
0x1eb: {  	[sflag:s17] =	ssyncadd.s32 $0xFFFFD000  }
0x1ec: {  	_ =	swait.ge [sflag:s26], $0x3000  }
0x1ed: {  	[sflag:s26] =	ssyncset.done $0x0  }
0x1ee: {  	[sflag:s26] =	ssyncadd.s32 $0xFFFFD000  }
0x1ef: {  	_ =	swait.ge [sflag:s26], $0x3000  }
0x1f0: {  	[sflag:s26] =	ssyncset.done $0x0  }
0x1f1: {  	[sflag:s26] =	ssyncadd.s32 $0xFFFFD000  }
0x1f2: {  	_ =	swait.ge [sflag:s26], $0x3000  }
0x1f3: {  	[sflag:s26] =	ssyncset.done $0x0  }
0x1f4: {  	s13 =	simm.s32 $0x0;
	[sflag:s26] =	ssyncadd.s32 $0xFFFFD000  }
.LBB2_14:
0x1f5: {  	s0 =	sshrl.u32 s13, $0x3  }
0x1f6: {  	s29 =	smul.u32 $0x1800, s0  }
0x1f7: {  	s31 =	simm.s32 $0x0;
	s4 =	sand.u32 $0x1C00, s28  }
0x1f8: {  	s5 =	sshll.u32 s13, $0x7;
	s0 =	sand.u32 $0x70, s31;
	s4 =	sadd.s32 s29, s4  }
0x1f9: {  	s14 =	sand.u32 $0x380, s5;
	s0 =	sor.u32 s0, s4  }
0x1fa: {  	s0 =	sor.u32 s14, s0  }
0x1fb: {  	v3 =	vld [tilespmem:s0+$0x3200]  }
0x1fc: {  	v4 =	vld [tilespmem:s0+$0x9200];
	_ =	sdelay $0x1  }
0x1fd: {  	v5 =	vld [tilespmem:s0+$0xF200];
	_ =	sdelay $0x2  }
0x1fe: {  	s5 =	simm.s32 $0x80;
	v3 =	vadd.f32 v4, v3  }
0x1ff: {  	s15 =	simm.s32 $0x10;
	s4 =	sand.u32 $0x3C00, s5  }
0x200: {  	s5 =	sand.u32 $0x70, s15;
	s4 =	sadd.s32 s29, s4;
	v3 =	vadd.f32 v5, v3  }
0x201: {  	s4 =	sor.u32 s5, s4  }
0x202: {  	s16 =	sor.u32 s14, s4;
	[tilespmem:s0+$0x3200] =	vst v3  }
0x203: {  	v3 =	vld [tilespmem:s16+$0x3200]  }
0x204: {  	v4 =	vld [tilespmem:s16+$0x9200];
	_ =	sdelay $0x1  }
0x205: {  	v5 =	vld [tilespmem:s16+$0xF200];
	_ =	sdelay $0x2  }
0x206: {  	s18 =	simm.s32 $0x100;
	v3 =	vadd.f32 v4, v3  }
0x207: {  	s31 =	simm.s32 $0x20;
	s4 =	sand.u32 $0x3C00, s18  }
0x208: {  	s5 =	sand.u32 $0x70, s31;
	s4 =	sadd.s32 s29, s4;
	v3 =	vadd.f32 v5, v3  }
0x209: {  	s4 =	sor.u32 s5, s4  }
0x20a: {  	[tilespmem:s16+$0x3200] =	vst v3;
	s16 =	sor.u32 s14, s4  }
0x20b: {  	v4 =	vld [tilespmem:s16+$0x3200]  }
0x20c: {  	v5 =	vld [tilespmem:s16+$0x9200];
	_ =	sdelay $0x1  }
0x20d: {  	v3 =	vld [tilespmem:s16+$0xF200]  }
0x20e: {  	s30 =	simm.s32 $0x50;
	s15 =	simm.s32 $0x180;
	s0 =	simm.s32 $0x80  }
.LBB2_15:
0x20f: {  	s4 =	sadd.s32 $0xFFFFFFE0, s30  }
0x210: {  	s5 =	sand.u32 $0x1C00, s15;
	v4 =	vadd.f32 v5, v4;
	s18 =	smov.u32 s0;
	s31 =	sadd.s32 $0x30, s0  }
0x211: {  	p0 =	sne.s32 s0, $0x2F0;
	s0 =	sand.u32 $0x70, s4;
	s4 =	sadd.s32 s29, s5  }
0x212: {  	s0 =	sor.u32 s0, s4;
	v3 =	vadd.f32 v3, v4  }
0x213: {  	s0 =	sor.u32 s14, s0  }
0x214: {  	[tilespmem:s16+$0x3200] =	vst v3  }
0x215: {  	v3 =	vld [tilespmem:s0+$0x3200]  }
0x216: {  	v4 =	vld [tilespmem:s0+$0x9200];
	_ =	sdelay $0x1  }
0x217: {  	v5 =	vld [tilespmem:s0+$0xF200];
	_ =	sdelay $0x2  }
0x218: {  	s4 =	sadd.s32 $0x80, s15;
	v3 =	vadd.f32 v4, v3  }
0x219: {  	s5 =	sadd.s32 $0xFFFFFFF0, s30;
	s4 =	sand.u32 $0x3C00, s4  }
0x21a: {  	s5 =	sand.u32 $0x70, s5;
	s4 =	sadd.s32 s29, s4;
	v3 =	vadd.f32 v5, v3  }
0x21b: {  	s4 =	sor.u32 s5, s4  }
0x21c: {  	[tilespmem:s0+$0x3200] =	vst v3;
	s0 =	sor.u32 s14, s4  }
0x21d: {  	v3 =	vld [tilespmem:s0+$0x3200]  }
0x21e: {  	v4 =	vld [tilespmem:s0+$0x9200];
	_ =	sdelay $0x1  }
0x21f: {  	v5 =	vld [tilespmem:s0+$0xF200];
	_ =	sdelay $0x2  }
0x220: {  	s4 =	sadd.s32 $0x100, s15;
	v3 =	vadd.f32 v4, v3  }
0x221: {  	s4 =	sand.u32 $0x3C00, s4  }
0x222: {  	s5 =	sand.u32 $0x70, s30;
	s30 =	smov.u32 s18;
	s4 =	sadd.s32 s29, s4;
	v3 =	vadd.f32 v5, v3  }
0x223: {  	s4 =	sor.u32 s5, s4  }
0x224: {  	s16 =	sor.u32 s14, s4;
	[tilespmem:s0+$0x3200] =	vst v3  }
0x225: {  	v4 =	vld [tilespmem:s16+$0x3200]  }
.Ltmp6:
0x226: {  	v5 =	vld [tilespmem:s16+$0x9200];
	(pc) =	sbr.rel @p0 .LBB2_15-.Ltmp6, $2  }
0x227: {  	v3 =	vld [tilespmem:s16+$0xF200];
	_ =	sdelay $0x2  }
0x228: {  	s15 =	sadd.s32 $0x180, s15;
	s0 =	smov.u32 s31  }
0x229: {  	v4 =	vadd.f32 v5, v4  }
0x22a: {  	s0 =	sadd.s32 $0xFFFFFFE0, s30;
	s4 =	sand.u32 $0x1C00, s15  }
0x22b: {  	s0 =	sand.u32 $0x70, s0;
	s4 =	sadd.s32 s29, s4;
	v3 =	vadd.f32 v3, v4  }
0x22c: {  	s0 =	sor.u32 s0, s4  }
0x22d: {  	s0 =	sor.u32 s14, s0;
	[tilespmem:s16+$0x3200] =	vst v3  }
0x22e: {  	v3 =	vld [tilespmem:s0+$0x3200]  }
0x22f: {  	v58 =	vld [tilespmem:s0+$0x9200];
	_ =	sdelay $0x1  }
0x230: {  	v59 =	vld [tilespmem:s0+$0xF200];
	_ =	sdelay $0x2  }
0x231: {  	s31 =	sadd.s32 $0x80, s15;
	v3 =	vadd.f32 v58, v3  }
0x232: {  	s5 =	sadd.s32 $0xFFFFFFF0, s30;
	s4 =	sand.u32 $0x3C00, s31  }
0x233: {  	s5 =	sand.u32 $0x70, s5;
	s4 =	sadd.s32 s29, s4;
	v3 =	vadd.f32 v59, v3  }
0x234: {  	s4 =	sor.u32 s5, s4  }
0x235: {  	s16 =	sor.u32 s14, s4;
	[tilespmem:s0+$0x3200] =	vst v3  }
0x236: {  	v3 =	vld [tilespmem:s16+$0x3200]  }
0x237: {  	v60 =	vld [tilespmem:s16+$0x9200];
	_ =	sdelay $0x1  }
0x238: {  	v61 =	vld [tilespmem:s16+$0xF200];
	_ =	sdelay $0x2  }
0x239: {  	s18 =	sadd.s32 $0x100, s15;
	v3 =	vadd.f32 v60, v3  }
0x23a: {  	s4 =	sand.u32 $0x3C00, s18  }
0x23b: {  	s30 =	sand.u32 $0x70, s30;
	s4 =	sadd.s32 s29, s4;
	v3 =	vadd.f32 v61, v3  }
0x23c: {  	s4 =	sor.u32 s30, s4  }
0x23d: {  	s31 =	sor.u32 s14, s4;
	[tilespmem:s16+$0x3200] =	vst v3  }
0x23e: {  	v3 =	vld [tilespmem:s31+$0x3200]  }
0x23f: {  	v62 =	vld [tilespmem:s31+$0x9200];
	_ =	sdelay $0x1  }
0x240: {  	v63 =	vld [tilespmem:s31+$0xF200]  }
0x241: {  	s13 =	sadd.s32 $0x1, s13  }
0x242: {  	p0 =	sne.s32 s13, $0x10  }
.Ltmp7:
0x243: {  	v3 =	vadd.f32 v62, v3;
	(pc) =	sbr.rel @p0 .LBB2_14-.Ltmp7, $3  }
0x244: {  	_ = 	snop  }
0x245: {  	v3 =	vadd.f32 v63, v3;
	_ =	sdelay $0x1  }
0x246: {  	[tilespmem:s31+$0x3200] =	vst v3  }
0x247: {  	s0 =	rddreg [dreg:$0xc]  }
0x248: {  	[hbm4b:s0+s2] =	stream.linear.scatter [tilespmem:s1], [sflag:$0x3], $0x3000, $0x38;
	[tilespmem:$0x12200] =	vst v63  }
0x249: {  	_ =	swait.ge [sflag:s17], $0x3000  }
0x24a: {  	s12 =	sadd.s32 $0x1, s12;
	s31 =	rddreg [dreg:$0xd]  }
0x24b: {  	p0 =	sne.s32 s12, s31  }
.Ltmp8:
0x24c: {  	_ = 	snop;
	(pc) =	sbr.rel @p0 .LBB2_1-.Ltmp8, $3  }
0x24d: {  	_ =	sdelay $0x1  }
0x24e: {  	[sflag:s17] =	ssyncset.done $0x0  }
0x24f: {  	s5 =	simm.s32 $0xA00;
	[sflag:s17] =	ssyncadd.s32 $0xFFFFD000  }
0x250: {  	_ =	sfence.sel $0x180000  }
0x251: {  	[bflag:$0x0] =	sbarrier.arrive $0xFFFF  }
0x252: {  	_ =	strace $0x9000004A  }
0x253: {  	s0 =	stileid.u32;
	[bflag:$0x2] =	sbarrier.arrive $0xFFFF  }
0x254: {  	p0 =	sne.s32 s0, $0x0;
	s0 =	rddreg [dreg:$0x2]  }
0x255: {  	s0 =	sadd.s32 @!p0 $0x100000, s0  }
0x256: {  	[sflag:s0] =	ssyncadd.tile.s32 @!p0 $0x1;
	_ =	shalt  }
.Lfunc_end2:
_tile_overlayer_lowered:
.L_overlay_start_2:
0x257: {  	(tag) =	ssettag $0x2  }
0x258: {  	s0 =	rddreg [dreg:$0x0];
	s2 =	stileid.u32  }
0x259: {  	s1 =	rddreg [dreg:$0x1];
	p0 =	sne.s32 s2, $0x0  }
0x25a: {  	s3 =	rddreg [dreg:$0x2];
	[bflag:$0x3] =	sbarrier.arrive $0xFFFF;
	s2 =	simm.s32 @!p0 $0x1C03  }
0x25b: {  	[timem:s3], [sflag:s2] =	dma.local @!p0 [hbm:s0], s1  }
0x25c: {  	s0 =	simm.s32 @!p0 $0x3  }
0x25d: {  	_ =	swait.ge @!p0 [sflag:s0], s1  }
0x25e: {  	s1 =	ssub.s32 @!p0 $0x0, s1;
	[sflag:s0] =	ssyncset.done @!p0 $0x0  }
0x25f: {  	[sflag:s0] =	ssyncadd.s32 @!p0 s1  }
0x260: {  	[bflag:$0x3] =	sbarrier.arrive $0xFFFF  }
0x261: {  	_ =	shalt  }

// kernel: kernel.7.cloned.1.call-start
scs
__scs_entry_jumppad:
0x0: {  	(pc) =	sbr.rel $0x88, $3  }
0x1: {  	(tag) =	ssettag $0x0;
	lr =	simm.s32 $0x1  }
0x2: {  	[smem:$0x3F98] =	sst lr;
	_ =	strace $0xD0000000  }
0x3: {  	_ = 	snop  }
0x4: {  	_ = 	snop  }
0x5: {  	_ = 	snop  }
0x6: {  	_ = 	snop  }
0x7: {  	_ = 	snop  }
__scs_overlays_trampoline_lowered:
0x8: {  	[smem:$0x3FA7] =	sst s0  }
0x9: {  	[smem:$0x3FA8] =	sst s1  }
0xa: {  	[smem:$0x3FA9] =	sst s2  }
0xb: {  	[smem:$0x3FAA] =	sst s3  }
0xc: {  	[smem:$0x3FAB] =	sst s4  }
0xd: {  	[smem:$0x3FAC] =	sst s5  }
0xe: {  	[smem:$0x3FAD] =	sst s6  }
0xf: {  	[smem:$0x3FAE] =	sst s7  }
0x10: {  	[smem:$0x3FAF] =	sst s8  }
0x11: {  	[smem:$0x3FB0] =	sst s9;
	s0 =	simm.s32 @!p0 $0x0  }
0x12: {  	s1 =	sld [smem:$0x3F96];
	s0 =	simm.s32 @p0 $0x1  }
0x13: {  	[smem:$0x3FB1] =	sst s0;
	s0 =	simm.s32 @!p1 $0x0  }
0x14: {  	s2 =	sld [smem:$0x3F95];
	s0 =	simm.s32 @p1 $0x1  }
0x15: {  	[smem:$0x3FB2] =	sst s0;
	s0 =	simm.s32 @!p2 $0x0  }
0x16: {  	s3 =	sld [smem:$0x3FDB];
	s0 =	simm.s32 @p2 $0x1  }
0x17: {  	s4 =	simm.s32 $0x1BF5;
	[smem:$0x3FB4] =	sst s0  }
0x18: {  	s0 =	sld [smem:$0x3F97];
	_ =	swait.ge [sflag:s4], $0x0  }
0x19: {  	s7 =	sld [smem:$0x3F98]  }
0x1a: {  	s8 =	sadd.s32 $0xFFFFE003, lr  }
0x1b: {  	s9 =	sadd.s32 $0xFFFFFEF7, lr;
	s5 =	simm.s32 $0xFFFFFFFF;
	p2 =	slt.u32 s8, $0xFFFFF086  }
0x1c: {  	p1 =	slt.u32 s9, $0xF7A;
	s5 =	simm.s32 @!p2 $0x0  }
0x1d: {  	s5 =	simm.s32 @p1 $0x1;
	p0 =	seq.s32 s7, s2  }
0x1e: {  	s7 =	smul.u32 @!p0 $0xF7A, s2;
	p2 =	seq.s32 @!p0 s5, $0x0  }
0x1f: {  	s9 =	smul.u32 $0xF7A, s1;
	s8 =	simm.s32 @!p0 $0x1BF5;
	p2 =	por !p2, p0  }
0x20: {  	[sflag:s8] =	ssyncset.s32 @!p0 $0xFFFFF086;
	s6 =	sadd.s32 @!p0 s3, s7;
	s7 =	simm.s32 @!p0 $0x108  }
0x21: {  	s3 =	sadd.s32 s3, s9;
	s6 =	sadd.s32 @!p0 $0x88, s6;
	s7 =	simm.s32 @p2 $0x1082  }
0x22: {  	[simem:s7], [sflag:s8] =	dma.local @!p0 [hbm:s6], $0xF7A  }
0x23: {  	s9 =	sor.u32 $0xD0000000, s2;
	s6 =	simm.s32 $0x108;
	_ =	swait.ge @!p0 [sflag:s8], $0x0  }
0x24: {  	s3 =	sadd.s32 $0x88, s3;
	s6 =	simm.s32 @!p1 $0x1082;
	[sflag:s4] =	ssyncset.s32 $0xFFFFF086  }
0x25: {  	[simem:s6], [sflag:s4] =	dma.local [hbm:s3], $0xF7A  }
0x26: {  	[smem:$0x3F98] =	sst s1;
	(tag) =	ssettag s2;
	_ =	strace s9  }
0x27: {  	s1 =	sld [smem:$0x3FA8]  }
0x28: {  	s2 =	sld [smem:$0x3FA9]  }
0x29: {  	s4 =	sld [smem:$0x3FAB]  }
0x2a: {  	p0 =	seq.s32 s5, $0x0;
	s5 =	sld [smem:$0x3FAC]  }
0x2b: {  	s6 =	sld [smem:$0x3FAD]  }
0x2c: {  	s7 =	sld [smem:$0x3FAE]  }
0x2d: {  	s3 =	simm.s32 $0x108;
	s8 =	sld [smem:$0x3FAF]  }
0x2e: {  	s3 =	simm.s32 @!p0 $0x1082;
	s9 =	sld [smem:$0x3FB0]  }
0x2f: {  	lr =	sadd.s32 s0, s3;
	s0 =	sld [smem:$0x3FA7]  }
0x30: {  	s3 =	sld [smem:$0x3FAA]  }
0x31: {  	[smem:$0x3FB3] =	sst s10  }
0x32: {  	s10 =	sld [smem:$0x3FB1];
	_ =	sdelay $0x3  }
0x33: {  	p0 =	seq.s32 s10, $0x1;
	s10 =	sld [smem:$0x3FB3];
	_ =	sdelay $0x3  }
0x34: {  	[smem:$0x3FB3] =	sst s10  }
0x35: {  	s10 =	sld [smem:$0x3FB2];
	_ =	sdelay $0x3  }
0x36: {  	p1 =	seq.s32 s10, $0x1;
	s10 =	sld [smem:$0x3FB3];
	_ =	sdelay $0x3  }
0x37: {  	[smem:$0x3FB3] =	sst s10  }
0x38: {  	s10 =	sld [smem:$0x3FB4]  }
0x39: {  	_ = 	snop;
	(pc) =	sbr.ind lr, $3  }
0x3a: {  	_ = 	snop  }
0x3b: {  	_ = 	snop  }
0x3c: {  	p2 =	seq.s32 s10, $0x1;
	s10 =	sld [smem:$0x3FB3]  }
0x3d: {  	_ =	shalt  }
0x3e: {  	_ =	shalt  }
0x3f: {  	_ =	shalt  }
0x40: {  	_ =	shalt  }
0x41: {  	_ =	shalt  }
0x42: {  	_ =	shalt  }
0x43: {  	_ =	shalt  }
0x44: {  	_ =	shalt  }
0x45: {  	_ =	shalt  }
0x46: {  	_ =	shalt  }
0x47: {  	_ =	shalt  }
0x48: {  	_ =	shalt  }
0x49: {  	_ =	shalt  }
0x4a: {  	_ =	shalt  }
0x4b: {  	_ =	shalt  }
0x4c: {  	_ =	shalt  }
0x4d: {  	_ =	shalt  }
0x4e: {  	_ =	shalt  }
0x4f: {  	_ =	shalt  }
0x50: {  	_ =	shalt  }
0x51: {  	_ =	shalt  }
0x52: {  	_ =	shalt  }
0x53: {  	_ =	shalt  }
0x54: {  	_ =	shalt  }
0x55: {  	_ =	shalt  }
0x56: {  	_ =	shalt  }
0x57: {  	_ =	shalt  }
0x58: {  	_ =	shalt  }
0x59: {  	_ =	shalt  }
0x5a: {  	_ =	shalt  }
0x5b: {  	_ =	shalt  }
0x5c: {  	_ =	shalt  }
0x5d: {  	_ =	shalt  }
0x5e: {  	_ =	shalt  }
0x5f: {  	_ =	shalt  }
0x60: {  	_ =	shalt  }
0x61: {  	_ =	shalt  }
0x62: {  	_ =	shalt  }
0x63: {  	_ =	shalt  }
0x64: {  	_ =	shalt  }
0x65: {  	_ =	shalt  }
0x66: {  	_ =	shalt  }
0x67: {  	_ =	shalt  }
0x68: {  	_ =	shalt  }
0x69: {  	_ =	shalt  }
0x6a: {  	_ =	shalt  }
0x6b: {  	_ =	shalt  }
0x6c: {  	_ =	shalt  }
0x6d: {  	_ =	shalt  }
0x6e: {  	_ =	shalt  }
0x6f: {  	_ =	shalt  }
0x70: {  	_ =	shalt  }
0x71: {  	_ =	shalt  }
0x72: {  	_ =	shalt  }
0x73: {  	_ =	shalt  }
0x74: {  	_ =	shalt  }
0x75: {  	_ =	shalt  }
0x76: {  	_ =	shalt  }
0x77: {  	_ =	shalt  }
0x78: {  	_ =	shalt  }
0x79: {  	_ =	shalt  }
0x7a: {  	_ =	shalt  }
0x7b: {  	_ =	shalt  }
0x7c: {  	_ =	shalt  }
0x7d: {  	_ =	shalt  }
0x7e: {  	_ =	shalt  }
0x7f: {  	_ =	shalt  }
0x80: {  	_ =	shalt  }
0x81: {  	_ =	shalt  }
0x82: {  	_ =	shalt  }
0x83: {  	_ =	shalt  }
0x84: {  	_ =	shalt  }
0x85: {  	_ =	shalt  }
0x86: {  	_ =	shalt  }
0x87: {  	_ =	shalt  }
.Lfunc_end0:
.L_simem_size_0:
called_computation_lowered:
.L_overlay_start_0:
0x88: {  	s2 =	sld [smem:$0x3FD9]  }
0x89: {  	s3 =	sld [smem:$0x3FFE];
	_ =	sdelay $0x1  }
0x8a: {  	s1 =	srdreg.scid  }
0x8b: {  	s0 =	sand.u32 $0x1, s1  }
0x8c: {  	s16 =	sshll.u32 s0, $0xA;
	s2 =	sadd.s32 s3, s2  }
0x8d: {  	s2 =	sadd.s32 s2, s16  }
0x8e: {  	[smem:$0x3FBF] =	sst s2  }
0x8f: {  	_ = 	snop  }
0x90: {  	(tm) =	ssettm $0x1  }
0x91: {  	s17 =	sld [smem:$0x3FFB];
	_ =	sdelay $0x3  }
0x92: {  	_ =	strace s17  }
0x93: {  	s2 =	sld [smem:$0x3FFC];
	_ =	sdelay $0x3  }
0x94: {  	_ =	strace s2  }
0x95: {  	s2 =	sld [smem:$0x3FFD];
	_ =	sdelay $0x3  }
0x96: {  	_ =	strace s2  }
0x97: {  	_ =	strace $0x8FFFFFFF  }
0x98: {  	s18 =	sld [smem:$0x3FDB];
	_ =	sdelay $0x1  }
0x99: {  	s19 =	simm.s32 $_scs_section_size  }
0x9a: {  	s4 =	simm.s32 $_size__tile_overlayer_lowered;
	s5 =	simm.s32 $_tile_overlayer_lowered  }
0x9b: {  	s22 =	simm.s32 $0x1BFF;
	s21 =	sshll.u32 s5, $0x1;
	s2 =	sadd.s32 s19, s18  }
0x9c: {  	s6 =	simm.s32 $0x0;
	s20 =	sshll.u32 s4, $0x1;
	s4 =	sadd.s32 s21, s2  }
0x9d: {  	[timem:s6], [sflag:s22] =	dma.local [hbm:s4], s20  }
0x9e: {  	_ =	swait.ge [sflag:s22], s20  }
0x9f: {  	s3 =	ssub.s32 $0x0, s20;
	[sflag:s22] =	ssyncset.done $0x0  }
0xa0: {  	[sflag:s22] =	ssyncadd.s32 s3;
	_ =	sdelay $0x1  }
0xa1: {  	s23 =	simm.s32 $0x1B8B  }
0xa2: {  	_ =	swait.ge [sflag:s23], $0x1  }
0xa3: {  	[sflag:s23] =	ssyncset.done $0x0  }
0xa4: {  	s25 =	simm.s32 $0x1B8E;
	s24 =	sld [smem:$0x3FFE];
	[sflag:s23] =	ssyncadd.s32 $0xFFFFFFFF  }
0xa5: {  	s26 =	simm.s32 $execute0_lowered;
	[smem:$0x3FD2] =	sst s25  }
0xa6: {  	s4 =	sshll.u32 s26, $0x1;
	_ =	strace $0x80000046;
	[dreg:$0x1] =	wrdreg $0xFFFFFFFF  }
0xa7: {  	s28 =	simm.s32 $_size_execute0_lowered;
	s2 =	sadd.s32 s2, s4;
	[dreg:$0x0] =	wrdreg $0x0  }
0xa8: {  	s4 =	sshll.u32 s28, $0x1;
	[dreg:$0x2] =	wrdreg s2  }
0xa9: {  	[dreg:$0x3] =	wrdreg s4  }
0xaa: {  	[dreg:$0x4] =	wrdreg $0xC0  }
0xab: {  	_ =	task [dreg:s6], $0x5FFFF  }
0xac: {  	[dreg:$0x1] =	wrdreg $0xFFFFFFFF  }
0xad: {  	[dreg:$0x0] =	wrdreg $0x60  }
0xae: {  	[dreg:$0x2] =	wrdreg s24  }
0xaf: {  	[dreg:$0x3] =	wrdreg $0x9  }
0xb0: {  	_ =	task.clear_ibuf [dreg:s6], $0x4FFFF;
	_ =	strace $0x90000046  }
0xb1: {  	s29 =	simm.s32 $0x9;
	_ =	strace $0x80000048  }
0xb2: {  	_ =	swait.ge [sflag:s29], $0x1  }
0xb3: {  	[sflag:s29] =	ssyncadd.s32 $0xFFFFFFFF  }
0xb4: {  	_ =	strace $0x90000048  }
0xb5: {  	_ =	sfence  }
0xb6: {  	s30 =	sld [smem:$0x0];
	_ =	sdelay $0x2  }
0xb7: {  	s31 =	sshll.u32 s1, $0xD;
	s1 =	sshrl.u32 s1, $0x2  }
0xb8: {  	s3 =	sand.u32 $0x4000, s31;
	s1 =	sadd.s32 s1, s30  }
0xb9: {  	s0 =	sor.u32 s3, s0;
	s1 =	sshll.u32 s1, $0x11  }
0xba: {  	s0 =	sor.u32 s1, s0  }
0xbb: {  	s0 =	sadd.s32 $0x8F2B, s0  }
0xbc: {  	[sflag:s0] =	ssyncadd.remote.s32 $0x1  }
0xbd: {  	_ =	sfence.sel $0xFFFF  }
0xbe: {  	[dreg:$0x0] =	wrdreg $0xFFFFFFFF;
	(pc) =	sbr.abs _section_cstart, $3  }
0xbf: {  	[dreg:$0x1] =	wrdreg $0xFFFFFFFF  }
0xc0: {  	_ =	task.clear_ibuf [dreg:s6], $0x2FFFF;
	_ =	strace $0x9FFFFFFF  }
0xc1: {  	(tm) =	ssettm $0x7FFFFFFF  }
tec
execute0_lowered:
.L_overlay_start_1:
0x0: {  	(tag) =	ssettag $0x1  }
0x1: {  	s0 =	rddreg [dreg:$0x0];
	s2 =	simm.s32 $0x0  }
0x2: {  	s23 =	simm.s32 $0x80;
	[smem:$0x7FF] =	sst s2  }
0x3: {  	s24 =	simm.s32 $0x900;
	_ =	strace $0x80000047;
	[dreg:$0x6] =	wrdreg s23  }
0x4: {  	s25 =	simm.s32 $0x1100;
	[dreg:$0x7] =	wrdreg s24  }
0x5: {  	s1 =	stileid.u32;
	s26 =	simm.s32 $0x1900;
	[dreg:$0x8] =	wrdreg s25  }
0x6: {  	s19 =	sshll.u32 s1, $0x5;
	s1 =	simm.s32 $0x2100;
	[dreg:$0x9] =	wrdreg s26  }
0x7: {  	s3 =	srdreg.scid;
	s9 =	simm.s32 $0x4900;
	[dreg:$0xa] =	wrdreg s1  }
0x8: {  	s10 =	simm.s32 $0x5100;
	s11 =	simm.s32 $0x5900;
	[dreg:$0xf] =	wrdreg s9  }
0x9: {  	s12 =	simm.s32 $0x6100;
	s13 =	simm.s32 $0x6900;
	[dreg:$0x10] =	wrdreg s10  }
0xa: {  	s14 =	simm.s32 $0x7100;
	s15 =	simm.s32 $0x7900;
	[dreg:$0x11] =	wrdreg s11  }
0xb: {  	s16 =	simm.s32 $0x8100;
	s17 =	simm.s32 $0x8900;
	[dreg:$0x12] =	wrdreg s12  }
0xc: {  	s18 =	simm.s32 $0x9100;
	s28 =	simm.s32 $0x15900;
	[dreg:$0x13] =	wrdreg s13  }
0xd: {  	s29 =	simm.s32 $0x16100;
	s30 =	simm.s32 $0x16900;
	[dreg:$0x14] =	wrdreg s14  }
0xe: {  	s31 =	simm.s32 $0x17100;
	s4 =	sand.u32 $0x1, s3;
	[dreg:$0x15] =	wrdreg s15  }
0xf: {  	s6 =	sadd.s32 $0x61A00, s0;
	s7 =	sadd.s32 $0x1A00, s0;
	[dreg:$0x16] =	wrdreg s16  }
0x10: {  	s5 =	sshll.u32 s4, $0x4;
	s4 =	ssub.s32 $0x2, s4;
	[dreg:$0x17] =	wrdreg s17  }
0x11: {  	[dreg:$0x18] =	wrdreg s18;
	s23 =	simm.s32 $0xB100;
	s24 =	simm.s32 $0xB900  }
0x12: {  	s25 =	simm.s32 $0xC900;
	s26 =	simm.s32 $0xD100;
	s9 =	simm.s32 $0x1  }
0x13: {  	s10 =	simm.s32 $0x2;
	s13 =	simm.s32 $0xE900;
	s14 =	simm.s32 $0xF100  }
0x14: {  	s15 =	simm.s32 $0xF900;
	s16 =	simm.s32 $0x10100;
	[dreg:$0x1c] =	wrdreg s23  }
0x15: {  	s17 =	simm.s32 $0x10900;
	s18 =	simm.s32 $0x11100;
	[dreg:$0x1d] =	wrdreg s24  }
0x16: {  	s3 =	sor.u32 s5, s19;
	s19 =	sshrl.u32 s4, $0x1;
	[dreg:$0x1e] =	wrdreg s25  }
0x17: {  	[dreg:$0x1f] =	wrdreg s26;
	s23 =	simm.s32 $0x13900;
	s24 =	simm.s32 $0x14100  }
0x18: {  	s25 =	simm.s32 $0x14900;
	s5 =	sadd.s32 s6, s3;
	s8 =	sor.u32 $0x8, s3  }
0x19: {  	s26 =	simm.s32 $0x15100;
	[dreg:$0x2] =	wrdreg s5;
	s20 =	sadd.s32 s6, s8  }
0x1a: {  	s3 =	smul.u32 $0x300, s3;
	s5 =	simm.s32 $0x2900;
	[dreg:$0x3] =	wrdreg s20  }
0x1b: {  	s21 =	smul.u32 $0x300, s8;
	s6 =	simm.s32 $0x3100;
	[dreg:$0xb] =	wrdreg s5  }
0x1c: {  	s8 =	simm.s32 $0x4100;
	s3 =	sadd.s32 s7, s3;
	[dreg:$0xc] =	wrdreg s6  }
0x1d: {  	[dreg:$0xe] =	wrdreg s8;
	s20 =	simm.s32 $0x9900;
	s6 =	ssub.s32 s4, s19  }
0x1e: {  	s4 =	sadd.s32 $0x61D00, s0;
	s5 =	sadd.s32 $0x61E00, s0;
	s8 =	simm.s32 $0xC100  }
0x1f: {  	s19 =	simm.s32 $0x11900;
	[dreg:$0x4] =	wrdreg s3;
	s22 =	sadd.s32 s7, s21  }
0x20: {  	s7 =	simm.s32 $0x3900;
	s3 =	sadd.s32 $0x61C00, s0;
	[dreg:$0x19] =	wrdreg s20  }
0x21: {  	s21 =	simm.s32 $0xA100;
	s6 =	smax.u32 s6, $0x1;
	[dreg:$0x5] =	wrdreg s22  }
0x22: {  	v2 =	vlaneseq.u32;
	s20 =	simm.s32 $0x12100;
	s0 =	simm.s32 $0x17900;
	[dreg:$0xd] =	wrdreg s7  }
0x23: {  	vm0 =	vmmov $0xffff;
	v1 =	vshrl.u32 v2, $0x3;
	[dreg:$0x1a] =	wrdreg s21;
	s22 =	simm.s32 $0xA900;
	s7 =	simm.s32 $0x100  }
0x24: {  	v0 =	vand.u32 $0x7, v2;
	v2 =	vor.u32 $0x8, v2;
	v1 =	vmul.u32 $0x8, v1;
	s21 =	simm.s32 $0x12900;
	[dreg:$0x1b] =	wrdreg s22;
	s22 =	simm.s32 $0x13100  }
.LBB2_1:
0x25: {  	s1 =	rddreg [dreg:$0x2]  }
0x26: {  	s11 =	rddreg [dreg:$0x3]  }
0x27: {  	[tilespmem:s2], [sflag:$0x1] =	stream.linear.gather [hbm4b:s1+s2], $0x40, $0x38;
	[tilespmem:$0x18100] =	vst v63  }
0x28: {  	s12 =	rddreg [dreg:$0x6]  }
0x29: {  	[tilespmem:s12], [sflag:$0x2] =	stream.linear.gather [hbm4b:s11+s2], $0x40, $0x38;
	[tilespmem:$0x18100] =	vst v63  }
0x2a: {  	s1 =	rddreg [dreg:$0x4]  }
0x2b: {  	[tilespmem:s7], [sflag:$0x1] =	stream.linear.gather [hbm4b:s1+s2], $0xC000, $0x38;
	[tilespmem:$0x18100] =	vst v63  }
0x2c: {  	s12 =	rddreg [dreg:$0x5]  }
0x2d: {  	[tilespmem:s8], [sflag:$0x2] =	stream.linear.gather [hbm4b:s12+s2], $0xC000, $0x38;
	[tilespmem:$0x18100] =	vst v63  }
0x2e: {  	_ =	swait.ge [sflag:s9], $0x40  }
0x2f: {  	[sflag:s9] =	ssyncset.done $0x0  }
0x30: {  	[sflag:s9] =	ssyncadd.s32 $0xFFFFFFC0  }
0x31: {  	_ =	swait.ge [sflag:s9], $0xC000  }
0x32: {  	[sflag:s9] =	ssyncset.done $0x0  }
0x33: {  	[sflag:s9] =	ssyncadd.s32 $0xFFFF4000  }
0x34: {  	v3 =	vld [tilespmem:$0x0];
	_ =	sdelay $0x4  }
0x35: {  	v4 =	vshrl.u32 v3, $0x3  }
0x36: {  	v4 =	vmul.u32 $0x30, v4  }
0x37: {  	v3 =	vand.u32 $0x7, v3  }
0x38: {  	v3 =	vor.u32 v3, v4  }
0x39: {  	v4 =	vperm.xlane v3, v0;
	_ =	sdelay $0x1  }
0x3a: {  	v4 =	vadd.s32 v1, v4;
	_ =	sdelay $0x3  }
0x3b: {  	v3 =	vperm.xlane v3, v2  }
0x3c: {  	[hbm4b:s3+s2] =	stream.indirect_vreg.scatter [tilespmem:s7], [sflag:$0x1], $0x80, v4, vm0, $0xb8;
	[tilespmem:$0x18100] =	vst v63  }
0x3d: {  	s12 =	rddreg [dreg:$0x7];
	v3 =	vadd.s32 v1, v3  }
0x3e: {  	[hbm4b:s4+s2] =	stream.indirect_vreg.scatter [tilespmem:s12], [sflag:$0x1], $0x80, v4, vm0, $0xb8;
	[tilespmem:$0x18100] =	vst v63  }
0x3f: {  	s11 =	rddreg [dreg:$0x8]  }
0x40: {  	[hbm4b:s5+s2] =	stream.indirect_vreg.scatter [tilespmem:s11], [sflag:$0x1], $0x80, v4, vm0, $0xb8;
	[tilespmem:$0x18100] =	vst v63  }
0x41: {  	s12 =	rddreg [dreg:$0x9]  }
0x42: {  	[hbm4b:s3+s2] =	stream.indirect_vreg.scatter [tilespmem:s12], [sflag:$0x1], $0x80, v3, vm0, $0xb8;
	[tilespmem:$0x18100] =	vst v63  }
0x43: {  	s11 =	rddreg [dreg:$0xa]  }
0x44: {  	[hbm4b:s4+s2] =	stream.indirect_vreg.scatter [tilespmem:s11], [sflag:$0x1], $0x80, v3, vm0, $0xb8;
	[tilespmem:$0x18100] =	vst v63  }
0x45: {  	s12 =	rddreg [dreg:$0xb]  }
0x46: {  	[hbm4b:s5+s2] =	stream.indirect_vreg.scatter [tilespmem:s12], [sflag:$0x1], $0x80, v3, vm0, $0xb8;
	[tilespmem:$0x18100] =	vst v63  }
0x47: {  	v3 =	vld [tilespmem:$0x10];
	_ =	sdelay $0x4  }
0x48: {  	v57 =	vshrl.u32 v3, $0x3  }
0x49: {  	v4 =	vmul.u32 $0x30, v57  }
0x4a: {  	v3 =	vand.u32 $0x7, v3  }
0x4b: {  	v3 =	vor.u32 v3, v4  }
0x4c: {  	v4 =	vperm.xlane v3, v0;
	_ =	sdelay $0x1  }
0x4d: {  	v4 =	vadd.s32 v1, v4;
	_ =	sdelay $0x3  }
0x4e: {  	s11 =	rddreg [dreg:$0xc];
	v3 =	vperm.xlane v3, v2  }
0x4f: {  	[hbm4b:s3+s2] =	stream.indirect_vreg.scatter [tilespmem:s11], [sflag:$0x1], $0x80, v4, vm0, $0xb8;
	[tilespmem:$0x18100] =	vst v63  }
0x50: {  	s12 =	rddreg [dreg:$0xd];
	v3 =	vadd.s32 v1, v3  }
0x51: {  	[hbm4b:s4+s2] =	stream.indirect_vreg.scatter [tilespmem:s12], [sflag:$0x1], $0x80, v4, vm0, $0xb8;
	[tilespmem:$0x18100] =	vst v63  }
0x52: {  	s1 =	rddreg [dreg:$0xe]  }
0x53: {  	[hbm4b:s5+s2] =	stream.indirect_vreg.scatter [tilespmem:s1], [sflag:$0x1], $0x80, v4, vm0, $0xb8;
	[tilespmem:$0x18100] =	vst v63  }
0x54: {  	s12 =	rddreg [dreg:$0xf]  }
0x55: {  	[hbm4b:s3+s2] =	stream.indirect_vreg.scatter [tilespmem:s12], [sflag:$0x1], $0x80, v3, vm0, $0xb8;
	[tilespmem:$0x18100] =	vst v63  }
0x56: {  	s1 =	rddreg [dreg:$0x10]  }
0x57: {  	[hbm4b:s4+s2] =	stream.indirect_vreg.scatter [tilespmem:s1], [sflag:$0x1], $0x80, v3, vm0, $0xb8;
	[tilespmem:$0x18100] =	vst v63  }
0x58: {  	s12 =	rddreg [dreg:$0x11]  }
0x59: {  	[hbm4b:s5+s2] =	stream.indirect_vreg.scatter [tilespmem:s12], [sflag:$0x1], $0x80, v3, vm0, $0xb8;
	[tilespmem:$0x18100] =	vst v63  }
0x5a: {  	v3 =	vld [tilespmem:$0x20];
	_ =	sdelay $0x4  }
0x5b: {  	v58 =	vshrl.u32 v3, $0x3  }
0x5c: {  	v4 =	vmul.u32 $0x30, v58  }
0x5d: {  	v3 =	vand.u32 $0x7, v3  }
0x5e: {  	v3 =	vor.u32 v3, v4  }
0x5f: {  	v4 =	vperm.xlane v3, v0;
	_ =	sdelay $0x1  }
0x60: {  	v4 =	vadd.s32 v1, v4;
	_ =	sdelay $0x3  }
0x61: {  	s11 =	rddreg [dreg:$0x12];
	v3 =	vperm.xlane v3, v2  }
0x62: {  	[hbm4b:s3+s2] =	stream.indirect_vreg.scatter [tilespmem:s11], [sflag:$0x1], $0x80, v4, vm0, $0xb8;
	[tilespmem:$0x18100] =	vst v63  }
0x63: {  	s12 =	rddreg [dreg:$0x13];
	v3 =	vadd.s32 v1, v3  }
0x64: {  	[hbm4b:s4+s2] =	stream.indirect_vreg.scatter [tilespmem:s12], [sflag:$0x1], $0x80, v4, vm0, $0xb8;
	[tilespmem:$0x18100] =	vst v63  }
0x65: {  	s1 =	rddreg [dreg:$0x14]  }
0x66: {  	[hbm4b:s5+s2] =	stream.indirect_vreg.scatter [tilespmem:s1], [sflag:$0x1], $0x80, v4, vm0, $0xb8;
	[tilespmem:$0x18100] =	vst v63  }
0x67: {  	s12 =	rddreg [dreg:$0x15]  }
0x68: {  	[hbm4b:s3+s2] =	stream.indirect_vreg.scatter [tilespmem:s12], [sflag:$0x1], $0x80, v3, vm0, $0xb8;
	[tilespmem:$0x18100] =	vst v63  }
0x69: {  	s1 =	rddreg [dreg:$0x16]  }
0x6a: {  	[hbm4b:s4+s2] =	stream.indirect_vreg.scatter [tilespmem:s1], [sflag:$0x1], $0x80, v3, vm0, $0xb8;
	[tilespmem:$0x18100] =	vst v63  }
0x6b: {  	s12 =	rddreg [dreg:$0x17]  }
0x6c: {  	[hbm4b:s5+s2] =	stream.indirect_vreg.scatter [tilespmem:s12], [sflag:$0x1], $0x80, v3, vm0, $0xb8;
	[tilespmem:$0x18100] =	vst v63  }
0x6d: {  	v3 =	vld [tilespmem:$0x30];
	_ =	sdelay $0x4  }
0x6e: {  	v59 =	vshrl.u32 v3, $0x3  }
0x6f: {  	v4 =	vmul.u32 $0x30, v59  }
0x70: {  	v3 =	vand.u32 $0x7, v3  }
0x71: {  	v3 =	vor.u32 v3, v4  }
0x72: {  	v4 =	vperm.xlane v3, v0;
	_ =	sdelay $0x1  }
0x73: {  	v4 =	vadd.s32 v1, v4;
	_ =	sdelay $0x3  }
0x74: {  	s11 =	rddreg [dreg:$0x18];
	v3 =	vperm.xlane v3, v2  }
0x75: {  	[hbm4b:s3+s2] =	stream.indirect_vreg.scatter [tilespmem:s11], [sflag:$0x1], $0x80, v4, vm0, $0xb8;
	[tilespmem:$0x18100] =	vst v63  }
0x76: {  	s12 =	rddreg [dreg:$0x19];
	v3 =	vadd.s32 v1, v3  }
0x77: {  	[hbm4b:s4+s2] =	stream.indirect_vreg.scatter [tilespmem:s12], [sflag:$0x1], $0x80, v4, vm0, $0xb8;
	[tilespmem:$0x18100] =	vst v63  }
0x78: {  	s1 =	rddreg [dreg:$0x1a]  }
0x79: {  	[hbm4b:s5+s2] =	stream.indirect_vreg.scatter [tilespmem:s1], [sflag:$0x1], $0x80, v4, vm0, $0xb8;
	[tilespmem:$0x18100] =	vst v63  }
0x7a: {  	s12 =	rddreg [dreg:$0x1b]  }
0x7b: {  	[hbm4b:s3+s2] =	stream.indirect_vreg.scatter [tilespmem:s12], [sflag:$0x1], $0x80, v3, vm0, $0xb8;
	[tilespmem:$0x18100] =	vst v63  }
0x7c: {  	s1 =	rddreg [dreg:$0x1c]  }
0x7d: {  	[hbm4b:s4+s2] =	stream.indirect_vreg.scatter [tilespmem:s1], [sflag:$0x1], $0x80, v3, vm0, $0xb8;
	[tilespmem:$0x18100] =	vst v63  }
0x7e: {  	s12 =	rddreg [dreg:$0x1d]  }
0x7f: {  	[hbm4b:s5+s2] =	stream.indirect_vreg.scatter [tilespmem:s12], [sflag:$0x1], $0x80, v3, vm0, $0xb8;
	[tilespmem:$0x18100] =	vst v63  }
0x80: {  	_ =	swait.ge [sflag:s10], $0x40  }
0x81: {  	[sflag:s10] =	ssyncset.done $0x0  }
0x82: {  	[sflag:s10] =	ssyncadd.s32 $0xFFFFFFC0  }
0x83: {  	_ =	swait.ge [sflag:s10], $0xC000  }
0x84: {  	[sflag:s10] =	ssyncset.done $0x0  }
0x85: {  	[sflag:s10] =	ssyncadd.s32 $0xFFFF4000  }
0x86: {  	v3 =	vld [tilespmem:$0x80];
	_ =	sdelay $0x4  }
0x87: {  	v60 =	vshrl.u32 v3, $0x3  }
0x88: {  	v4 =	vmul.u32 $0x30, v60  }
0x89: {  	v3 =	vand.u32 $0x7, v3  }
0x8a: {  	v3 =	vor.u32 v3, v4  }
0x8b: {  	v4 =	vperm.xlane v3, v0;
	_ =	sdelay $0x1  }
0x8c: {  	v4 =	vadd.s32 v1, v4;
	_ =	sdelay $0x3  }
0x8d: {  	v3 =	vperm.xlane v3, v2  }
0x8e: {  	[hbm4b:s3+s2] =	stream.indirect_vreg.scatter [tilespmem:s8], [sflag:$0x2], $0x80, v4, vm0, $0xb8;
	[tilespmem:$0x18100] =	vst v63  }
0x8f: {  	s11 =	rddreg [dreg:$0x1e];
	v3 =	vadd.s32 v1, v3  }
0x90: {  	[hbm4b:s4+s2] =	stream.indirect_vreg.scatter [tilespmem:s11], [sflag:$0x2], $0x80, v4, vm0, $0xb8;
	[tilespmem:$0x18100] =	vst v63  }
0x91: {  	s12 =	rddreg [dreg:$0x1f]  }
0x92: {  	[hbm4b:s5+s2] =	stream.indirect_vreg.scatter [tilespmem:s12], [sflag:$0x2], $0x80, v4, vm0, $0xb8;
	[tilespmem:$0x18100] =	vst v63  }
0x93: {  	s11 =	simm.s32 $0xD900  }
0x94: {  	[hbm4b:s3+s2] =	stream.indirect_vreg.scatter [tilespmem:s11], [sflag:$0x2], $0x80, v3, vm0, $0xb8;
	[tilespmem:$0x18100] =	vst v63  }
0x95: {  	s12 =	simm.s32 $0xE100  }
0x96: {  	[hbm4b:s4+s2] =	stream.indirect_vreg.scatter [tilespmem:s12], [sflag:$0x2], $0x80, v3, vm0, $0xb8;
	[tilespmem:$0x18100] =	vst v63  }
0x97: {  	_ = 	snop  }
0x98: {  	[hbm4b:s5+s2] =	stream.indirect_vreg.scatter [tilespmem:s13], [sflag:$0x2], $0x80, v3, vm0, $0xb8;
	[tilespmem:$0x18100] =	vst v63  }
0x99: {  	v3 =	vld [tilespmem:$0x90];
	_ =	sdelay $0x4  }
0x9a: {  	v61 =	vshrl.u32 v3, $0x3  }
0x9b: {  	v4 =	vmul.u32 $0x30, v61  }
0x9c: {  	v3 =	vand.u32 $0x7, v3  }
0x9d: {  	v3 =	vor.u32 v3, v4  }
0x9e: {  	v4 =	vperm.xlane v3, v0;
	_ =	sdelay $0x1  }
0x9f: {  	v4 =	vadd.s32 v1, v4;
	_ =	sdelay $0x3  }
0xa0: {  	v3 =	vperm.xlane v3, v2  }
0xa1: {  	[hbm4b:s3+s2] =	stream.indirect_vreg.scatter [tilespmem:s14], [sflag:$0x2], $0x80, v4, vm0, $0xb8;
	[tilespmem:$0x18100] =	vst v63  }
0xa2: {  	v3 =	vadd.s32 v1, v3  }
0xa3: {  	[hbm4b:s4+s2] =	stream.indirect_vreg.scatter [tilespmem:s15], [sflag:$0x2], $0x80, v4, vm0, $0xb8;
	[tilespmem:$0x18100] =	vst v63  }
0xa4: {  	_ = 	snop  }
0xa5: {  	[hbm4b:s5+s2] =	stream.indirect_vreg.scatter [tilespmem:s16], [sflag:$0x2], $0x80, v4, vm0, $0xb8;
	[tilespmem:$0x18100] =	vst v63  }
0xa6: {  	_ = 	snop  }
0xa7: {  	[hbm4b:s3+s2] =	stream.indirect_vreg.scatter [tilespmem:s17], [sflag:$0x2], $0x80, v3, vm0, $0xb8;
	[tilespmem:$0x18100] =	vst v63  }
0xa8: {  	_ = 	snop  }
0xa9: {  	[hbm4b:s4+s2] =	stream.indirect_vreg.scatter [tilespmem:s18], [sflag:$0x2], $0x80, v3, vm0, $0xb8;
	[tilespmem:$0x18100] =	vst v63  }
0xaa: {  	_ = 	snop  }
0xab: {  	[hbm4b:s5+s2] =	stream.indirect_vreg.scatter [tilespmem:s19], [sflag:$0x2], $0x80, v3, vm0, $0xb8;
	[tilespmem:$0x18100] =	vst v63  }
0xac: {  	v3 =	vld [tilespmem:$0xA0];
	_ =	sdelay $0x4  }
0xad: {  	v62 =	vshrl.u32 v3, $0x3  }
0xae: {  	v4 =	vmul.u32 $0x30, v62  }
0xaf: {  	v3 =	vand.u32 $0x7, v3  }
0xb0: {  	v3 =	vor.u32 v3, v4  }
0xb1: {  	v4 =	vperm.xlane v3, v0;
	_ =	sdelay $0x1  }
0xb2: {  	v4 =	vadd.s32 v1, v4;
	_ =	sdelay $0x3  }
0xb3: {  	v3 =	vperm.xlane v3, v2  }
0xb4: {  	[hbm4b:s3+s2] =	stream.indirect_vreg.scatter [tilespmem:s20], [sflag:$0x2], $0x80, v4, vm0, $0xb8;
	[tilespmem:$0x18100] =	vst v63  }
0xb5: {  	v3 =	vadd.s32 v1, v3  }
0xb6: {  	[hbm4b:s4+s2] =	stream.indirect_vreg.scatter [tilespmem:s21], [sflag:$0x2], $0x80, v4, vm0, $0xb8;
	[tilespmem:$0x18100] =	vst v63  }
0xb7: {  	_ = 	snop  }
0xb8: {  	[hbm4b:s5+s2] =	stream.indirect_vreg.scatter [tilespmem:s22], [sflag:$0x2], $0x80, v4, vm0, $0xb8;
	[tilespmem:$0x18100] =	vst v63  }
0xb9: {  	_ = 	snop  }
0xba: {  	[hbm4b:s3+s2] =	stream.indirect_vreg.scatter [tilespmem:s23], [sflag:$0x2], $0x80, v3, vm0, $0xb8;
	[tilespmem:$0x18100] =	vst v63  }
0xbb: {  	_ = 	snop  }
0xbc: {  	[hbm4b:s4+s2] =	stream.indirect_vreg.scatter [tilespmem:s24], [sflag:$0x2], $0x80, v3, vm0, $0xb8;
	[tilespmem:$0x18100] =	vst v63  }
0xbd: {  	_ = 	snop  }
0xbe: {  	[hbm4b:s5+s2] =	stream.indirect_vreg.scatter [tilespmem:s25], [sflag:$0x2], $0x80, v3, vm0, $0xb8;
	[tilespmem:$0x18100] =	vst v63  }
0xbf: {  	v3 =	vld [tilespmem:$0xB0];
	_ =	sdelay $0x4  }
0xc0: {  	v63 =	vshrl.u32 v3, $0x3  }
0xc1: {  	v4 =	vmul.u32 $0x30, v63  }
0xc2: {  	v3 =	vand.u32 $0x7, v3  }
0xc3: {  	v3 =	vor.u32 v3, v4  }
0xc4: {  	v4 =	vperm.xlane v3, v0;
	_ =	sdelay $0x1  }
0xc5: {  	v4 =	vadd.s32 v1, v4;
	_ =	sdelay $0x3  }
0xc6: {  	v3 =	vperm.xlane v3, v2  }
0xc7: {  	[hbm4b:s3+s2] =	stream.indirect_vreg.scatter [tilespmem:s26], [sflag:$0x2], $0x80, v4, vm0, $0xb8;
	[tilespmem:$0x18100] =	vst v63  }
0xc8: {  	v3 =	vadd.s32 v1, v3  }
0xc9: {  	[hbm4b:s4+s2] =	stream.indirect_vreg.scatter [tilespmem:s28], [sflag:$0x2], $0x80, v4, vm0, $0xb8;
	[tilespmem:$0x18100] =	vst v63  }
0xca: {  	_ = 	snop  }
0xcb: {  	[hbm4b:s5+s2] =	stream.indirect_vreg.scatter [tilespmem:s29], [sflag:$0x2], $0x80, v4, vm0, $0xb8;
	[tilespmem:$0x18100] =	vst v63  }
0xcc: {  	_ = 	snop  }
0xcd: {  	[hbm4b:s3+s2] =	stream.indirect_vreg.scatter [tilespmem:s30], [sflag:$0x2], $0x80, v3, vm0, $0xb8;
	[tilespmem:$0x18100] =	vst v63  }
0xce: {  	_ = 	snop  }
0xcf: {  	[hbm4b:s4+s2] =	stream.indirect_vreg.scatter [tilespmem:s31], [sflag:$0x2], $0x80, v3, vm0, $0xb8;
	[tilespmem:$0x18100] =	vst v63  }
0xd0: {  	_ = 	snop  }
0xd1: {  	[hbm4b:s5+s2] =	stream.indirect_vreg.scatter [tilespmem:s0], [sflag:$0x2], $0x80, v3, vm0, $0xb8;
	[tilespmem:$0x18100] =	vst v63  }
0xd2: {  	p0 =	sne.s32 s6, $0x1;
	_ =	swait.ge [sflag:s9], $0xC000  }
.Ltmp0:
0xd3: {  	[sflag:s9] =	ssyncset.done $0x0;
	(pc) =	sbr.rel @p0 .LBB2_1-.Ltmp0, $4  }
0xd4: {  	[sflag:s9] =	ssyncadd.s32 $0xFFFF4000  }
0xd5: {  	_ =	swait.ge [sflag:s10], $0xC000  }
0xd6: {  	[sflag:s10] =	ssyncset.done $0x0  }
0xd7: {  	s6 =	sadd.s32 $0xFFFFFFFF, s6;
	[sflag:s10] =	ssyncadd.s32 $0xFFFF4000  }
0xd8: {  	_ =	sfence.sel $0x180000  }
0xd9: {  	[bflag:$0x0] =	sbarrier.arrive $0xFFFF  }
0xda: {  	_ =	strace $0x90000047  }
0xdb: {  	s0 =	stileid.u32;
	[bflag:$0x2] =	sbarrier.arrive $0xFFFF  }
0xdc: {  	p0 =	sne.s32 s0, $0x0;
	s0 =	rddreg [dreg:$0x1]  }
0xdd: {  	s0 =	sadd.s32 @!p0 $0x100000, s0  }
0xde: {  	[sflag:s0] =	ssyncadd.tile.s32 @!p0 $0x1;
	_ =	shalt  }
.Lfunc_end2:
_tile_overlayer_lowered:
.L_overlay_start_2:
0xdf: {  	(tag) =	ssettag $0x2  }
0xe0: {  	s0 =	rddreg [dreg:$0x0];
	s2 =	stileid.u32  }
0xe1: {  	s1 =	rddreg [dreg:$0x1];
	p0 =	sne.s32 s2, $0x0  }
0xe2: {  	s3 =	rddreg [dreg:$0x2];
	[bflag:$0x3] =	sbarrier.arrive $0xFFFF;
	s2 =	simm.s32 @!p0 $0x1C03  }
0xe3: {  	[timem:s3], [sflag:s2] =	dma.local @!p0 [hbm:s0], s1  }
0xe4: {  	s0 =	simm.s32 @!p0 $0x3  }
0xe5: {  	_ =	swait.ge @!p0 [sflag:s0], s1  }
0xe6: {  	s1 =	ssub.s32 @!p0 $0x0, s1;
	[sflag:s0] =	ssyncset.done @!p0 $0x0  }
0xe7: {  	[sflag:s0] =	ssyncadd.s32 @!p0 s1  }
0xe8: {  	[bflag:$0x3] =	sbarrier.arrive $0xFFFF  }
0xe9: {  	_ =	shalt  }

</sc_bundles>
